<compile_context>
chip_gen: v7x
topology: tpu7x:2x2x1
jax: 0.10.2.dev20260603
libtpu: 0.0.44.dev20260713+nightly
codegen_flags: <defaults>
</compile_context>

<pallas_src>
import functools

import jax
import jax.numpy as jnp
from jax import lax
from jax.experimental import pallas as pl
from jax.experimental.pallas import tpu as pltpu
from jax.experimental.pallas import tpu_sc as plsc

NC, NS, L = 2, 16, 16
NW = NC * NS

VECTORS, SUBDIM, CENTROIDS, CHUNK = 100000, 100, 256, 3
DIM = SUBDIM * CHUNK
ROW_I32 = 128
KSTRIDE = CENTROIDS + 1
SSTRIDE = KSTRIDE * CHUNK
CODES_PAD = 77104
NBLK = (SUBDIM + L - 1) // L

N_TOTAL = 4096 * 50
PER_W = N_TOTAL // NW
CHUNK_W = 32
NCHUNK = PER_W // CHUNK_W


def _sc_body(
    ids_hbm, tbl_hbm, codes_hbm, out_hbm,
    codes_v, ids_v, rows_v0, rows_v1, out_v0, out_v1,
    sem_r0, sem_r1, sem_o0, sem_o1,
):
    wid = lax.axis_index("s") * NC + lax.axis_index("c")
    base = wid * PER_W
    pltpu.sync_copy(codes_hbm, codes_v)
    pltpu.sync_copy(ids_hbm.at[pl.ds(wid * NCHUNK, NCHUNK)], ids_v)

    lanes = lax.iota(jnp.int32, L)
    sem_r = (sem_r0, sem_r1)
    sem_o = (sem_o0, sem_o1)
    rows_v = (rows_v0, rows_v1)
    out_v = (out_v0, out_v1)

    def row_copy(c, b):
        return pltpu.make_async_copy(tbl_hbm.at[ids_v.at[c]], rows_v[b], sem_r[b])

    def out_copy(c, b):
        return pltpu.make_async_copy(
            out_v[b].at[pl.ds(0, CHUNK_W * DIM)],
            out_hbm.at[pl.ds((base + c * CHUNK_W) * DIM, CHUNK_W * DIM)],
            sem_o[b],
        )

    row_copy(0, 0).start()

    def outer_body(co, carry):
        for b in range(2):
            c = 2 * co + b
            row_copy(c, b).wait()

            @pl.when(c < NCHUNK - 1)
            def _():
                row_copy(c + 1, 1 - b).start()

            @pl.when(co > 0)
            def _():
                out_copy(c - 2, b).wait()

            @plsc.parallel_loop(0, CHUNK_W, 1, unroll=2)
            def word_body(w):
                for blk in range(NBLK):
                    k16 = rows_v[b][w, pl.ds(L * blk, L)]
                    mask = (
                        (lanes < (SUBDIM - L * blk))
                        if (L * blk + L > SUBDIM)
                        else None
                    )
                    addr = (lanes + L * blk) * SSTRIDE + k16 * CHUNK
                    obase = w * DIM + (L * blk + lanes) * CHUNK
                    for j in range(CHUNK):
                        vals = plsc.load_gather(codes_v, [addr + j], mask=mask)
                        plsc.store_scatter(out_v[b], [obase + j], vals, mask=mask)
            out_copy(c, b).start()
        return carry

    lax.fori_loop(0, NCHUNK // 2, outer_body, 0)
    for b in range(2):
        out_copy(NCHUNK - 2 + b, b).wait()


_mesh = plsc.VectorSubcoreMesh(
    core_axis_name="c", subcore_axis_name="s", num_cores=NC, num_subcores=NS
)

_sc_call = functools.partial(
    pl.kernel,
    out_type=jax.ShapeDtypeStruct((N_TOTAL * DIM,), jnp.float32),
    mesh=_mesh,
    compiler_params=pltpu.CompilerParams(needs_layout_passes=False),
    scratch_types=[
        pltpu.VMEM((CODES_PAD,), jnp.float32),
        pltpu.VMEM((NCHUNK, CHUNK_W), jnp.int32),
        pltpu.VMEM((CHUNK_W, ROW_I32), jnp.int32),
        pltpu.VMEM((CHUNK_W, ROW_I32), jnp.int32),
        pltpu.VMEM((CHUNK_W * DIM + 48,), jnp.float32),
        pltpu.VMEM((CHUNK_W * DIM + 48,), jnp.float32),
        pltpu.SemaphoreType.DMA,
        pltpu.SemaphoreType.DMA,
        pltpu.SemaphoreType.DMA,
        pltpu.SemaphoreType.DMA,
    ],
)(_sc_body)


@jax.jit
def kernel(input, indexes, codes):
    ids = input.reshape(N_TOTAL // CHUNK_W, CHUNK_W)
    tbl = jnp.pad(indexes.astype(jnp.int32), ((0, 1), (0, ROW_I32 - SUBDIM)))
    tbl = tbl.at[VECTORS, :].set(CENTROIDS)
    codes_ext = jnp.pad(codes, ((0, 0), (0, 1), (0, 0))).reshape(-1)
    codes_ext = jnp.pad(codes_ext, (0, CODES_PAD - SUBDIM * SSTRIDE))
    out = _sc_call(ids, tbl, codes_ext)
    return out.reshape(input.shape + (DIM,))

# --- scband reference (transcript-rebuilt; emitter-appended) ---
"""Pipeline reference for scband-navec-embedding-8306466751054 (READ-ONLY COPY).

The authoritative reference and input builder live on the scoring server;
editing this copy changes nothing except your own understanding.
"""

import jax, jax.numpy as jnp
import numpy as np

VECTORS, SUBDIM, CENTROIDS, CHUNK = 100000, 100, 256, 3
BATCH, HIST = 4096, 50


def setup_inputs(seed: int = 0):
    key = jax.random.key(seed)
    k1, k2, k3 = jax.random.split(key, 3)
    # input ids in [0, VECTORS]; value == VECTORS is the pad id
    input = jax.random.randint(k1, (BATCH, HIST), 0, VECTORS + 1, dtype=jnp.int32)
    # learned PQ parameters (constructor args in the torch module)
    indexes = jax.random.randint(k2, (VECTORS, SUBDIM), 0, CENTROIDS, dtype=jnp.int32).astype(jnp.uint8)
    codes = jax.random.normal(k3, (SUBDIM, CENTROIDS, CHUNK), dtype=jnp.float32)
    return {"input": input, "indexes": indexes, "codes": codes}


def reference(input, indexes, codes):
    subdim, centroids, chunk = codes.shape
    vectors = indexes.shape[0]
    dim = subdim * chunk
    pad_id = vectors
    # torch module transposes codes to [centroids, subdim, chunk] in __init__
    codes_t = jnp.transpose(codes, (1, 0, 2))
    shape = input.shape
    flat = input.reshape(-1)
    mask = flat == pad_id
    flat = jnp.where(mask, 0, flat)
    # gather per-word PQ code indices: [N, subdim]
    idx = jnp.take(indexes, flat, axis=0).astype(jnp.int32)
    # gather chunks: out[n, s, :] = codes_t[idx[n, s], s, :]
    out = codes_t[idx, jnp.arange(subdim)[None, :], :]
    out = out.reshape(-1, dim)
    # zero rows for pad ids (torch writes self.pad which is zeros)
    out = jnp.where(mask[:, None], 0.0, out)
    return out.reshape(shape + (dim,))

if __name__ == "__main__":
    import jax
    _d = setup_inputs()
    print(jax.jit(kernel)(*tuple(_d.values())))

</pallas_src>

<mosaic_0001>
#map = affine_map<(d0, d1) -> (0, 0)>
#map1 = affine_map<(d0, d1) -> (0)>
module attributes {stable_mosaic.version = 14 : i64} {
  func.func @_sc_body(%arg0: i32, %arg1: i32, %arg2: memref<6400x32xi32, #tpu.memory_space<hbm>>, %arg3: memref<100001x128xi32, #tpu.memory_space<hbm>>, %arg4: memref<77104xf32, #tpu.memory_space<hbm>>, %arg5: memref<61440000xf32, #tpu.memory_space<hbm>>, %arg6: memref<77104xf32, #tpu.memory_space<vmem>>, %arg7: memref<200x32xi32, #tpu.memory_space<vmem>>, %arg8: memref<32x128xi32, #tpu.memory_space<vmem>>, %arg9: memref<32x128xi32, #tpu.memory_space<vmem>>, %arg10: memref<9648xf32, #tpu.memory_space<vmem>>, %arg11: memref<9648xf32, #tpu.memory_space<vmem>>, %arg12: memref<!tpu.dma_semaphore, #tpu.memory_space<semaphore_mem>>, %arg13: memref<!tpu.dma_semaphore, #tpu.memory_space<semaphore_mem>>, %arg14: memref<!tpu.dma_semaphore, #tpu.memory_space<semaphore_mem>>, %arg15: memref<!tpu.dma_semaphore, #tpu.memory_space<semaphore_mem>>) attributes {dimension_semantics = [#tpu.dimension_semantics<core_parallel>, #tpu.dimension_semantics<subcore_parallel>], iteration_bounds = array<i64: 2, 16>, scalar_prefetch = 0 : i64, scratch_operands = 10 : i64, tpu.core_type = #tpu.core_type<sc_vector_subcore>, window_params = [{transform_indices = #map}, {transform_indices = #map}, {transform_indices = #map1}, {transform_indices = #map1}]} {
    %mul3A = arith.constant 2 : i32
    %mul3A_0 = arith.muli %arg1, %mul3A : i32
    %add3A = arith.addi %mul3A_0, %arg0 : i32
    %mul3A_1 = arith.constant 6400 : i32
    %mul3A_2 = arith.muli %add3A, %mul3A_1 : i32
    "tpu.region"() ({
      %run_scoped3A = tpu.sem_alloc : memref<!tpu.dma_semaphore, #tpu.memory_space<semaphore_mem>>
      tpu.enqueue_dma source(%arg4 : memref<77104xf32, #tpu.memory_space<hbm>>) target(%arg6 : memref<77104xf32, #tpu.memory_space<vmem>>) target_semaphore(%run_scoped3A : memref<!tpu.dma_semaphore, #tpu.memory_space<semaphore_mem>>)
      tpu.wait_dma2 semaphore(%run_scoped3A : memref<!tpu.dma_semaphore, #tpu.memory_space<semaphore_mem>>) src(%arg4 : memref<77104xf32, #tpu.memory_space<hbm>>) dst(%arg6 : memref<77104xf32, #tpu.memory_space<vmem>>)
      tpu.yield
    }) : () -> ()
    %mul3A_3 = arith.constant 200 : i32
    %mul3A_4 = arith.muli %add3A, %mul3A_3 : i32
    "tpu.region"() ({
      %run_scoped3A = tpu.sem_alloc : memref<!tpu.dma_semaphore, #tpu.memory_space<semaphore_mem>>
      %dma_start3A_35 = arith.constant 0 : i32
      %dma_start3A_36 = tpu.memref_slice %arg2[%mul3A_4, %dma_start3A_35] : memref<6400x32xi32, #tpu.memory_space<hbm>> -> memref<200x32xi32, #tpu.memory_space<hbm>>
      %dma_start3A_37 = arith.constant 0 : i32
      %dma_start3A_38 = tpu.memref_slice %arg2[%mul3A_4, %dma_start3A_37] : memref<6400x32xi32, #tpu.memory_space<hbm>> -> memref<200x32xi32, #tpu.memory_space<hbm>>
      tpu.enqueue_dma source(%dma_start3A_38 : memref<200x32xi32, #tpu.memory_space<hbm>>) target(%arg7 : memref<200x32xi32, #tpu.memory_space<vmem>>) target_semaphore(%run_scoped3A : memref<!tpu.dma_semaphore, #tpu.memory_space<semaphore_mem>>)
      %dma_wait3A_39 = arith.constant 0 : i32
      %dma_wait3A_40 = tpu.memref_slice %arg2[%mul3A_4, %dma_wait3A_39] : memref<6400x32xi32, #tpu.memory_space<hbm>> -> memref<200x32xi32, #tpu.memory_space<hbm>>
      %dma_wait3A_41 = arith.constant 0 : i32
      %dma_wait3A_42 = tpu.memref_slice %arg2[%mul3A_4, %dma_wait3A_41] : memref<6400x32xi32, #tpu.memory_space<hbm>> -> memref<200x32xi32, #tpu.memory_space<hbm>>
      tpu.wait_dma2 semaphore(%run_scoped3A : memref<!tpu.dma_semaphore, #tpu.memory_space<semaphore_mem>>) src(%dma_wait3A_42 : memref<200x32xi32, #tpu.memory_space<hbm>>) dst(%arg7 : memref<200x32xi32, #tpu.memory_space<vmem>>)
      tpu.yield
    }) : () -> ()
    %iota3A = tpu.iota {dimensions = array<i32: 0>} : vector<16xi32>
    %dma_start3A = arith.constant 0 : i32
    %dma_start3A_5 = arith.constant 0 : i32
    %dma_start3A_6 = tpu.memref_slice %arg7[%dma_start3A, %dma_start3A_5] : memref<200x32xi32, #tpu.memory_space<vmem>> -> memref<1x32xi32, #tpu.memory_space<vmem>>
    %dma_start3A_7 = tpu.memref_squeeze %dma_start3A_6 : memref<1x32xi32, #tpu.memory_space<vmem>> -> memref<32xi32, #tpu.memory_space<vmem>>
    %dma_start3A_8 = arith.constant 0 : i32
    %dma_start3A_9 = arith.constant 0 : i32
    %dma_start3A_10 = tpu.memref_slice %arg3[%dma_start3A_8, %dma_start3A_9] : memref<100001x128xi32, #tpu.memory_space<hbm>> -> memref<100001x128xi32, #tpu.memory_space<hbm>>
    tpu.enqueue_indirect_dma source(%dma_start3A_10 : memref<100001x128xi32, #tpu.memory_space<hbm>>) target(%arg8 : memref<32x128xi32, #tpu.memory_space<vmem>>) offsets(%dma_start3A_7 : memref<32xi32, #tpu.memory_space<vmem>>) semaphore(%arg12 : memref<!tpu.dma_semaphore, #tpu.memory_space<semaphore_mem>>)
    %scan3A = arith.constant 0 : i32
    %scan3A_11 = arith.constant 0 : i32
    %scan3A_12 = arith.constant 100 : i32
    %scan3A_13 = arith.addi %scan3A_11, %scan3A_12 : i32
    %scan3A_14 = arith.constant 1 : i32
    scf.for %scan3A_35 = %scan3A_11 to %scan3A_13 step %scan3A_14  : i32 {
      %mul3A_36 = arith.constant 2 : i32
      %mul3A_37 = arith.muli %mul3A_36, %scan3A_35 : i32
      %add3A_38 = arith.constant 0 : i32
      %add3A_39 = arith.addi %mul3A_37, %add3A_38 : i32
      %dma_wait3A_40 = arith.constant 0 : i32
      %dma_wait3A_41 = tpu.memref_slice %arg7[%add3A_39, %dma_wait3A_40] : memref<200x32xi32, #tpu.memory_space<vmem>> -> memref<1x32xi32, #tpu.memory_space<vmem>>
      %dma_wait3A_42 = tpu.memref_squeeze %dma_wait3A_41 : memref<1x32xi32, #tpu.memory_space<vmem>> -> memref<32xi32, #tpu.memory_space<vmem>>
      %dma_wait3A_43 = arith.constant 0 : i32
      %dma_wait3A_44 = arith.constant 0 : i32
      %dma_wait3A_45 = tpu.memref_slice %arg3[%dma_wait3A_43, %dma_wait3A_44] : memref<100001x128xi32, #tpu.memory_space<hbm>> -> memref<100001x128xi32, #tpu.memory_space<hbm>>
      tpu.wait_indirect_dma semaphore(%arg12 : memref<!tpu.dma_semaphore, #tpu.memory_space<semaphore_mem>>) src(%dma_wait3A_45 : memref<100001x128xi32, #tpu.memory_space<hbm>>) dst(%arg8 : memref<32x128xi32, #tpu.memory_space<vmem>>)
      %lt3A = arith.constant 199 : i32
      %lt3A_46 = arith.cmpi slt, %add3A_39, %lt3A : i32
      %convert_element_type3A = arith.extui %lt3A_46 : i1 to i32
      %cond3A = arith.constant 0 : i32
      %cond3A_47 = arith.cmpi ne, %convert_element_type3A, %cond3A : i32
      scf.if %cond3A_47 {
        %add3A_99 = arith.constant 1 : i32
        %add3A_100 = arith.addi %add3A_39, %add3A_99 : i32
        %dma_start3A_101 = arith.constant 0 : i32
        %dma_start3A_102 = tpu.memref_slice %arg7[%add3A_100, %dma_start3A_101] : memref<200x32xi32, #tpu.memory_space<vmem>> -> memref<1x32xi32, #tpu.memory_space<vmem>>
        %dma_start3A_103 = tpu.memref_squeeze %dma_start3A_102 : memref<1x32xi32, #tpu.memory_space<vmem>> -> memref<32xi32, #tpu.memory_space<vmem>>
        %dma_start3A_104 = arith.constant 0 : i32
        %dma_start3A_105 = arith.constant 0 : i32
        %dma_start3A_106 = tpu.memref_slice %arg3[%dma_start3A_104, %dma_start3A_105] : memref<100001x128xi32, #tpu.memory_space<hbm>> -> memref<100001x128xi32, #tpu.memory_space<hbm>>
        tpu.enqueue_indirect_dma source(%dma_start3A_106 : memref<100001x128xi32, #tpu.memory_space<hbm>>) target(%arg9 : memref<32x128xi32, #tpu.memory_space<vmem>>) offsets(%dma_start3A_103 : memref<32xi32, #tpu.memory_space<vmem>>) semaphore(%arg13 : memref<!tpu.dma_semaphore, #tpu.memory_space<semaphore_mem>>)
      } else {
      }
      %gt3A = arith.constant 0 : i32
      %gt3A_48 = arith.cmpi sgt, %scan3A_35, %gt3A : i32
      %convert_element_type3A_49 = arith.extui %gt3A_48 : i1 to i32
      %cond3A_50 = arith.constant 0 : i32
      %cond3A_51 = arith.cmpi ne, %convert_element_type3A_49, %cond3A_50 : i32
      scf.if %cond3A_51 {
        %sub3A = arith.constant 2 : i32
        %sub3A_99 = arith.subi %add3A_39, %sub3A : i32
        %mul3A_100 = arith.constant 32 : i32
        %mul3A_101 = arith.muli %sub3A_99, %mul3A_100 : i32
        %add3A_102 = arith.addi %mul3A_2, %mul3A_101 : i32
        %mul3A_103 = arith.constant 300 : i32
        %mul3A_104 = arith.muli %add3A_102, %mul3A_103 : i32
        %dma_wait3A_105 = arith.constant 0 : i32
        %dma_wait3A_106 = tpu.memref_slice %arg10[%dma_wait3A_105] : memref<9648xf32, #tpu.memory_space<vmem>> -> memref<9600xf32, #tpu.memory_space<vmem>>
        %dma_wait3A_107 = tpu.memref_slice %arg5[%mul3A_104] : memref<61440000xf32, #tpu.memory_space<hbm>> -> memref<9600xf32, #tpu.memory_space<hbm>>
        %dma_wait3A_108 = tpu.memref_slice %arg5[%mul3A_104] : memref<61440000xf32, #tpu.memory_space<hbm>> -> memref<9600xf32, #tpu.memory_space<hbm>>
        %dma_wait3A_109 = arith.constant 0 : i32
        %dma_wait3A_110 = tpu.memref_slice %arg10[%dma_wait3A_109] : memref<9648xf32, #tpu.memory_space<vmem>> -> memref<9600xf32, #tpu.memory_space<vmem>>
        tpu.wait_dma2 semaphore(%arg14 : memref<!tpu.dma_semaphore, #tpu.memory_space<semaphore_mem>>) src(%dma_wait3A_110 : memref<9600xf32, #tpu.memory_space<vmem>>) dst(%dma_wait3A_108 : memref<9600xf32, #tpu.memory_space<hbm>>)
      } else {
      }
      %parallel_loop3A = arith.constant 0 : i32
      %parallel_loop3A_52 = arith.constant 32 : i32
      %parallel_loop3A_53 = arith.constant 1 : i32
      scf.for %parallel_loop3A_99 = %parallel_loop3A to %parallel_loop3A_52 step %parallel_loop3A_53  : i32 {
        %parallel_loop3A_100 = arith.index_cast %parallel_loop3A_99 : i32 to index
        %parallel_loop3A_101 = arith.constant 0 : index
        %parallel_loop3A_102 = tpu.vector_load %arg8[%parallel_loop3A_100, %parallel_loop3A_101] {strides = array<i32>} : memref<32x128xi32, #tpu.memory_space<vmem>>, vector<16xi32>,
        %parallel_loop3A_103 = arith.constant 0 : i32
        %parallel_loop3A_104 = vector.broadcast %parallel_loop3A_103 : i32 to vector<16xi32>
        %parallel_loop3A_105 = arith.addi %iota3A, %parallel_loop3A_104 : vector<16xi32>
        %parallel_loop3A_106 = arith.constant 771 : i32
        %parallel_loop3A_107 = vector.broadcast %parallel_loop3A_106 : i32 to vector<16xi32>
        %parallel_loop3A_108 = arith.muli %parallel_loop3A_105, %parallel_loop3A_107 : vector<16xi32>
        %parallel_loop3A_109 = arith.constant 3 : i32
        %parallel_loop3A_110 = vector.broadcast %parallel_loop3A_109 : i32 to vector<16xi32>
        %parallel_loop3A_111 = arith.muli %parallel_loop3A_102, %parallel_loop3A_110 : vector<16xi32>
        %parallel_loop3A_112 = arith.addi %parallel_loop3A_108, %parallel_loop3A_111 : vector<16xi32>
        %parallel_loop3A_113 = arith.constant 300 : i32
        %parallel_loop3A_114 = arith.muli %parallel_loop3A_99, %parallel_loop3A_113 : i32
        %parallel_loop3A_115 = arith.constant 0 : i32
        %parallel_loop3A_116 = vector.broadcast %parallel_loop3A_115 : i32 to vector<16xi32>
        %parallel_loop3A_117 = arith.addi %parallel_loop3A_116, %iota3A : vector<16xi32>
        %parallel_loop3A_118 = arith.constant 3 : i32
        %parallel_loop3A_119 = vector.broadcast %parallel_loop3A_118 : i32 to vector<16xi32>
        %parallel_loop3A_120 = arith.muli %parallel_loop3A_117, %parallel_loop3A_119 : vector<16xi32>
        %parallel_loop3A_121 = vector.broadcast %parallel_loop3A_114 : i32 to vector<16xi32>
        %parallel_loop3A_122 = arith.addi %parallel_loop3A_121, %parallel_loop3A_120 : vector<16xi32>
        %parallel_loop3A_123 = arith.constant 0 : i32
        %parallel_loop3A_124 = vector.broadcast %parallel_loop3A_123 : i32 to vector<16xi32>
        %parallel_loop3A_125 = arith.addi %parallel_loop3A_112, %parallel_loop3A_124 : vector<16xi32>
        %parallel_loop3A_126 = tpu.vector_load_idx %arg6[%parallel_loop3A_125] : memref<77104xf32, #tpu.memory_space<vmem>>[vector<16xi32>], vector<16xf32>,
        %parallel_loop3A_127 = arith.constant 0 : i32
        %parallel_loop3A_128 = vector.broadcast %parallel_loop3A_127 : i32 to vector<16xi32>
        %parallel_loop3A_129 = arith.addi %parallel_loop3A_122, %parallel_loop3A_128 : vector<16xi32>
        tpu.vector_store_idx %arg10[%parallel_loop3A_129], %parallel_loop3A_126 : memref<9648xf32, #tpu.memory_space<vmem>>[vector<16xi32>], vector<16xf32>,
        %parallel_loop3A_130 = arith.constant 1 : i32
        %parallel_loop3A_131 = vector.broadcast %parallel_loop3A_130 : i32 to vector<16xi32>
        %parallel_loop3A_132 = arith.addi %parallel_loop3A_112, %parallel_loop3A_131 : vector<16xi32>
        %parallel_loop3A_133 = tpu.vector_load_idx %arg6[%parallel_loop3A_132] : memref<77104xf32, #tpu.memory_space<vmem>>[vector<16xi32>], vector<16xf32>,
        %parallel_loop3A_134 = arith.constant 1 : i32
        %parallel_loop3A_135 = vector.broadcast %parallel_loop3A_134 : i32 to vector<16xi32>
        %parallel_loop3A_136 = arith.addi %parallel_loop3A_122, %parallel_loop3A_135 : vector<16xi32>
        tpu.vector_store_idx %arg10[%parallel_loop3A_136], %parallel_loop3A_133 : memref<9648xf32, #tpu.memory_space<vmem>>[vector<16xi32>], vector<16xf32>,
        %parallel_loop3A_137 = arith.constant 2 : i32
        %parallel_loop3A_138 = vector.broadcast %parallel_loop3A_137 : i32 to vector<16xi32>
        %parallel_loop3A_139 = arith.addi %parallel_loop3A_112, %parallel_loop3A_138 : vector<16xi32>
        %parallel_loop3A_140 = tpu.vector_load_idx %arg6[%parallel_loop3A_139] : memref<77104xf32, #tpu.memory_space<vmem>>[vector<16xi32>], vector<16xf32>,
        %parallel_loop3A_141 = arith.constant 2 : i32
        %parallel_loop3A_142 = vector.broadcast %parallel_loop3A_141 : i32 to vector<16xi32>
        %parallel_loop3A_143 = arith.addi %parallel_loop3A_122, %parallel_loop3A_142 : vector<16xi32>
        tpu.vector_store_idx %arg10[%parallel_loop3A_143], %parallel_loop3A_140 : memref<9648xf32, #tpu.memory_space<vmem>>[vector<16xi32>], vector<16xf32>,
        %parallel_loop3A_144 = arith.index_cast %parallel_loop3A_99 : i32 to index
        %parallel_loop3A_145 = arith.constant 16 : index
        %parallel_loop3A_146 = tpu.vector_load %arg8[%parallel_loop3A_144, %parallel_loop3A_145] {strides = array<i32>} : memref<32x128xi32, #tpu.memory_space<vmem>>, vector<16xi32>,
        %parallel_loop3A_147 = arith.constant 16 : i32
        %parallel_loop3A_148 = vector.broadcast %parallel_loop3A_147 : i32 to vector<16xi32>
        %parallel_loop3A_149 = arith.addi %iota3A, %parallel_loop3A_148 : vector<16xi32>
        %parallel_loop3A_150 = arith.constant 771 : i32
        %parallel_loop3A_151 = vector.broadcast %parallel_loop3A_150 : i32 to vector<16xi32>
        %parallel_loop3A_152 = arith.muli %parallel_loop3A_149, %parallel_loop3A_151 : vector<16xi32>
        %parallel_loop3A_153 = arith.constant 3 : i32
        %parallel_loop3A_154 = vector.broadcast %parallel_loop3A_153 : i32 to vector<16xi32>
        %parallel_loop3A_155 = arith.muli %parallel_loop3A_146, %parallel_loop3A_154 : vector<16xi32>
        %parallel_loop3A_156 = arith.addi %parallel_loop3A_152, %parallel_loop3A_155 : vector<16xi32>
        %parallel_loop3A_157 = arith.constant 300 : i32
        %parallel_loop3A_158 = arith.muli %parallel_loop3A_99, %parallel_loop3A_157 : i32
        %parallel_loop3A_159 = arith.constant 16 : i32
        %parallel_loop3A_160 = vector.broadcast %parallel_loop3A_159 : i32 to vector<16xi32>
        %parallel_loop3A_161 = arith.addi %parallel_loop3A_160, %iota3A : vector<16xi32>
        %parallel_loop3A_162 = arith.constant 3 : i32
        %parallel_loop3A_163 = vector.broadcast %parallel_loop3A_162 : i32 to vector<16xi32>
        %parallel_loop3A_164 = arith.muli %parallel_loop3A_161, %parallel_loop3A_163 : vector<16xi32>
        %parallel_loop3A_165 = vector.broadcast %parallel_loop3A_158 : i32 to vector<16xi32>
        %parallel_loop3A_166 = arith.addi %parallel_loop3A_165, %parallel_loop3A_164 : vector<16xi32>
        %parallel_loop3A_167 = arith.constant 0 : i32
        %parallel_loop3A_168 = vector.broadcast %parallel_loop3A_167 : i32 to vector<16xi32>
        %parallel_loop3A_169 = arith.addi %parallel_loop3A_156, %parallel_loop3A_168 : vector<16xi32>
        %parallel_loop3A_170 = tpu.vector_load_idx %arg6[%parallel_loop3A_169] : memref<77104xf32, #tpu.memory_space<vmem>>[vector<16xi32>], vector<16xf32>,
        %parallel_loop3A_171 = arith.constant 0 : i32
        %parallel_loop3A_172 = vector.broadcast %parallel_loop3A_171 : i32 to vector<16xi32>
        %parallel_loop3A_173 = arith.addi %parallel_loop3A_166, %parallel_loop3A_172 : vector<16xi32>
        tpu.vector_store_idx %arg10[%parallel_loop3A_173], %parallel_loop3A_170 : memref<9648xf32, #tpu.memory_space<vmem>>[vector<16xi32>], vector<16xf32>,
        %parallel_loop3A_174 = arith.constant 1 : i32
        %parallel_loop3A_175 = vector.broadcast %parallel_loop3A_174 : i32 to vector<16xi32>
        %parallel_loop3A_176 = arith.addi %parallel_loop3A_156, %parallel_loop3A_175 : vector<16xi32>
        %parallel_loop3A_177 = tpu.vector_load_idx %arg6[%parallel_loop3A_176] : memref<77104xf32, #tpu.memory_space<vmem>>[vector<16xi32>], vector<16xf32>,
        %parallel_loop3A_178 = arith.constant 1 : i32
        %parallel_loop3A_179 = vector.broadcast %parallel_loop3A_178 : i32 to vector<16xi32>
        %parallel_loop3A_180 = arith.addi %parallel_loop3A_166, %parallel_loop3A_179 : vector<16xi32>
        tpu.vector_store_idx %arg10[%parallel_loop3A_180], %parallel_loop3A_177 : memref<9648xf32, #tpu.memory_space<vmem>>[vector<16xi32>], vector<16xf32>,
        %parallel_loop3A_181 = arith.constant 2 : i32
        %parallel_loop3A_182 = vector.broadcast %parallel_loop3A_181 : i32 to vector<16xi32>
        %parallel_loop3A_183 = arith.addi %parallel_loop3A_156, %parallel_loop3A_182 : vector<16xi32>
        %parallel_loop3A_184 = tpu.vector_load_idx %arg6[%parallel_loop3A_183] : memref<77104xf32, #tpu.memory_space<vmem>>[vector<16xi32>], vector<16xf32>,
        %parallel_loop3A_185 = arith.constant 2 : i32
        %parallel_loop3A_186 = vector.broadcast %parallel_loop3A_185 : i32 to vector<16xi32>
        %parallel_loop3A_187 = arith.addi %parallel_loop3A_166, %parallel_loop3A_186 : vector<16xi32>
        tpu.vector_store_idx %arg10[%parallel_loop3A_187], %parallel_loop3A_184 : memref<9648xf32, #tpu.memory_space<vmem>>[vector<16xi32>], vector<16xf32>,
        %parallel_loop3A_188 = arith.index_cast %parallel_loop3A_99 : i32 to index
        %parallel_loop3A_189 = arith.constant 32 : index
        %parallel_loop3A_190 = tpu.vector_load %arg8[%parallel_loop3A_188, %parallel_loop3A_189] {strides = array<i32>} : memref<32x128xi32, #tpu.memory_space<vmem>>, vector<16xi32>,
        %parallel_loop3A_191 = arith.constant 32 : i32
        %parallel_loop3A_192 = vector.broadcast %parallel_loop3A_191 : i32 to vector<16xi32>
        %parallel_loop3A_193 = arith.addi %iota3A, %parallel_loop3A_192 : vector<16xi32>
        %parallel_loop3A_194 = arith.constant 771 : i32
        %parallel_loop3A_195 = vector.broadcast %parallel_loop3A_194 : i32 to vector<16xi32>
        %parallel_loop3A_196 = arith.muli %parallel_loop3A_193, %parallel_loop3A_195 : vector<16xi32>
        %parallel_loop3A_197 = arith.constant 3 : i32
        %parallel_loop3A_198 = vector.broadcast %parallel_loop3A_197 : i32 to vector<16xi32>
        %parallel_loop3A_199 = arith.muli %parallel_loop3A_190, %parallel_loop3A_198 : vector<16xi32>
        %parallel_loop3A_200 = arith.addi %parallel_loop3A_196, %parallel_loop3A_199 : vector<16xi32>
        %parallel_loop3A_201 = arith.constant 300 : i32
        %parallel_loop3A_202 = arith.muli %parallel_loop3A_99, %parallel_loop3A_201 : i32
        %parallel_loop3A_203 = arith.constant 32 : i32
        %parallel_loop3A_204 = vector.broadcast %parallel_loop3A_203 : i32 to vector<16xi32>
        %parallel_loop3A_205 = arith.addi %parallel_loop3A_204, %iota3A : vector<16xi32>
        %parallel_loop3A_206 = arith.constant 3 : i32
        %parallel_loop3A_207 = vector.broadcast %parallel_loop3A_206 : i32 to vector<16xi32>
        %parallel_loop3A_208 = arith.muli %parallel_loop3A_205, %parallel_loop3A_207 : vector<16xi32>
        %parallel_loop3A_209 = vector.broadcast %parallel_loop3A_202 : i32 to vector<16xi32>
        %parallel_loop3A_210 = arith.addi %parallel_loop3A_209, %parallel_loop3A_208 : vector<16xi32>
        %parallel_loop3A_211 = arith.constant 0 : i32
        %parallel_loop3A_212 = vector.broadcast %parallel_loop3A_211 : i32 to vector<16xi32>
        %parallel_loop3A_213 = arith.addi %parallel_loop3A_200, %parallel_loop3A_212 : vector<16xi32>
        %parallel_loop3A_214 = tpu.vector_load_idx %arg6[%parallel_loop3A_213] : memref<77104xf32, #tpu.memory_space<vmem>>[vector<16xi32>], vector<16xf32>,
        %parallel_loop3A_215 = arith.constant 0 : i32
        %parallel_loop3A_216 = vector.broadcast %parallel_loop3A_215 : i32 to vector<16xi32>
        %parallel_loop3A_217 = arith.addi %parallel_loop3A_210, %parallel_loop3A_216 : vector<16xi32>
        tpu.vector_store_idx %arg10[%parallel_loop3A_217], %parallel_loop3A_214 : memref<9648xf32, #tpu.memory_space<vmem>>[vector<16xi32>], vector<16xf32>,
        %parallel_loop3A_218 = arith.constant 1 : i32
        %parallel_loop3A_219 = vector.broadcast %parallel_loop3A_218 : i32 to vector<16xi32>
        %parallel_loop3A_220 = arith.addi %parallel_loop3A_200, %parallel_loop3A_219 : vector<16xi32>
        %parallel_loop3A_221 = tpu.vector_load_idx %arg6[%parallel_loop3A_220] : memref<77104xf32, #tpu.memory_space<vmem>>[vector<16xi32>], vector<16xf32>,
        %parallel_loop3A_222 = arith.constant 1 : i32
        %parallel_loop3A_223 = vector.broadcast %parallel_loop3A_222 : i32 to vector<16xi32>
        %parallel_loop3A_224 = arith.addi %parallel_loop3A_210, %parallel_loop3A_223 : vector<16xi32>
        tpu.vector_store_idx %arg10[%parallel_loop3A_224], %parallel_loop3A_221 : memref<9648xf32, #tpu.memory_space<vmem>>[vector<16xi32>], vector<16xf32>,
        %parallel_loop3A_225 = arith.constant 2 : i32
        %parallel_loop3A_226 = vector.broadcast %parallel_loop3A_225 : i32 to vector<16xi32>
        %parallel_loop3A_227 = arith.addi %parallel_loop3A_200, %parallel_loop3A_226 : vector<16xi32>
        %parallel_loop3A_228 = tpu.vector_load_idx %arg6[%parallel_loop3A_227] : memref<77104xf32, #tpu.memory_space<vmem>>[vector<16xi32>], vector<16xf32>,
        %parallel_loop3A_229 = arith.constant 2 : i32
        %parallel_loop3A_230 = vector.broadcast %parallel_loop3A_229 : i32 to vector<16xi32>
        %parallel_loop3A_231 = arith.addi %parallel_loop3A_210, %parallel_loop3A_230 : vector<16xi32>
        tpu.vector_store_idx %arg10[%parallel_loop3A_231], %parallel_loop3A_228 : memref<9648xf32, #tpu.memory_space<vmem>>[vector<16xi32>], vector<16xf32>,
        %parallel_loop3A_232 = arith.index_cast %parallel_loop3A_99 : i32 to index
        %parallel_loop3A_233 = arith.constant 48 : index
        %parallel_loop3A_234 = tpu.vector_load %arg8[%parallel_loop3A_232, %parallel_loop3A_233] {strides = array<i32>} : memref<32x128xi32, #tpu.memory_space<vmem>>, vector<16xi32>,
        %parallel_loop3A_235 = arith.constant 48 : i32
        %parallel_loop3A_236 = vector.broadcast %parallel_loop3A_235 : i32 to vector<16xi32>
        %parallel_loop3A_237 = arith.addi %iota3A, %parallel_loop3A_236 : vector<16xi32>
        %parallel_loop3A_238 = arith.constant 771 : i32
        %parallel_loop3A_239 = vector.broadcast %parallel_loop3A_238 : i32 to vector<16xi32>
        %parallel_loop3A_240 = arith.muli %parallel_loop3A_237, %parallel_loop3A_239 : vector<16xi32>
        %parallel_loop3A_241 = arith.constant 3 : i32
        %parallel_loop3A_242 = vector.broadcast %parallel_loop3A_241 : i32 to vector<16xi32>
        %parallel_loop3A_243 = arith.muli %parallel_loop3A_234, %parallel_loop3A_242 : vector<16xi32>
        %parallel_loop3A_244 = arith.addi %parallel_loop3A_240, %parallel_loop3A_243 : vector<16xi32>
        %parallel_loop3A_245 = arith.constant 300 : i32
        %parallel_loop3A_246 = arith.muli %parallel_loop3A_99, %parallel_loop3A_245 : i32
        %parallel_loop3A_247 = arith.constant 48 : i32
        %parallel_loop3A_248 = vector.broadcast %parallel_loop3A_247 : i32 to vector<16xi32>
        %parallel_loop3A_249 = arith.addi %parallel_loop3A_248, %iota3A : vector<16xi32>
        %parallel_loop3A_250 = arith.constant 3 : i32
        %parallel_loop3A_251 = vector.broadcast %parallel_loop3A_250 : i32 to vector<16xi32>
        %parallel_loop3A_252 = arith.muli %parallel_loop3A_249, %parallel_loop3A_251 : vector<16xi32>
        %parallel_loop3A_253 = vector.broadcast %parallel_loop3A_246 : i32 to vector<16xi32>
        %parallel_loop3A_254 = arith.addi %parallel_loop3A_253, %parallel_loop3A_252 : vector<16xi32>
        %parallel_loop3A_255 = arith.constant 0 : i32
        %parallel_loop3A_256 = vector.broadcast %parallel_loop3A_255 : i32 to vector<16xi32>
        %parallel_loop3A_257 = arith.addi %parallel_loop3A_244, %parallel_loop3A_256 : vector<16xi32>
        %parallel_loop3A_258 = tpu.vector_load_idx %arg6[%parallel_loop3A_257] : memref<77104xf32, #tpu.memory_space<vmem>>[vector<16xi32>], vector<16xf32>,
        %parallel_loop3A_259 = arith.constant 0 : i32
        %parallel_loop3A_260 = vector.broadcast %parallel_loop3A_259 : i32 to vector<16xi32>
        %parallel_loop3A_261 = arith.addi %parallel_loop3A_254, %parallel_loop3A_260 : vector<16xi32>
        tpu.vector_store_idx %arg10[%parallel_loop3A_261], %parallel_loop3A_258 : memref<9648xf32, #tpu.memory_space<vmem>>[vector<16xi32>], vector<16xf32>,
        %parallel_loop3A_262 = arith.constant 1 : i32
        %parallel_loop3A_263 = vector.broadcast %parallel_loop3A_262 : i32 to vector<16xi32>
        %parallel_loop3A_264 = arith.addi %parallel_loop3A_244, %parallel_loop3A_263 : vector<16xi32>
        %parallel_loop3A_265 = tpu.vector_load_idx %arg6[%parallel_loop3A_264] : memref<77104xf32, #tpu.memory_space<vmem>>[vector<16xi32>], vector<16xf32>,
        %parallel_loop3A_266 = arith.constant 1 : i32
        %parallel_loop3A_267 = vector.broadcast %parallel_loop3A_266 : i32 to vector<16xi32>
        %parallel_loop3A_268 = arith.addi %parallel_loop3A_254, %parallel_loop3A_267 : vector<16xi32>
        tpu.vector_store_idx %arg10[%parallel_loop3A_268], %parallel_loop3A_265 : memref<9648xf32, #tpu.memory_space<vmem>>[vector<16xi32>], vector<16xf32>,
        %parallel_loop3A_269 = arith.constant 2 : i32
        %parallel_loop3A_270 = vector.broadcast %parallel_loop3A_269 : i32 to vector<16xi32>
        %parallel_loop3A_271 = arith.addi %parallel_loop3A_244, %parallel_loop3A_270 : vector<16xi32>
        %parallel_loop3A_272 = tpu.vector_load_idx %arg6[%parallel_loop3A_271] : memref<77104xf32, #tpu.memory_space<vmem>>[vector<16xi32>], vector<16xf32>,
        %parallel_loop3A_273 = arith.constant 2 : i32
        %parallel_loop3A_274 = vector.broadcast %parallel_loop3A_273 : i32 to vector<16xi32>
        %parallel_loop3A_275 = arith.addi %parallel_loop3A_254, %parallel_loop3A_274 : vector<16xi32>
        tpu.vector_store_idx %arg10[%parallel_loop3A_275], %parallel_loop3A_272 : memref<9648xf32, #tpu.memory_space<vmem>>[vector<16xi32>], vector<16xf32>,
        %parallel_loop3A_276 = arith.index_cast %parallel_loop3A_99 : i32 to index
        %parallel_loop3A_277 = arith.constant 64 : index
        %parallel_loop3A_278 = tpu.vector_load %arg8[%parallel_loop3A_276, %parallel_loop3A_277] {strides = array<i32>} : memref<32x128xi32, #tpu.memory_space<vmem>>, vector<16xi32>,
        %parallel_loop3A_279 = arith.constant 64 : i32
        %parallel_loop3A_280 = vector.broadcast %parallel_loop3A_279 : i32 to vector<16xi32>
        %parallel_loop3A_281 = arith.addi %iota3A, %parallel_loop3A_280 : vector<16xi32>
        %parallel_loop3A_282 = arith.constant 771 : i32
        %parallel_loop3A_283 = vector.broadcast %parallel_loop3A_282 : i32 to vector<16xi32>
        %parallel_loop3A_284 = arith.muli %parallel_loop3A_281, %parallel_loop3A_283 : vector<16xi32>
        %parallel_loop3A_285 = arith.constant 3 : i32
        %parallel_loop3A_286 = vector.broadcast %parallel_loop3A_285 : i32 to vector<16xi32>
        %parallel_loop3A_287 = arith.muli %parallel_loop3A_278, %parallel_loop3A_286 : vector<16xi32>
        %parallel_loop3A_288 = arith.addi %parallel_loop3A_284, %parallel_loop3A_287 : vector<16xi32>
        %parallel_loop3A_289 = arith.constant 300 : i32
        %parallel_loop3A_290 = arith.muli %parallel_loop3A_99, %parallel_loop3A_289 : i32
        %parallel_loop3A_291 = arith.constant 64 : i32
        %parallel_loop3A_292 = vector.broadcast %parallel_loop3A_291 : i32 to vector<16xi32>
        %parallel_loop3A_293 = arith.addi %parallel_loop3A_292, %iota3A : vector<16xi32>
        %parallel_loop3A_294 = arith.constant 3 : i32
        %parallel_loop3A_295 = vector.broadcast %parallel_loop3A_294 : i32 to vector<16xi32>
        %parallel_loop3A_296 = arith.muli %parallel_loop3A_293, %parallel_loop3A_295 : vector<16xi32>
        %parallel_loop3A_297 = vector.broadcast %parallel_loop3A_290 : i32 to vector<16xi32>
        %parallel_loop3A_298 = arith.addi %parallel_loop3A_297, %parallel_loop3A_296 : vector<16xi32>
        %parallel_loop3A_299 = arith.constant 0 : i32
        %parallel_loop3A_300 = vector.broadcast %parallel_loop3A_299 : i32 to vector<16xi32>
        %parallel_loop3A_301 = arith.addi %parallel_loop3A_288, %parallel_loop3A_300 : vector<16xi32>
        %parallel_loop3A_302 = tpu.vector_load_idx %arg6[%parallel_loop3A_301] : memref<77104xf32, #tpu.memory_space<vmem>>[vector<16xi32>], vector<16xf32>,
        %parallel_loop3A_303 = arith.constant 0 : i32
        %parallel_loop3A_304 = vector.broadcast %parallel_loop3A_303 : i32 to vector<16xi32>
        %parallel_loop3A_305 = arith.addi %parallel_loop3A_298, %parallel_loop3A_304 : vector<16xi32>
        tpu.vector_store_idx %arg10[%parallel_loop3A_305], %parallel_loop3A_302 : memref<9648xf32, #tpu.memory_space<vmem>>[vector<16xi32>], vector<16xf32>,
        %parallel_loop3A_306 = arith.constant 1 : i32
        %parallel_loop3A_307 = vector.broadcast %parallel_loop3A_306 : i32 to vector<16xi32>
        %parallel_loop3A_308 = arith.addi %parallel_loop3A_288, %parallel_loop3A_307 : vector<16xi32>
        %parallel_loop3A_309 = tpu.vector_load_idx %arg6[%parallel_loop3A_308] : memref<77104xf32, #tpu.memory_space<vmem>>[vector<16xi32>], vector<16xf32>,
        %parallel_loop3A_310 = arith.constant 1 : i32
        %parallel_loop3A_311 = vector.broadcast %parallel_loop3A_310 : i32 to vector<16xi32>
        %parallel_loop3A_312 = arith.addi %parallel_loop3A_298, %parallel_loop3A_311 : vector<16xi32>
        tpu.vector_store_idx %arg10[%parallel_loop3A_312], %parallel_loop3A_309 : memref<9648xf32, #tpu.memory_space<vmem>>[vector<16xi32>], vector<16xf32>,
        %parallel_loop3A_313 = arith.constant 2 : i32
        %parallel_loop3A_314 = vector.broadcast %parallel_loop3A_313 : i32 to vector<16xi32>
        %parallel_loop3A_315 = arith.addi %parallel_loop3A_288, %parallel_loop3A_314 : vector<16xi32>
        %parallel_loop3A_316 = tpu.vector_load_idx %arg6[%parallel_loop3A_315] : memref<77104xf32, #tpu.memory_space<vmem>>[vector<16xi32>], vector<16xf32>,
        %parallel_loop3A_317 = arith.constant 2 : i32
        %parallel_loop3A_318 = vector.broadcast %parallel_loop3A_317 : i32 to vector<16xi32>
        %parallel_loop3A_319 = arith.addi %parallel_loop3A_298, %parallel_loop3A_318 : vector<16xi32>
        tpu.vector_store_idx %arg10[%parallel_loop3A_319], %parallel_loop3A_316 : memref<9648xf32, #tpu.memory_space<vmem>>[vector<16xi32>], vector<16xf32>,
        %parallel_loop3A_320 = arith.index_cast %parallel_loop3A_99 : i32 to index
        %parallel_loop3A_321 = arith.constant 80 : index
        %parallel_loop3A_322 = tpu.vector_load %arg8[%parallel_loop3A_320, %parallel_loop3A_321] {strides = array<i32>} : memref<32x128xi32, #tpu.memory_space<vmem>>, vector<16xi32>,
        %parallel_loop3A_323 = arith.constant 80 : i32
        %parallel_loop3A_324 = vector.broadcast %parallel_loop3A_323 : i32 to vector<16xi32>
        %parallel_loop3A_325 = arith.addi %iota3A, %parallel_loop3A_324 : vector<16xi32>
        %parallel_loop3A_326 = arith.constant 771 : i32
        %parallel_loop3A_327 = vector.broadcast %parallel_loop3A_326 : i32 to vector<16xi32>
        %parallel_loop3A_328 = arith.muli %parallel_loop3A_325, %parallel_loop3A_327 : vector<16xi32>
        %parallel_loop3A_329 = arith.constant 3 : i32
        %parallel_loop3A_330 = vector.broadcast %parallel_loop3A_329 : i32 to vector<16xi32>
        %parallel_loop3A_331 = arith.muli %parallel_loop3A_322, %parallel_loop3A_330 : vector<16xi32>
        %parallel_loop3A_332 = arith.addi %parallel_loop3A_328, %parallel_loop3A_331 : vector<16xi32>
        %parallel_loop3A_333 = arith.constant 300 : i32
        %parallel_loop3A_334 = arith.muli %parallel_loop3A_99, %parallel_loop3A_333 : i32
        %parallel_loop3A_335 = arith.constant 80 : i32
        %parallel_loop3A_336 = vector.broadcast %parallel_loop3A_335 : i32 to vector<16xi32>
        %parallel_loop3A_337 = arith.addi %parallel_loop3A_336, %iota3A : vector<16xi32>
        %parallel_loop3A_338 = arith.constant 3 : i32
        %parallel_loop3A_339 = vector.broadcast %parallel_loop3A_338 : i32 to vector<16xi32>
        %parallel_loop3A_340 = arith.muli %parallel_loop3A_337, %parallel_loop3A_339 : vector<16xi32>
        %parallel_loop3A_341 = vector.broadcast %parallel_loop3A_334 : i32 to vector<16xi32>
        %parallel_loop3A_342 = arith.addi %parallel_loop3A_341, %parallel_loop3A_340 : vector<16xi32>
        %parallel_loop3A_343 = arith.constant 0 : i32
        %parallel_loop3A_344 = vector.broadcast %parallel_loop3A_343 : i32 to vector<16xi32>
        %parallel_loop3A_345 = arith.addi %parallel_loop3A_332, %parallel_loop3A_344 : vector<16xi32>
        %parallel_loop3A_346 = tpu.vector_load_idx %arg6[%parallel_loop3A_345] : memref<77104xf32, #tpu.memory_space<vmem>>[vector<16xi32>], vector<16xf32>,
        %parallel_loop3A_347 = arith.constant 0 : i32
        %parallel_loop3A_348 = vector.broadcast %parallel_loop3A_347 : i32 to vector<16xi32>
        %parallel_loop3A_349 = arith.addi %parallel_loop3A_342, %parallel_loop3A_348 : vector<16xi32>
        tpu.vector_store_idx %arg10[%parallel_loop3A_349], %parallel_loop3A_346 : memref<9648xf32, #tpu.memory_space<vmem>>[vector<16xi32>], vector<16xf32>,
        %parallel_loop3A_350 = arith.constant 1 : i32
        %parallel_loop3A_351 = vector.broadcast %parallel_loop3A_350 : i32 to vector<16xi32>
        %parallel_loop3A_352 = arith.addi %parallel_loop3A_332, %parallel_loop3A_351 : vector<16xi32>
        %parallel_loop3A_353 = tpu.vector_load_idx %arg6[%parallel_loop3A_352] : memref<77104xf32, #tpu.memory_space<vmem>>[vector<16xi32>], vector<16xf32>,
        %parallel_loop3A_354 = arith.constant 1 : i32
        %parallel_loop3A_355 = vector.broadcast %parallel_loop3A_354 : i32 to vector<16xi32>
        %parallel_loop3A_356 = arith.addi %parallel_loop3A_342, %parallel_loop3A_355 : vector<16xi32>
        tpu.vector_store_idx %arg10[%parallel_loop3A_356], %parallel_loop3A_353 : memref<9648xf32, #tpu.memory_space<vmem>>[vector<16xi32>], vector<16xf32>,
        %parallel_loop3A_357 = arith.constant 2 : i32
        %parallel_loop3A_358 = vector.broadcast %parallel_loop3A_357 : i32 to vector<16xi32>
        %parallel_loop3A_359 = arith.addi %parallel_loop3A_332, %parallel_loop3A_358 : vector<16xi32>
        %parallel_loop3A_360 = tpu.vector_load_idx %arg6[%parallel_loop3A_359] : memref<77104xf32, #tpu.memory_space<vmem>>[vector<16xi32>], vector<16xf32>,
        %parallel_loop3A_361 = arith.constant 2 : i32
        %parallel_loop3A_362 = vector.broadcast %parallel_loop3A_361 : i32 to vector<16xi32>
        %parallel_loop3A_363 = arith.addi %parallel_loop3A_342, %parallel_loop3A_362 : vector<16xi32>
        tpu.vector_store_idx %arg10[%parallel_loop3A_363], %parallel_loop3A_360 : memref<9648xf32, #tpu.memory_space<vmem>>[vector<16xi32>], vector<16xf32>,
        %parallel_loop3A_364 = arith.index_cast %parallel_loop3A_99 : i32 to index
        %parallel_loop3A_365 = arith.constant 96 : index
        %parallel_loop3A_366 = tpu.vector_load %arg8[%parallel_loop3A_364, %parallel_loop3A_365] {strides = array<i32>} : memref<32x128xi32, #tpu.memory_space<vmem>>, vector<16xi32>,
        %parallel_loop3A_367 = arith.constant 4 : i32
        %parallel_loop3A_368 = vector.broadcast %parallel_loop3A_367 : i32 to vector<16xi32>
        %parallel_loop3A_369 = arith.cmpi slt, %iota3A, %parallel_loop3A_368 : vector<16xi32>
        %parallel_loop3A_370 = arith.constant 96 : i32
        %parallel_loop3A_371 = vector.broadcast %parallel_loop3A_370 : i32 to vector<16xi32>
        %parallel_loop3A_372 = arith.addi %iota3A, %parallel_loop3A_371 : vector<16xi32>
        %parallel_loop3A_373 = arith.constant 771 : i32
        %parallel_loop3A_374 = vector.broadcast %parallel_loop3A_373 : i32 to vector<16xi32>
        %parallel_loop3A_375 = arith.muli %parallel_loop3A_372, %parallel_loop3A_374 : vector<16xi32>
        %parallel_loop3A_376 = arith.constant 3 : i32
        %parallel_loop3A_377 = vector.broadcast %parallel_loop3A_376 : i32 to vector<16xi32>
        %parallel_loop3A_378 = arith.muli %parallel_loop3A_366, %parallel_loop3A_377 : vector<16xi32>
        %parallel_loop3A_379 = arith.addi %parallel_loop3A_375, %parallel_loop3A_378 : vector<16xi32>
        %parallel_loop3A_380 = arith.constant 300 : i32
        %parallel_loop3A_381 = arith.muli %parallel_loop3A_99, %parallel_loop3A_380 : i32
        %parallel_loop3A_382 = arith.constant 96 : i32
        %parallel_loop3A_383 = vector.broadcast %parallel_loop3A_382 : i32 to vector<16xi32>
        %parallel_loop3A_384 = arith.addi %parallel_loop3A_383, %iota3A : vector<16xi32>
        %parallel_loop3A_385 = arith.constant 3 : i32
        %parallel_loop3A_386 = vector.broadcast %parallel_loop3A_385 : i32 to vector<16xi32>
        %parallel_loop3A_387 = arith.muli %parallel_loop3A_384, %parallel_loop3A_386 : vector<16xi32>
        %parallel_loop3A_388 = vector.broadcast %parallel_loop3A_381 : i32 to vector<16xi32>
        %parallel_loop3A_389 = arith.addi %parallel_loop3A_388, %parallel_loop3A_387 : vector<16xi32>
        %parallel_loop3A_390 = arith.constant 0 : i32
        %parallel_loop3A_391 = vector.broadcast %parallel_loop3A_390 : i32 to vector<16xi32>
        %parallel_loop3A_392 = arith.addi %parallel_loop3A_379, %parallel_loop3A_391 : vector<16xi32>
        %parallel_loop3A_393 = tpu.vector_load_idx %arg6[%parallel_loop3A_392] masked %parallel_loop3A_369 : memref<77104xf32, #tpu.memory_space<vmem>>[vector<16xi32>], vector<16xf32>, vector<16xi1>
        %parallel_loop3A_394 = arith.constant 0 : i32
        %parallel_loop3A_395 = vector.broadcast %parallel_loop3A_394 : i32 to vector<16xi32>
        %parallel_loop3A_396 = arith.addi %parallel_loop3A_389, %parallel_loop3A_395 : vector<16xi32>
        tpu.vector_store_idx %arg10[%parallel_loop3A_396], %parallel_loop3A_393 masked %parallel_loop3A_369 : memref<9648xf32, #tpu.memory_space<vmem>>[vector<16xi32>], vector<16xf32>, vector<16xi1>
        %parallel_loop3A_397 = arith.constant 1 : i32
        %parallel_loop3A_398 = vector.broadcast %parallel_loop3A_397 : i32 to vector<16xi32>
        %parallel_loop3A_399 = arith.addi %parallel_loop3A_379, %parallel_loop3A_398 : vector<16xi32>
        %parallel_loop3A_400 = tpu.vector_load_idx %arg6[%parallel_loop3A_399] masked %parallel_loop3A_369 : memref<77104xf32, #tpu.memory_space<vmem>>[vector<16xi32>], vector<16xf32>, vector<16xi1>
        %parallel_loop3A_401 = arith.constant 1 : i32
        %parallel_loop3A_402 = vector.broadcast %parallel_loop3A_401 : i32 to vector<16xi32>
        %parallel_loop3A_403 = arith.addi %parallel_loop3A_389, %parallel_loop3A_402 : vector<16xi32>
        tpu.vector_store_idx %arg10[%parallel_loop3A_403], %parallel_loop3A_400 masked %parallel_loop3A_369 : memref<9648xf32, #tpu.memory_space<vmem>>[vector<16xi32>], vector<16xf32>, vector<16xi1>
        %parallel_loop3A_404 = arith.constant 2 : i32
        %parallel_loop3A_405 = vector.broadcast %parallel_loop3A_404 : i32 to vector<16xi32>
        %parallel_loop3A_406 = arith.addi %parallel_loop3A_379, %parallel_loop3A_405 : vector<16xi32>
        %parallel_loop3A_407 = tpu.vector_load_idx %arg6[%parallel_loop3A_406] masked %parallel_loop3A_369 : memref<77104xf32, #tpu.memory_space<vmem>>[vector<16xi32>], vector<16xf32>, vector<16xi1>
        %parallel_loop3A_408 = arith.constant 2 : i32
        %parallel_loop3A_409 = vector.broadcast %parallel_loop3A_408 : i32 to vector<16xi32>
        %parallel_loop3A_410 = arith.addi %parallel_loop3A_389, %parallel_loop3A_409 : vector<16xi32>
        tpu.vector_store_idx %arg10[%parallel_loop3A_410], %parallel_loop3A_407 masked %parallel_loop3A_369 : memref<9648xf32, #tpu.memory_space<vmem>>[vector<16xi32>], vector<16xf32>, vector<16xi1>
      } {sc.loop_unroll_factor = 2 : i64, sc.parallel_access}
      %mul3A_54 = arith.constant 32 : i32
      %mul3A_55 = arith.muli %add3A_39, %mul3A_54 : i32
      %add3A_56 = arith.addi %mul3A_2, %mul3A_55 : i32
      %mul3A_57 = arith.constant 300 : i32
      %mul3A_58 = arith.muli %add3A_56, %mul3A_57 : i32
      %dma_start3A_59 = arith.constant 0 : i32
      %dma_start3A_60 = tpu.memref_slice %arg10[%dma_start3A_59] : memref<9648xf32, #tpu.memory_space<vmem>> -> memref<9600xf32, #tpu.memory_space<vmem>>
      %dma_start3A_61 = tpu.memref_slice %arg5[%mul3A_58] : memref<61440000xf32, #tpu.memory_space<hbm>> -> memref<9600xf32, #tpu.memory_space<hbm>>
      %dma_start3A_62 = tpu.memref_slice %arg5[%mul3A_58] : memref<61440000xf32, #tpu.memory_space<hbm>> -> memref<9600xf32, #tpu.memory_space<hbm>>
      %dma_start3A_63 = arith.constant 0 : i32
      %dma_start3A_64 = tpu.memref_slice %arg10[%dma_start3A_63] : memref<9648xf32, #tpu.memory_space<vmem>> -> memref<9600xf32, #tpu.memory_space<vmem>>
      tpu.enqueue_dma source(%dma_start3A_64 : memref<9600xf32, #tpu.memory_space<vmem>>) target(%dma_start3A_62 : memref<9600xf32, #tpu.memory_space<hbm>>) target_semaphore(%arg14 : memref<!tpu.dma_semaphore, #tpu.memory_space<semaphore_mem>>)
      %mul3A_65 = arith.constant 2 : i32
      %mul3A_66 = arith.muli %mul3A_65, %scan3A_35 : i32
      %add3A_67 = arith.constant 1 : i32
      %add3A_68 = arith.addi %mul3A_66, %add3A_67 : i32
      %dma_wait3A_69 = arith.constant 0 : i32
      %dma_wait3A_70 = tpu.memref_slice %arg7[%add3A_68, %dma_wait3A_69] : memref<200x32xi32, #tpu.memory_space<vmem>> -> memref<1x32xi32, #tpu.memory_space<vmem>>
      %dma_wait3A_71 = tpu.memref_squeeze %dma_wait3A_70 : memref<1x32xi32, #tpu.memory_space<vmem>> -> memref<32xi32, #tpu.memory_space<vmem>>
      %dma_wait3A_72 = arith.constant 0 : i32
      %dma_wait3A_73 = arith.constant 0 : i32
      %dma_wait3A_74 = tpu.memref_slice %arg3[%dma_wait3A_72, %dma_wait3A_73] : memref<100001x128xi32, #tpu.memory_space<hbm>> -> memref<100001x128xi32, #tpu.memory_space<hbm>>
      tpu.wait_indirect_dma semaphore(%arg13 : memref<!tpu.dma_semaphore, #tpu.memory_space<semaphore_mem>>) src(%dma_wait3A_74 : memref<100001x128xi32, #tpu.memory_space<hbm>>) dst(%arg9 : memref<32x128xi32, #tpu.memory_space<vmem>>)
      %lt3A_75 = arith.constant 199 : i32
      %lt3A_76 = arith.cmpi slt, %add3A_68, %lt3A_75 : i32
      %convert_element_type3A_77 = arith.extui %lt3A_76 : i1 to i32
      %cond3A_78 = arith.constant 0 : i32
      %cond3A_79 = arith.cmpi ne, %convert_element_type3A_77, %cond3A_78 : i32
      scf.if %cond3A_79 {
        %add3A_99 = arith.constant 1 : i32
        %add3A_100 = arith.addi %add3A_68, %add3A_99 : i32
        %dma_start3A_101 = arith.constant 0 : i32
        %dma_start3A_102 = tpu.memref_slice %arg7[%add3A_100, %dma_start3A_101] : memref<200x32xi32, #tpu.memory_space<vmem>> -> memref<1x32xi32, #tpu.memory_space<vmem>>
        %dma_start3A_103 = tpu.memref_squeeze %dma_start3A_102 : memref<1x32xi32, #tpu.memory_space<vmem>> -> memref<32xi32, #tpu.memory_space<vmem>>
        %dma_start3A_104 = arith.constant 0 : i32
        %dma_start3A_105 = arith.constant 0 : i32
        %dma_start3A_106 = tpu.memref_slice %arg3[%dma_start3A_104, %dma_start3A_105] : memref<100001x128xi32, #tpu.memory_space<hbm>> -> memref<100001x128xi32, #tpu.memory_space<hbm>>
        tpu.enqueue_indirect_dma source(%dma_start3A_106 : memref<100001x128xi32, #tpu.memory_space<hbm>>) target(%arg8 : memref<32x128xi32, #tpu.memory_space<vmem>>) offsets(%dma_start3A_103 : memref<32xi32, #tpu.memory_space<vmem>>) semaphore(%arg12 : memref<!tpu.dma_semaphore, #tpu.memory_space<semaphore_mem>>)
      } else {
      }
      %gt3A_80 = arith.constant 0 : i32
      %gt3A_81 = arith.cmpi sgt, %scan3A_35, %gt3A_80 : i32
      %convert_element_type3A_82 = arith.extui %gt3A_81 : i1 to i32
      %cond3A_83 = arith.constant 0 : i32
      %cond3A_84 = arith.cmpi ne, %convert_element_type3A_82, %cond3A_83 : i32
      scf.if %cond3A_84 {
        %sub3A = arith.constant 2 : i32
        %sub3A_99 = arith.subi %add3A_68, %sub3A : i32
        %mul3A_100 = arith.constant 32 : i32
        %mul3A_101 = arith.muli %sub3A_99, %mul3A_100 : i32
        %add3A_102 = arith.addi %mul3A_2, %mul3A_101 : i32
        %mul3A_103 = arith.constant 300 : i32
        %mul3A_104 = arith.muli %add3A_102, %mul3A_103 : i32
        %dma_wait3A_105 = arith.constant 0 : i32
        %dma_wait3A_106 = tpu.memref_slice %arg11[%dma_wait3A_105] : memref<9648xf32, #tpu.memory_space<vmem>> -> memref<9600xf32, #tpu.memory_space<vmem>>
        %dma_wait3A_107 = tpu.memref_slice %arg5[%mul3A_104] : memref<61440000xf32, #tpu.memory_space<hbm>> -> memref<9600xf32, #tpu.memory_space<hbm>>
        %dma_wait3A_108 = tpu.memref_slice %arg5[%mul3A_104] : memref<61440000xf32, #tpu.memory_space<hbm>> -> memref<9600xf32, #tpu.memory_space<hbm>>
        %dma_wait3A_109 = arith.constant 0 : i32
        %dma_wait3A_110 = tpu.memref_slice %arg11[%dma_wait3A_109] : memref<9648xf32, #tpu.memory_space<vmem>> -> memref<9600xf32, #tpu.memory_space<vmem>>
        tpu.wait_dma2 semaphore(%arg15 : memref<!tpu.dma_semaphore, #tpu.memory_space<semaphore_mem>>) src(%dma_wait3A_110 : memref<9600xf32, #tpu.memory_space<vmem>>) dst(%dma_wait3A_108 : memref<9600xf32, #tpu.memory_space<hbm>>)
      } else {
      }
      %parallel_loop3A_85 = arith.constant 0 : i32
      %parallel_loop3A_86 = arith.constant 32 : i32
      %parallel_loop3A_87 = arith.constant 1 : i32
      scf.for %parallel_loop3A_99 = %parallel_loop3A_85 to %parallel_loop3A_86 step %parallel_loop3A_87  : i32 {
        %parallel_loop3A_100 = arith.index_cast %parallel_loop3A_99 : i32 to index
        %parallel_loop3A_101 = arith.constant 0 : index
        %parallel_loop3A_102 = tpu.vector_load %arg9[%parallel_loop3A_100, %parallel_loop3A_101] {strides = array<i32>} : memref<32x128xi32, #tpu.memory_space<vmem>>, vector<16xi32>,
        %parallel_loop3A_103 = arith.constant 0 : i32
        %parallel_loop3A_104 = vector.broadcast %parallel_loop3A_103 : i32 to vector<16xi32>
        %parallel_loop3A_105 = arith.addi %iota3A, %parallel_loop3A_104 : vector<16xi32>
        %parallel_loop3A_106 = arith.constant 771 : i32
        %parallel_loop3A_107 = vector.broadcast %parallel_loop3A_106 : i32 to vector<16xi32>
        %parallel_loop3A_108 = arith.muli %parallel_loop3A_105, %parallel_loop3A_107 : vector<16xi32>
        %parallel_loop3A_109 = arith.constant 3 : i32
        %parallel_loop3A_110 = vector.broadcast %parallel_loop3A_109 : i32 to vector<16xi32>
        %parallel_loop3A_111 = arith.muli %parallel_loop3A_102, %parallel_loop3A_110 : vector<16xi32>
        %parallel_loop3A_112 = arith.addi %parallel_loop3A_108, %parallel_loop3A_111 : vector<16xi32>
        %parallel_loop3A_113 = arith.constant 300 : i32
        %parallel_loop3A_114 = arith.muli %parallel_loop3A_99, %parallel_loop3A_113 : i32
        %parallel_loop3A_115 = arith.constant 0 : i32
        %parallel_loop3A_116 = vector.broadcast %parallel_loop3A_115 : i32 to vector<16xi32>
        %parallel_loop3A_117 = arith.addi %parallel_loop3A_116, %iota3A : vector<16xi32>
        %parallel_loop3A_118 = arith.constant 3 : i32
        %parallel_loop3A_119 = vector.broadcast %parallel_loop3A_118 : i32 to vector<16xi32>
        %parallel_loop3A_120 = arith.muli %parallel_loop3A_117, %parallel_loop3A_119 : vector<16xi32>
        %parallel_loop3A_121 = vector.broadcast %parallel_loop3A_114 : i32 to vector<16xi32>
        %parallel_loop3A_122 = arith.addi %parallel_loop3A_121, %parallel_loop3A_120 : vector<16xi32>
        %parallel_loop3A_123 = arith.constant 0 : i32
        %parallel_loop3A_124 = vector.broadcast %parallel_loop3A_123 : i32 to vector<16xi32>
        %parallel_loop3A_125 = arith.addi %parallel_loop3A_112, %parallel_loop3A_124 : vector<16xi32>
        %parallel_loop3A_126 = tpu.vector_load_idx %arg6[%parallel_loop3A_125] : memref<77104xf32, #tpu.memory_space<vmem>>[vector<16xi32>], vector<16xf32>,
        %parallel_loop3A_127 = arith.constant 0 : i32
        %parallel_loop3A_128 = vector.broadcast %parallel_loop3A_127 : i32 to vector<16xi32>
        %parallel_loop3A_129 = arith.addi %parallel_loop3A_122, %parallel_loop3A_128 : vector<16xi32>
        tpu.vector_store_idx %arg11[%parallel_loop3A_129], %parallel_loop3A_126 : memref<9648xf32, #tpu.memory_space<vmem>>[vector<16xi32>], vector<16xf32>,
        %parallel_loop3A_130 = arith.constant 1 : i32
        %parallel_loop3A_131 = vector.broadcast %parallel_loop3A_130 : i32 to vector<16xi32>
        %parallel_loop3A_132 = arith.addi %parallel_loop3A_112, %parallel_loop3A_131 : vector<16xi32>
        %parallel_loop3A_133 = tpu.vector_load_idx %arg6[%parallel_loop3A_132] : memref<77104xf32, #tpu.memory_space<vmem>>[vector<16xi32>], vector<16xf32>,
        %parallel_loop3A_134 = arith.constant 1 : i32
        %parallel_loop3A_135 = vector.broadcast %parallel_loop3A_134 : i32 to vector<16xi32>
        %parallel_loop3A_136 = arith.addi %parallel_loop3A_122, %parallel_loop3A_135 : vector<16xi32>
        tpu.vector_store_idx %arg11[%parallel_loop3A_136], %parallel_loop3A_133 : memref<9648xf32, #tpu.memory_space<vmem>>[vector<16xi32>], vector<16xf32>,
        %parallel_loop3A_137 = arith.constant 2 : i32
        %parallel_loop3A_138 = vector.broadcast %parallel_loop3A_137 : i32 to vector<16xi32>
        %parallel_loop3A_139 = arith.addi %parallel_loop3A_112, %parallel_loop3A_138 : vector<16xi32>
        %parallel_loop3A_140 = tpu.vector_load_idx %arg6[%parallel_loop3A_139] : memref<77104xf32, #tpu.memory_space<vmem>>[vector<16xi32>], vector<16xf32>,
        %parallel_loop3A_141 = arith.constant 2 : i32
        %parallel_loop3A_142 = vector.broadcast %parallel_loop3A_141 : i32 to vector<16xi32>
        %parallel_loop3A_143 = arith.addi %parallel_loop3A_122, %parallel_loop3A_142 : vector<16xi32>
        tpu.vector_store_idx %arg11[%parallel_loop3A_143], %parallel_loop3A_140 : memref<9648xf32, #tpu.memory_space<vmem>>[vector<16xi32>], vector<16xf32>,
        %parallel_loop3A_144 = arith.index_cast %parallel_loop3A_99 : i32 to index
        %parallel_loop3A_145 = arith.constant 16 : index
        %parallel_loop3A_146 = tpu.vector_load %arg9[%parallel_loop3A_144, %parallel_loop3A_145] {strides = array<i32>} : memref<32x128xi32, #tpu.memory_space<vmem>>, vector<16xi32>,
        %parallel_loop3A_147 = arith.constant 16 : i32
        %parallel_loop3A_148 = vector.broadcast %parallel_loop3A_147 : i32 to vector<16xi32>
        %parallel_loop3A_149 = arith.addi %iota3A, %parallel_loop3A_148 : vector<16xi32>
        %parallel_loop3A_150 = arith.constant 771 : i32
        %parallel_loop3A_151 = vector.broadcast %parallel_loop3A_150 : i32 to vector<16xi32>
        %parallel_loop3A_152 = arith.muli %parallel_loop3A_149, %parallel_loop3A_151 : vector<16xi32>
        %parallel_loop3A_153 = arith.constant 3 : i32
        %parallel_loop3A_154 = vector.broadcast %parallel_loop3A_153 : i32 to vector<16xi32>
        %parallel_loop3A_155 = arith.muli %parallel_loop3A_146, %parallel_loop3A_154 : vector<16xi32>
        %parallel_loop3A_156 = arith.addi %parallel_loop3A_152, %parallel_loop3A_155 : vector<16xi32>
        %parallel_loop3A_157 = arith.constant 300 : i32
        %parallel_loop3A_158 = arith.muli %parallel_loop3A_99, %parallel_loop3A_157 : i32
        %parallel_loop3A_159 = arith.constant 16 : i32
        %parallel_loop3A_160 = vector.broadcast %parallel_loop3A_159 : i32 to vector<16xi32>
        %parallel_loop3A_161 = arith.addi %parallel_loop3A_160, %iota3A : vector<16xi32>
        %parallel_loop3A_162 = arith.constant 3 : i32
        %parallel_loop3A_163 = vector.broadcast %parallel_loop3A_162 : i32 to vector<16xi32>
        %parallel_loop3A_164 = arith.muli %parallel_loop3A_161, %parallel_loop3A_163 : vector<16xi32>
        %parallel_loop3A_165 = vector.broadcast %parallel_loop3A_158 : i32 to vector<16xi32>
        %parallel_loop3A_166 = arith.addi %parallel_loop3A_165, %parallel_loop3A_164 : vector<16xi32>
        %parallel_loop3A_167 = arith.constant 0 : i32
        %parallel_loop3A_168 = vector.broadcast %parallel_loop3A_167 : i32 to vector<16xi32>
        %parallel_loop3A_169 = arith.addi %parallel_loop3A_156, %parallel_loop3A_168 : vector<16xi32>
        %parallel_loop3A_170 = tpu.vector_load_idx %arg6[%parallel_loop3A_169] : memref<77104xf32, #tpu.memory_space<vmem>>[vector<16xi32>], vector<16xf32>,
        %parallel_loop3A_171 = arith.constant 0 : i32
        %parallel_loop3A_172 = vector.broadcast %parallel_loop3A_171 : i32 to vector<16xi32>
        %parallel_loop3A_173 = arith.addi %parallel_loop3A_166, %parallel_loop3A_172 : vector<16xi32>
        tpu.vector_store_idx %arg11[%parallel_loop3A_173], %parallel_loop3A_170 : memref<9648xf32, #tpu.memory_space<vmem>>[vector<16xi32>], vector<16xf32>,
        %parallel_loop3A_174 = arith.constant 1 : i32
        %parallel_loop3A_175 = vector.broadcast %parallel_loop3A_174 : i32 to vector<16xi32>
        %parallel_loop3A_176 = arith.addi %parallel_loop3A_156, %parallel_loop3A_175 : vector<16xi32>
        %parallel_loop3A_177 = tpu.vector_load_idx %arg6[%parallel_loop3A_176] : memref<77104xf32, #tpu.memory_space<vmem>>[vector<16xi32>], vector<16xf32>,
        %parallel_loop3A_178 = arith.constant 1 : i32
        %parallel_loop3A_179 = vector.broadcast %parallel_loop3A_178 : i32 to vector<16xi32>
        %parallel_loop3A_180 = arith.addi %parallel_loop3A_166, %parallel_loop3A_179 : vector<16xi32>
        tpu.vector_store_idx %arg11[%parallel_loop3A_180], %parallel_loop3A_177 : memref<9648xf32, #tpu.memory_space<vmem>>[vector<16xi32>], vector<16xf32>,
        %parallel_loop3A_181 = arith.constant 2 : i32
        %parallel_loop3A_182 = vector.broadcast %parallel_loop3A_181 : i32 to vector<16xi32>
        %parallel_loop3A_183 = arith.addi %parallel_loop3A_156, %parallel_loop3A_182 : vector<16xi32>
        %parallel_loop3A_184 = tpu.vector_load_idx %arg6[%parallel_loop3A_183] : memref<77104xf32, #tpu.memory_space<vmem>>[vector<16xi32>], vector<16xf32>,
        %parallel_loop3A_185 = arith.constant 2 : i32
        %parallel_loop3A_186 = vector.broadcast %parallel_loop3A_185 : i32 to vector<16xi32>
        %parallel_loop3A_187 = arith.addi %parallel_loop3A_166, %parallel_loop3A_186 : vector<16xi32>
        tpu.vector_store_idx %arg11[%parallel_loop3A_187], %parallel_loop3A_184 : memref<9648xf32, #tpu.memory_space<vmem>>[vector<16xi32>], vector<16xf32>,
        %parallel_loop3A_188 = arith.index_cast %parallel_loop3A_99 : i32 to index
        %parallel_loop3A_189 = arith.constant 32 : index
        %parallel_loop3A_190 = tpu.vector_load %arg9[%parallel_loop3A_188, %parallel_loop3A_189] {strides = array<i32>} : memref<32x128xi32, #tpu.memory_space<vmem>>, vector<16xi32>,
        %parallel_loop3A_191 = arith.constant 32 : i32
        %parallel_loop3A_192 = vector.broadcast %parallel_loop3A_191 : i32 to vector<16xi32>
        %parallel_loop3A_193 = arith.addi %iota3A, %parallel_loop3A_192 : vector<16xi32>
        %parallel_loop3A_194 = arith.constant 771 : i32
        %parallel_loop3A_195 = vector.broadcast %parallel_loop3A_194 : i32 to vector<16xi32>
        %parallel_loop3A_196 = arith.muli %parallel_loop3A_193, %parallel_loop3A_195 : vector<16xi32>
        %parallel_loop3A_197 = arith.constant 3 : i32
        %parallel_loop3A_198 = vector.broadcast %parallel_loop3A_197 : i32 to vector<16xi32>
        %parallel_loop3A_199 = arith.muli %parallel_loop3A_190, %parallel_loop3A_198 : vector<16xi32>
        %parallel_loop3A_200 = arith.addi %parallel_loop3A_196, %parallel_loop3A_199 : vector<16xi32>
        %parallel_loop3A_201 = arith.constant 300 : i32
        %parallel_loop3A_202 = arith.muli %parallel_loop3A_99, %parallel_loop3A_201 : i32
        %parallel_loop3A_203 = arith.constant 32 : i32
        %parallel_loop3A_204 = vector.broadcast %parallel_loop3A_203 : i32 to vector<16xi32>
        %parallel_loop3A_205 = arith.addi %parallel_loop3A_204, %iota3A : vector<16xi32>
        %parallel_loop3A_206 = arith.constant 3 : i32
        %parallel_loop3A_207 = vector.broadcast %parallel_loop3A_206 : i32 to vector<16xi32>
        %parallel_loop3A_208 = arith.muli %parallel_loop3A_205, %parallel_loop3A_207 : vector<16xi32>
        %parallel_loop3A_209 = vector.broadcast %parallel_loop3A_202 : i32 to vector<16xi32>
        %parallel_loop3A_210 = arith.addi %parallel_loop3A_209, %parallel_loop3A_208 : vector<16xi32>
        %parallel_loop3A_211 = arith.constant 0 : i32
        %parallel_loop3A_212 = vector.broadcast %parallel_loop3A_211 : i32 to vector<16xi32>
        %parallel_loop3A_213 = arith.addi %parallel_loop3A_200, %parallel_loop3A_212 : vector<16xi32>
        %parallel_loop3A_214 = tpu.vector_load_idx %arg6[%parallel_loop3A_213] : memref<77104xf32, #tpu.memory_space<vmem>>[vector<16xi32>], vector<16xf32>,
        %parallel_loop3A_215 = arith.constant 0 : i32
        %parallel_loop3A_216 = vector.broadcast %parallel_loop3A_215 : i32 to vector<16xi32>
        %parallel_loop3A_217 = arith.addi %parallel_loop3A_210, %parallel_loop3A_216 : vector<16xi32>
        tpu.vector_store_idx %arg11[%parallel_loop3A_217], %parallel_loop3A_214 : memref<9648xf32, #tpu.memory_space<vmem>>[vector<16xi32>], vector<16xf32>,
        %parallel_loop3A_218 = arith.constant 1 : i32
        %parallel_loop3A_219 = vector.broadcast %parallel_loop3A_218 : i32 to vector<16xi32>
        %parallel_loop3A_220 = arith.addi %parallel_loop3A_200, %parallel_loop3A_219 : vector<16xi32>
        %parallel_loop3A_221 = tpu.vector_load_idx %arg6[%parallel_loop3A_220] : memref<77104xf32, #tpu.memory_space<vmem>>[vector<16xi32>], vector<16xf32>,
        %parallel_loop3A_222 = arith.constant 1 : i32
        %parallel_loop3A_223 = vector.broadcast %parallel_loop3A_222 : i32 to vector<16xi32>
        %parallel_loop3A_224 = arith.addi %parallel_loop3A_210, %parallel_loop3A_223 : vector<16xi32>
        tpu.vector_store_idx %arg11[%parallel_loop3A_224], %parallel_loop3A_221 : memref<9648xf32, #tpu.memory_space<vmem>>[vector<16xi32>], vector<16xf32>,
        %parallel_loop3A_225 = arith.constant 2 : i32
        %parallel_loop3A_226 = vector.broadcast %parallel_loop3A_225 : i32 to vector<16xi32>
        %parallel_loop3A_227 = arith.addi %parallel_loop3A_200, %parallel_loop3A_226 : vector<16xi32>
        %parallel_loop3A_228 = tpu.vector_load_idx %arg6[%parallel_loop3A_227] : memref<77104xf32, #tpu.memory_space<vmem>>[vector<16xi32>], vector<16xf32>,
        %parallel_loop3A_229 = arith.constant 2 : i32
        %parallel_loop3A_230 = vector.broadcast %parallel_loop3A_229 : i32 to vector<16xi32>
        %parallel_loop3A_231 = arith.addi %parallel_loop3A_210, %parallel_loop3A_230 : vector<16xi32>
        tpu.vector_store_idx %arg11[%parallel_loop3A_231], %parallel_loop3A_228 : memref<9648xf32, #tpu.memory_space<vmem>>[vector<16xi32>], vector<16xf32>,
        %parallel_loop3A_232 = arith.index_cast %parallel_loop3A_99 : i32 to index
        %parallel_loop3A_233 = arith.constant 48 : index
        %parallel_loop3A_234 = tpu.vector_load %arg9[%parallel_loop3A_232, %parallel_loop3A_233] {strides = array<i32>} : memref<32x128xi32, #tpu.memory_space<vmem>>, vector<16xi32>,
        %parallel_loop3A_235 = arith.constant 48 : i32
        %parallel_loop3A_236 = vector.broadcast %parallel_loop3A_235 : i32 to vector<16xi32>
        %parallel_loop3A_237 = arith.addi %iota3A, %parallel_loop3A_236 : vector<16xi32>
        %parallel_loop3A_238 = arith.constant 771 : i32
        %parallel_loop3A_239 = vector.broadcast %parallel_loop3A_238 : i32 to vector<16xi32>
        %parallel_loop3A_240 = arith.muli %parallel_loop3A_237, %parallel_loop3A_239 : vector<16xi32>
        %parallel_loop3A_241 = arith.constant 3 : i32
        %parallel_loop3A_242 = vector.broadcast %parallel_loop3A_241 : i32 to vector<16xi32>
        %parallel_loop3A_243 = arith.muli %parallel_loop3A_234, %parallel_loop3A_242 : vector<16xi32>
        %parallel_loop3A_244 = arith.addi %parallel_loop3A_240, %parallel_loop3A_243 : vector<16xi32>
        %parallel_loop3A_245 = arith.constant 300 : i32
        %parallel_loop3A_246 = arith.muli %parallel_loop3A_99, %parallel_loop3A_245 : i32
        %parallel_loop3A_247 = arith.constant 48 : i32
        %parallel_loop3A_248 = vector.broadcast %parallel_loop3A_247 : i32 to vector<16xi32>
        %parallel_loop3A_249 = arith.addi %parallel_loop3A_248, %iota3A : vector<16xi32>
        %parallel_loop3A_250 = arith.constant 3 : i32
        %parallel_loop3A_251 = vector.broadcast %parallel_loop3A_250 : i32 to vector<16xi32>
        %parallel_loop3A_252 = arith.muli %parallel_loop3A_249, %parallel_loop3A_251 : vector<16xi32>
        %parallel_loop3A_253 = vector.broadcast %parallel_loop3A_246 : i32 to vector<16xi32>
        %parallel_loop3A_254 = arith.addi %parallel_loop3A_253, %parallel_loop3A_252 : vector<16xi32>
        %parallel_loop3A_255 = arith.constant 0 : i32
        %parallel_loop3A_256 = vector.broadcast %parallel_loop3A_255 : i32 to vector<16xi32>
        %parallel_loop3A_257 = arith.addi %parallel_loop3A_244, %parallel_loop3A_256 : vector<16xi32>
        %parallel_loop3A_258 = tpu.vector_load_idx %arg6[%parallel_loop3A_257] : memref<77104xf32, #tpu.memory_space<vmem>>[vector<16xi32>], vector<16xf32>,
        %parallel_loop3A_259 = arith.constant 0 : i32
        %parallel_loop3A_260 = vector.broadcast %parallel_loop3A_259 : i32 to vector<16xi32>
        %parallel_loop3A_261 = arith.addi %parallel_loop3A_254, %parallel_loop3A_260 : vector<16xi32>
        tpu.vector_store_idx %arg11[%parallel_loop3A_261], %parallel_loop3A_258 : memref<9648xf32, #tpu.memory_space<vmem>>[vector<16xi32>], vector<16xf32>,
        %parallel_loop3A_262 = arith.constant 1 : i32
        %parallel_loop3A_263 = vector.broadcast %parallel_loop3A_262 : i32 to vector<16xi32>
        %parallel_loop3A_264 = arith.addi %parallel_loop3A_244, %parallel_loop3A_263 : vector<16xi32>
        %parallel_loop3A_265 = tpu.vector_load_idx %arg6[%parallel_loop3A_264] : memref<77104xf32, #tpu.memory_space<vmem>>[vector<16xi32>], vector<16xf32>,
        %parallel_loop3A_266 = arith.constant 1 : i32
        %parallel_loop3A_267 = vector.broadcast %parallel_loop3A_266 : i32 to vector<16xi32>
        %parallel_loop3A_268 = arith.addi %parallel_loop3A_254, %parallel_loop3A_267 : vector<16xi32>
        tpu.vector_store_idx %arg11[%parallel_loop3A_268], %parallel_loop3A_265 : memref<9648xf32, #tpu.memory_space<vmem>>[vector<16xi32>], vector<16xf32>,
        %parallel_loop3A_269 = arith.constant 2 : i32
        %parallel_loop3A_270 = vector.broadcast %parallel_loop3A_269 : i32 to vector<16xi32>
        %parallel_loop3A_271 = arith.addi %parallel_loop3A_244, %parallel_loop3A_270 : vector<16xi32>
        %parallel_loop3A_272 = tpu.vector_load_idx %arg6[%parallel_loop3A_271] : memref<77104xf32, #tpu.memory_space<vmem>>[vector<16xi32>], vector<16xf32>,
        %parallel_loop3A_273 = arith.constant 2 : i32
        %parallel_loop3A_274 = vector.broadcast %parallel_loop3A_273 : i32 to vector<16xi32>
        %parallel_loop3A_275 = arith.addi %parallel_loop3A_254, %parallel_loop3A_274 : vector<16xi32>
        tpu.vector_store_idx %arg11[%parallel_loop3A_275], %parallel_loop3A_272 : memref<9648xf32, #tpu.memory_space<vmem>>[vector<16xi32>], vector<16xf32>,
        %parallel_loop3A_276 = arith.index_cast %parallel_loop3A_99 : i32 to index
        %parallel_loop3A_277 = arith.constant 64 : index
        %parallel_loop3A_278 = tpu.vector_load %arg9[%parallel_loop3A_276, %parallel_loop3A_277] {strides = array<i32>} : memref<32x128xi32, #tpu.memory_space<vmem>>, vector<16xi32>,
        %parallel_loop3A_279 = arith.constant 64 : i32
        %parallel_loop3A_280 = vector.broadcast %parallel_loop3A_279 : i32 to vector<16xi32>
        %parallel_loop3A_281 = arith.addi %iota3A, %parallel_loop3A_280 : vector<16xi32>
        %parallel_loop3A_282 = arith.constant 771 : i32
        %parallel_loop3A_283 = vector.broadcast %parallel_loop3A_282 : i32 to vector<16xi32>
        %parallel_loop3A_284 = arith.muli %parallel_loop3A_281, %parallel_loop3A_283 : vector<16xi32>
        %parallel_loop3A_285 = arith.constant 3 : i32
        %parallel_loop3A_286 = vector.broadcast %parallel_loop3A_285 : i32 to vector<16xi32>
        %parallel_loop3A_287 = arith.muli %parallel_loop3A_278, %parallel_loop3A_286 : vector<16xi32>
        %parallel_loop3A_288 = arith.addi %parallel_loop3A_284, %parallel_loop3A_287 : vector<16xi32>
        %parallel_loop3A_289 = arith.constant 300 : i32
        %parallel_loop3A_290 = arith.muli %parallel_loop3A_99, %parallel_loop3A_289 : i32
        %parallel_loop3A_291 = arith.constant 64 : i32
        %parallel_loop3A_292 = vector.broadcast %parallel_loop3A_291 : i32 to vector<16xi32>
        %parallel_loop3A_293 = arith.addi %parallel_loop3A_292, %iota3A : vector<16xi32>
        %parallel_loop3A_294 = arith.constant 3 : i32
        %parallel_loop3A_295 = vector.broadcast %parallel_loop3A_294 : i32 to vector<16xi32>
        %parallel_loop3A_296 = arith.muli %parallel_loop3A_293, %parallel_loop3A_295 : vector<16xi32>
        %parallel_loop3A_297 = vector.broadcast %parallel_loop3A_290 : i32 to vector<16xi32>
        %parallel_loop3A_298 = arith.addi %parallel_loop3A_297, %parallel_loop3A_296 : vector<16xi32>
        %parallel_loop3A_299 = arith.constant 0 : i32
        %parallel_loop3A_300 = vector.broadcast %parallel_loop3A_299 : i32 to vector<16xi32>
        %parallel_loop3A_301 = arith.addi %parallel_loop3A_288, %parallel_loop3A_300 : vector<16xi32>
        %parallel_loop3A_302 = tpu.vector_load_idx %arg6[%parallel_loop3A_301] : memref<77104xf32, #tpu.memory_space<vmem>>[vector<16xi32>], vector<16xf32>,
        %parallel_loop3A_303 = arith.constant 0 : i32
        %parallel_loop3A_304 = vector.broadcast %parallel_loop3A_303 : i32 to vector<16xi32>
        %parallel_loop3A_305 = arith.addi %parallel_loop3A_298, %parallel_loop3A_304 : vector<16xi32>
        tpu.vector_store_idx %arg11[%parallel_loop3A_305], %parallel_loop3A_302 : memref<9648xf32, #tpu.memory_space<vmem>>[vector<16xi32>], vector<16xf32>,
        %parallel_loop3A_306 = arith.constant 1 : i32
        %parallel_loop3A_307 = vector.broadcast %parallel_loop3A_306 : i32 to vector<16xi32>
        %parallel_loop3A_308 = arith.addi %parallel_loop3A_288, %parallel_loop3A_307 : vector<16xi32>
        %parallel_loop3A_309 = tpu.vector_load_idx %arg6[%parallel_loop3A_308] : memref<77104xf32, #tpu.memory_space<vmem>>[vector<16xi32>], vector<16xf32>,
        %parallel_loop3A_310 = arith.constant 1 : i32
        %parallel_loop3A_311 = vector.broadcast %parallel_loop3A_310 : i32 to vector<16xi32>
        %parallel_loop3A_312 = arith.addi %parallel_loop3A_298, %parallel_loop3A_311 : vector<16xi32>
        tpu.vector_store_idx %arg11[%parallel_loop3A_312], %parallel_loop3A_309 : memref<9648xf32, #tpu.memory_space<vmem>>[vector<16xi32>], vector<16xf32>,
        %parallel_loop3A_313 = arith.constant 2 : i32
        %parallel_loop3A_314 = vector.broadcast %parallel_loop3A_313 : i32 to vector<16xi32>
        %parallel_loop3A_315 = arith.addi %parallel_loop3A_288, %parallel_loop3A_314 : vector<16xi32>
        %parallel_loop3A_316 = tpu.vector_load_idx %arg6[%parallel_loop3A_315] : memref<77104xf32, #tpu.memory_space<vmem>>[vector<16xi32>], vector<16xf32>,
        %parallel_loop3A_317 = arith.constant 2 : i32
        %parallel_loop3A_318 = vector.broadcast %parallel_loop3A_317 : i32 to vector<16xi32>
        %parallel_loop3A_319 = arith.addi %parallel_loop3A_298, %parallel_loop3A_318 : vector<16xi32>
        tpu.vector_store_idx %arg11[%parallel_loop3A_319], %parallel_loop3A_316 : memref<9648xf32, #tpu.memory_space<vmem>>[vector<16xi32>], vector<16xf32>,
        %parallel_loop3A_320 = arith.index_cast %parallel_loop3A_99 : i32 to index
        %parallel_loop3A_321 = arith.constant 80 : index
        %parallel_loop3A_322 = tpu.vector_load %arg9[%parallel_loop3A_320, %parallel_loop3A_321] {strides = array<i32>} : memref<32x128xi32, #tpu.memory_space<vmem>>, vector<16xi32>,
        %parallel_loop3A_323 = arith.constant 80 : i32
        %parallel_loop3A_324 = vector.broadcast %parallel_loop3A_323 : i32 to vector<16xi32>
        %parallel_loop3A_325 = arith.addi %iota3A, %parallel_loop3A_324 : vector<16xi32>
        %parallel_loop3A_326 = arith.constant 771 : i32
        %parallel_loop3A_327 = vector.broadcast %parallel_loop3A_326 : i32 to vector<16xi32>
        %parallel_loop3A_328 = arith.muli %parallel_loop3A_325, %parallel_loop3A_327 : vector<16xi32>
        %parallel_loop3A_329 = arith.constant 3 : i32
        %parallel_loop3A_330 = vector.broadcast %parallel_loop3A_329 : i32 to vector<16xi32>
        %parallel_loop3A_331 = arith.muli %parallel_loop3A_322, %parallel_loop3A_330 : vector<16xi32>
        %parallel_loop3A_332 = arith.addi %parallel_loop3A_328, %parallel_loop3A_331 : vector<16xi32>
        %parallel_loop3A_333 = arith.constant 300 : i32
        %parallel_loop3A_334 = arith.muli %parallel_loop3A_99, %parallel_loop3A_333 : i32
        %parallel_loop3A_335 = arith.constant 80 : i32
        %parallel_loop3A_336 = vector.broadcast %parallel_loop3A_335 : i32 to vector<16xi32>
        %parallel_loop3A_337 = arith.addi %parallel_loop3A_336, %iota3A : vector<16xi32>
        %parallel_loop3A_338 = arith.constant 3 : i32
        %parallel_loop3A_339 = vector.broadcast %parallel_loop3A_338 : i32 to vector<16xi32>
        %parallel_loop3A_340 = arith.muli %parallel_loop3A_337, %parallel_loop3A_339 : vector<16xi32>
        %parallel_loop3A_341 = vector.broadcast %parallel_loop3A_334 : i32 to vector<16xi32>
        %parallel_loop3A_342 = arith.addi %parallel_loop3A_341, %parallel_loop3A_340 : vector<16xi32>
        %parallel_loop3A_343 = arith.constant 0 : i32
        %parallel_loop3A_344 = vector.broadcast %parallel_loop3A_343 : i32 to vector<16xi32>
        %parallel_loop3A_345 = arith.addi %parallel_loop3A_332, %parallel_loop3A_344 : vector<16xi32>
        %parallel_loop3A_346 = tpu.vector_load_idx %arg6[%parallel_loop3A_345] : memref<77104xf32, #tpu.memory_space<vmem>>[vector<16xi32>], vector<16xf32>,
        %parallel_loop3A_347 = arith.constant 0 : i32
        %parallel_loop3A_348 = vector.broadcast %parallel_loop3A_347 : i32 to vector<16xi32>
        %parallel_loop3A_349 = arith.addi %parallel_loop3A_342, %parallel_loop3A_348 : vector<16xi32>
        tpu.vector_store_idx %arg11[%parallel_loop3A_349], %parallel_loop3A_346 : memref<9648xf32, #tpu.memory_space<vmem>>[vector<16xi32>], vector<16xf32>,
        %parallel_loop3A_350 = arith.constant 1 : i32
        %parallel_loop3A_351 = vector.broadcast %parallel_loop3A_350 : i32 to vector<16xi32>
        %parallel_loop3A_352 = arith.addi %parallel_loop3A_332, %parallel_loop3A_351 : vector<16xi32>
        %parallel_loop3A_353 = tpu.vector_load_idx %arg6[%parallel_loop3A_352] : memref<77104xf32, #tpu.memory_space<vmem>>[vector<16xi32>], vector<16xf32>,
        %parallel_loop3A_354 = arith.constant 1 : i32
        %parallel_loop3A_355 = vector.broadcast %parallel_loop3A_354 : i32 to vector<16xi32>
        %parallel_loop3A_356 = arith.addi %parallel_loop3A_342, %parallel_loop3A_355 : vector<16xi32>
        tpu.vector_store_idx %arg11[%parallel_loop3A_356], %parallel_loop3A_353 : memref<9648xf32, #tpu.memory_space<vmem>>[vector<16xi32>], vector<16xf32>,
        %parallel_loop3A_357 = arith.constant 2 : i32
        %parallel_loop3A_358 = vector.broadcast %parallel_loop3A_357 : i32 to vector<16xi32>
        %parallel_loop3A_359 = arith.addi %parallel_loop3A_332, %parallel_loop3A_358 : vector<16xi32>
        %parallel_loop3A_360 = tpu.vector_load_idx %arg6[%parallel_loop3A_359] : memref<77104xf32, #tpu.memory_space<vmem>>[vector<16xi32>], vector<16xf32>,
        %parallel_loop3A_361 = arith.constant 2 : i32
        %parallel_loop3A_362 = vector.broadcast %parallel_loop3A_361 : i32 to vector<16xi32>
        %parallel_loop3A_363 = arith.addi %parallel_loop3A_342, %parallel_loop3A_362 : vector<16xi32>
        tpu.vector_store_idx %arg11[%parallel_loop3A_363], %parallel_loop3A_360 : memref<9648xf32, #tpu.memory_space<vmem>>[vector<16xi32>], vector<16xf32>,
        %parallel_loop3A_364 = arith.index_cast %parallel_loop3A_99 : i32 to index
        %parallel_loop3A_365 = arith.constant 96 : index
        %parallel_loop3A_366 = tpu.vector_load %arg9[%parallel_loop3A_364, %parallel_loop3A_365] {strides = array<i32>} : memref<32x128xi32, #tpu.memory_space<vmem>>, vector<16xi32>,
        %parallel_loop3A_367 = arith.constant 4 : i32
        %parallel_loop3A_368 = vector.broadcast %parallel_loop3A_367 : i32 to vector<16xi32>
        %parallel_loop3A_369 = arith.cmpi slt, %iota3A, %parallel_loop3A_368 : vector<16xi32>
        %parallel_loop3A_370 = arith.constant 96 : i32
        %parallel_loop3A_371 = vector.broadcast %parallel_loop3A_370 : i32 to vector<16xi32>
        %parallel_loop3A_372 = arith.addi %iota3A, %parallel_loop3A_371 : vector<16xi32>
        %parallel_loop3A_373 = arith.constant 771 : i32
        %parallel_loop3A_374 = vector.broadcast %parallel_loop3A_373 : i32 to vector<16xi32>
        %parallel_loop3A_375 = arith.muli %parallel_loop3A_372, %parallel_loop3A_374 : vector<16xi32>
        %parallel_loop3A_376 = arith.constant 3 : i32
        %parallel_loop3A_377 = vector.broadcast %parallel_loop3A_376 : i32 to vector<16xi32>
        %parallel_loop3A_378 = arith.muli %parallel_loop3A_366, %parallel_loop3A_377 : vector<16xi32>
        %parallel_loop3A_379 = arith.addi %parallel_loop3A_375, %parallel_loop3A_378 : vector<16xi32>
        %parallel_loop3A_380 = arith.constant 300 : i32
        %parallel_loop3A_381 = arith.muli %parallel_loop3A_99, %parallel_loop3A_380 : i32
        %parallel_loop3A_382 = arith.constant 96 : i32
        %parallel_loop3A_383 = vector.broadcast %parallel_loop3A_382 : i32 to vector<16xi32>
        %parallel_loop3A_384 = arith.addi %parallel_loop3A_383, %iota3A : vector<16xi32>
        %parallel_loop3A_385 = arith.constant 3 : i32
        %parallel_loop3A_386 = vector.broadcast %parallel_loop3A_385 : i32 to vector<16xi32>
        %parallel_loop3A_387 = arith.muli %parallel_loop3A_384, %parallel_loop3A_386 : vector<16xi32>
        %parallel_loop3A_388 = vector.broadcast %parallel_loop3A_381 : i32 to vector<16xi32>
        %parallel_loop3A_389 = arith.addi %parallel_loop3A_388, %parallel_loop3A_387 : vector<16xi32>
        %parallel_loop3A_390 = arith.constant 0 : i32
        %parallel_loop3A_391 = vector.broadcast %parallel_loop3A_390 : i32 to vector<16xi32>
        %parallel_loop3A_392 = arith.addi %parallel_loop3A_379, %parallel_loop3A_391 : vector<16xi32>
        %parallel_loop3A_393 = tpu.vector_load_idx %arg6[%parallel_loop3A_392] masked %parallel_loop3A_369 : memref<77104xf32, #tpu.memory_space<vmem>>[vector<16xi32>], vector<16xf32>, vector<16xi1>
        %parallel_loop3A_394 = arith.constant 0 : i32
        %parallel_loop3A_395 = vector.broadcast %parallel_loop3A_394 : i32 to vector<16xi32>
        %parallel_loop3A_396 = arith.addi %parallel_loop3A_389, %parallel_loop3A_395 : vector<16xi32>
        tpu.vector_store_idx %arg11[%parallel_loop3A_396], %parallel_loop3A_393 masked %parallel_loop3A_369 : memref<9648xf32, #tpu.memory_space<vmem>>[vector<16xi32>], vector<16xf32>, vector<16xi1>
        %parallel_loop3A_397 = arith.constant 1 : i32
        %parallel_loop3A_398 = vector.broadcast %parallel_loop3A_397 : i32 to vector<16xi32>
        %parallel_loop3A_399 = arith.addi %parallel_loop3A_379, %parallel_loop3A_398 : vector<16xi32>
        %parallel_loop3A_400 = tpu.vector_load_idx %arg6[%parallel_loop3A_399] masked %parallel_loop3A_369 : memref<77104xf32, #tpu.memory_space<vmem>>[vector<16xi32>], vector<16xf32>, vector<16xi1>
        %parallel_loop3A_401 = arith.constant 1 : i32
        %parallel_loop3A_402 = vector.broadcast %parallel_loop3A_401 : i32 to vector<16xi32>
        %parallel_loop3A_403 = arith.addi %parallel_loop3A_389, %parallel_loop3A_402 : vector<16xi32>
        tpu.vector_store_idx %arg11[%parallel_loop3A_403], %parallel_loop3A_400 masked %parallel_loop3A_369 : memref<9648xf32, #tpu.memory_space<vmem>>[vector<16xi32>], vector<16xf32>, vector<16xi1>
        %parallel_loop3A_404 = arith.constant 2 : i32
        %parallel_loop3A_405 = vector.broadcast %parallel_loop3A_404 : i32 to vector<16xi32>
        %parallel_loop3A_406 = arith.addi %parallel_loop3A_379, %parallel_loop3A_405 : vector<16xi32>
        %parallel_loop3A_407 = tpu.vector_load_idx %arg6[%parallel_loop3A_406] masked %parallel_loop3A_369 : memref<77104xf32, #tpu.memory_space<vmem>>[vector<16xi32>], vector<16xf32>, vector<16xi1>
        %parallel_loop3A_408 = arith.constant 2 : i32
        %parallel_loop3A_409 = vector.broadcast %parallel_loop3A_408 : i32 to vector<16xi32>
        %parallel_loop3A_410 = arith.addi %parallel_loop3A_389, %parallel_loop3A_409 : vector<16xi32>
        tpu.vector_store_idx %arg11[%parallel_loop3A_410], %parallel_loop3A_407 masked %parallel_loop3A_369 : memref<9648xf32, #tpu.memory_space<vmem>>[vector<16xi32>], vector<16xf32>, vector<16xi1>
      } {sc.loop_unroll_factor = 2 : i64, sc.parallel_access}
      %mul3A_88 = arith.constant 32 : i32
      %mul3A_89 = arith.muli %add3A_68, %mul3A_88 : i32
      %add3A_90 = arith.addi %mul3A_2, %mul3A_89 : i32
      %mul3A_91 = arith.constant 300 : i32
      %mul3A_92 = arith.muli %add3A_90, %mul3A_91 : i32
      %dma_start3A_93 = arith.constant 0 : i32
      %dma_start3A_94 = tpu.memref_slice %arg11[%dma_start3A_93] : memref<9648xf32, #tpu.memory_space<vmem>> -> memref<9600xf32, #tpu.memory_space<vmem>>
      %dma_start3A_95 = tpu.memref_slice %arg5[%mul3A_92] : memref<61440000xf32, #tpu.memory_space<hbm>> -> memref<9600xf32, #tpu.memory_space<hbm>>
      %dma_start3A_96 = tpu.memref_slice %arg5[%mul3A_92] : memref<61440000xf32, #tpu.memory_space<hbm>> -> memref<9600xf32, #tpu.memory_space<hbm>>
      %dma_start3A_97 = arith.constant 0 : i32
      %dma_start3A_98 = tpu.memref_slice %arg11[%dma_start3A_97] : memref<9648xf32, #tpu.memory_space<vmem>> -> memref<9600xf32, #tpu.memory_space<vmem>>
      tpu.enqueue_dma source(%dma_start3A_98 : memref<9600xf32, #tpu.memory_space<vmem>>) target(%dma_start3A_96 : memref<9600xf32, #tpu.memory_space<hbm>>) target_semaphore(%arg15 : memref<!tpu.dma_semaphore, #tpu.memory_space<semaphore_mem>>)
    }
    %scan3A_15 = arith.constant 100 : i32
    %add3A_16 = arith.constant 6336 : i32
    %add3A_17 = arith.addi %mul3A_2, %add3A_16 : i32
    %mul3A_18 = arith.constant 300 : i32
    %mul3A_19 = arith.muli %add3A_17, %mul3A_18 : i32
    %dma_wait3A = arith.constant 0 : i32
    %dma_wait3A_20 = tpu.memref_slice %arg10[%dma_wait3A] : memref<9648xf32, #tpu.memory_space<vmem>> -> memref<9600xf32, #tpu.memory_space<vmem>>
    %dma_wait3A_21 = tpu.memref_slice %arg5[%mul3A_19] : memref<61440000xf32, #tpu.memory_space<hbm>> -> memref<9600xf32, #tpu.memory_space<hbm>>
    %dma_wait3A_22 = tpu.memref_slice %arg5[%mul3A_19] : memref<61440000xf32, #tpu.memory_space<hbm>> -> memref<9600xf32, #tpu.memory_space<hbm>>
    %dma_wait3A_23 = arith.constant 0 : i32
    %dma_wait3A_24 = tpu.memref_slice %arg10[%dma_wait3A_23] : memref<9648xf32, #tpu.memory_space<vmem>> -> memref<9600xf32, #tpu.memory_space<vmem>>
    tpu.wait_dma2 semaphore(%arg14 : memref<!tpu.dma_semaphore, #tpu.memory_space<semaphore_mem>>) src(%dma_wait3A_24 : memref<9600xf32, #tpu.memory_space<vmem>>) dst(%dma_wait3A_22 : memref<9600xf32, #tpu.memory_space<hbm>>)
    %add3A_25 = arith.constant 6368 : i32
    %add3A_26 = arith.addi %mul3A_2, %add3A_25 : i32
    %mul3A_27 = arith.constant 300 : i32
    %mul3A_28 = arith.muli %add3A_26, %mul3A_27 : i32
    %dma_wait3A_29 = arith.constant 0 : i32
    %dma_wait3A_30 = tpu.memref_slice %arg11[%dma_wait3A_29] : memref<9648xf32, #tpu.memory_space<vmem>> -> memref<9600xf32, #tpu.memory_space<vmem>>
    %dma_wait3A_31 = tpu.memref_slice %arg5[%mul3A_28] : memref<61440000xf32, #tpu.memory_space<hbm>> -> memref<9600xf32, #tpu.memory_space<hbm>>
    %dma_wait3A_32 = tpu.memref_slice %arg5[%mul3A_28] : memref<61440000xf32, #tpu.memory_space<hbm>> -> memref<9600xf32, #tpu.memory_space<hbm>>
    %dma_wait3A_33 = arith.constant 0 : i32
    %dma_wait3A_34 = tpu.memref_slice %arg11[%dma_wait3A_33] : memref<9648xf32, #tpu.memory_space<vmem>> -> memref<9600xf32, #tpu.memory_space<vmem>>
    tpu.wait_dma2 semaphore(%arg15 : memref<!tpu.dma_semaphore, #tpu.memory_space<semaphore_mem>>) src(%dma_wait3A_34 : memref<9600xf32, #tpu.memory_space<vmem>>) dst(%dma_wait3A_32 : memref<9600xf32, #tpu.memory_space<hbm>>)
    return
  }
}

</mosaic_0001>

<sc_bundles>
// kernel: kernel.3.cloned.1.call-start
scs
__scs_entry_jumppad:
0x0: {  	(pc) =	sbr.rel $0x88, $3  }
0x1: {  	(tag) =	ssettag $0x0;
	lr =	simm.s32 $0x1  }
0x2: {  	[smem:$0x3F9E] =	sst lr;
	_ =	strace $0xD0000000  }
0x3: {  	_ = 	snop  }
0x4: {  	_ = 	snop  }
0x5: {  	_ = 	snop  }
0x6: {  	_ = 	snop  }
0x7: {  	_ = 	snop  }
__scs_overlays_trampoline_lowered:
0x8: {  	[smem:$0x3FAD] =	sst s0  }
0x9: {  	[smem:$0x3FAE] =	sst s1  }
0xa: {  	[smem:$0x3FAF] =	sst s2  }
0xb: {  	[smem:$0x3FB0] =	sst s3  }
0xc: {  	[smem:$0x3FB1] =	sst s4  }
0xd: {  	[smem:$0x3FB2] =	sst s5  }
0xe: {  	[smem:$0x3FB3] =	sst s6  }
0xf: {  	[smem:$0x3FB4] =	sst s7  }
0x10: {  	[smem:$0x3FB5] =	sst s8  }
0x11: {  	[smem:$0x3FB6] =	sst s9;
	s0 =	simm.s32 @!p0 $0x0  }
0x12: {  	s1 =	sld [smem:$0x3F9C];
	s0 =	simm.s32 @p0 $0x1  }
0x13: {  	[smem:$0x3FB7] =	sst s0;
	s0 =	simm.s32 @!p1 $0x0  }
0x14: {  	s2 =	sld [smem:$0x3F9B];
	s0 =	simm.s32 @p1 $0x1  }
0x15: {  	[smem:$0x3FB8] =	sst s0;
	s0 =	simm.s32 @!p2 $0x0  }
0x16: {  	s3 =	sld [smem:$0x3FDB];
	s0 =	simm.s32 @p2 $0x1  }
0x17: {  	s4 =	simm.s32 $0x1BF5;
	[smem:$0x3FBA] =	sst s0  }
0x18: {  	s0 =	sld [smem:$0x3F9D];
	_ =	swait.ge [sflag:s4], $0x0  }
0x19: {  	s7 =	sld [smem:$0x3F9E]  }
0x1a: {  	s8 =	sadd.s32 $0xFFFFE003, lr  }
0x1b: {  	s9 =	sadd.s32 $0xFFFFFEF7, lr;
	s5 =	simm.s32 $0xFFFFFFFF;
	p2 =	slt.u32 s8, $0xFFFFF086  }
0x1c: {  	p1 =	slt.u32 s9, $0xF7A;
	s5 =	simm.s32 @!p2 $0x0  }
0x1d: {  	s5 =	simm.s32 @p1 $0x1;
	p0 =	seq.s32 s7, s2  }
0x1e: {  	s7 =	smul.u32 @!p0 $0xF7A, s2;
	p2 =	seq.s32 @!p0 s5, $0x0  }
0x1f: {  	s9 =	smul.u32 $0xF7A, s1;
	s8 =	simm.s32 @!p0 $0x1BF5;
	p2 =	por !p2, p0  }
0x20: {  	[sflag:s8] =	ssyncset.s32 @!p0 $0xFFFFF086;
	s6 =	sadd.s32 @!p0 s3, s7;
	s7 =	simm.s32 @!p0 $0x108  }
0x21: {  	s3 =	sadd.s32 s3, s9;
	s6 =	sadd.s32 @!p0 $0x88, s6;
	s7 =	simm.s32 @p2 $0x1082  }
0x22: {  	[simem:s7], [sflag:s8] =	dma.local @!p0 [hbm:s6], $0xF7A  }
0x23: {  	s9 =	sor.u32 $0xD0000000, s2;
	s6 =	simm.s32 $0x108;
	_ =	swait.ge @!p0 [sflag:s8], $0x0  }
0x24: {  	s3 =	sadd.s32 $0x88, s3;
	s6 =	simm.s32 @!p1 $0x1082;
	[sflag:s4] =	ssyncset.s32 $0xFFFFF086  }
0x25: {  	[simem:s6], [sflag:s4] =	dma.local [hbm:s3], $0xF7A  }
0x26: {  	[smem:$0x3F9E] =	sst s1;
	(tag) =	ssettag s2;
	_ =	strace s9  }
0x27: {  	s1 =	sld [smem:$0x3FAE]  }
0x28: {  	s2 =	sld [smem:$0x3FAF]  }
0x29: {  	s4 =	sld [smem:$0x3FB1]  }
0x2a: {  	p0 =	seq.s32 s5, $0x0;
	s5 =	sld [smem:$0x3FB2]  }
0x2b: {  	s6 =	sld [smem:$0x3FB3]  }
0x2c: {  	s7 =	sld [smem:$0x3FB4]  }
0x2d: {  	s3 =	simm.s32 $0x108;
	s8 =	sld [smem:$0x3FB5]  }
0x2e: {  	s3 =	simm.s32 @!p0 $0x1082;
	s9 =	sld [smem:$0x3FB6]  }
0x2f: {  	lr =	sadd.s32 s0, s3;
	s0 =	sld [smem:$0x3FAD]  }
0x30: {  	s3 =	sld [smem:$0x3FB0]  }
0x31: {  	[smem:$0x3FB9] =	sst s10  }
0x32: {  	s10 =	sld [smem:$0x3FB7];
	_ =	sdelay $0x3  }
0x33: {  	p0 =	seq.s32 s10, $0x1;
	s10 =	sld [smem:$0x3FB9];
	_ =	sdelay $0x3  }
0x34: {  	[smem:$0x3FB9] =	sst s10  }
0x35: {  	s10 =	sld [smem:$0x3FB8];
	_ =	sdelay $0x3  }
0x36: {  	p1 =	seq.s32 s10, $0x1;
	s10 =	sld [smem:$0x3FB9];
	_ =	sdelay $0x3  }
0x37: {  	[smem:$0x3FB9] =	sst s10  }
0x38: {  	s10 =	sld [smem:$0x3FBA]  }
0x39: {  	_ = 	snop;
	(pc) =	sbr.ind lr, $3  }
0x3a: {  	_ = 	snop  }
0x3b: {  	_ = 	snop  }
0x3c: {  	p2 =	seq.s32 s10, $0x1;
	s10 =	sld [smem:$0x3FB9]  }
0x3d: {  	_ =	shalt  }
0x3e: {  	_ =	shalt  }
0x3f: {  	_ =	shalt  }
0x40: {  	_ =	shalt  }
0x41: {  	_ =	shalt  }
0x42: {  	_ =	shalt  }
0x43: {  	_ =	shalt  }
0x44: {  	_ =	shalt  }
0x45: {  	_ =	shalt  }
0x46: {  	_ =	shalt  }
0x47: {  	_ =	shalt  }
0x48: {  	_ =	shalt  }
0x49: {  	_ =	shalt  }
0x4a: {  	_ =	shalt  }
0x4b: {  	_ =	shalt  }
0x4c: {  	_ =	shalt  }
0x4d: {  	_ =	shalt  }
0x4e: {  	_ =	shalt  }
0x4f: {  	_ =	shalt  }
0x50: {  	_ =	shalt  }
0x51: {  	_ =	shalt  }
0x52: {  	_ =	shalt  }
0x53: {  	_ =	shalt  }
0x54: {  	_ =	shalt  }
0x55: {  	_ =	shalt  }
0x56: {  	_ =	shalt  }
0x57: {  	_ =	shalt  }
0x58: {  	_ =	shalt  }
0x59: {  	_ =	shalt  }
0x5a: {  	_ =	shalt  }
0x5b: {  	_ =	shalt  }
0x5c: {  	_ =	shalt  }
0x5d: {  	_ =	shalt  }
0x5e: {  	_ =	shalt  }
0x5f: {  	_ =	shalt  }
0x60: {  	_ =	shalt  }
0x61: {  	_ =	shalt  }
0x62: {  	_ =	shalt  }
0x63: {  	_ =	shalt  }
0x64: {  	_ =	shalt  }
0x65: {  	_ =	shalt  }
0x66: {  	_ =	shalt  }
0x67: {  	_ =	shalt  }
0x68: {  	_ =	shalt  }
0x69: {  	_ =	shalt  }
0x6a: {  	_ =	shalt  }
0x6b: {  	_ =	shalt  }
0x6c: {  	_ =	shalt  }
0x6d: {  	_ =	shalt  }
0x6e: {  	_ =	shalt  }
0x6f: {  	_ =	shalt  }
0x70: {  	_ =	shalt  }
0x71: {  	_ =	shalt  }
0x72: {  	_ =	shalt  }
0x73: {  	_ =	shalt  }
0x74: {  	_ =	shalt  }
0x75: {  	_ =	shalt  }
0x76: {  	_ =	shalt  }
0x77: {  	_ =	shalt  }
0x78: {  	_ =	shalt  }
0x79: {  	_ =	shalt  }
0x7a: {  	_ =	shalt  }
0x7b: {  	_ =	shalt  }
0x7c: {  	_ =	shalt  }
0x7d: {  	_ =	shalt  }
0x7e: {  	_ =	shalt  }
0x7f: {  	_ =	shalt  }
0x80: {  	_ =	shalt  }
0x81: {  	_ =	shalt  }
0x82: {  	_ =	shalt  }
0x83: {  	_ =	shalt  }
0x84: {  	_ =	shalt  }
0x85: {  	_ =	shalt  }
0x86: {  	_ =	shalt  }
0x87: {  	_ =	shalt  }
.Lfunc_end0:
.L_simem_size_0:
called_computation.1_lowered:
.L_overlay_start_0:
0x88: {  	s2 =	sld [smem:$0x3FD9]  }
0x89: {  	s3 =	sld [smem:$0x3FFE];
	_ =	sdelay $0x1  }
0x8a: {  	s1 =	srdreg.scid  }
0x8b: {  	s0 =	sand.u32 $0x1, s1  }
0x8c: {  	s17 =	sshll.u32 s0, $0xA;
	s2 =	sadd.s32 s3, s2  }
0x8d: {  	s2 =	sadd.s32 s2, s17  }
0x8e: {  	[smem:$0x3FC5] =	sst s2  }
0x8f: {  	_ = 	snop  }
0x90: {  	s2 =	sld [smem:$0x3FD0];
	(tm) =	ssettm $0x1  }
0x91: {  	s18 =	sld [smem:$0x3FFB];
	_ =	sdelay $0x3  }
0x92: {  	_ =	strace s18  }
0x93: {  	s3 =	sld [smem:$0x3FFC];
	_ =	sdelay $0x3  }
0x94: {  	_ =	strace s3  }
0x95: {  	s3 =	sld [smem:$0x3FFD];
	_ =	sdelay $0x3  }
0x96: {  	_ =	strace s3  }
0x97: {  	_ =	strace $0x8FFFFFFF  }
0x98: {  	s19 =	sld [smem:$0x3FDB];
	_ =	sdelay $0x1  }
0x99: {  	s4 =	simm.s32 $_scs_section_size  }
0x9a: {  	s5 =	simm.s32 $_size__tile_overlayer_lowered;
	s6 =	simm.s32 $_tile_overlayer_lowered  }
0x9b: {  	s22 =	simm.s32 $0x1BFF;
	s21 =	sshll.u32 s6, $0x1;
	s3 =	sadd.s32 s4, s19  }
0x9c: {  	s7 =	simm.s32 $0x0;
	s20 =	sshll.u32 s5, $0x1;
	s5 =	sadd.s32 s21, s3  }
0x9d: {  	[timem:s7], [sflag:s22] =	dma.local [hbm:s5], s20  }
0x9e: {  	_ =	swait.ge [sflag:s22], s20  }
0x9f: {  	s4 =	ssub.s32 $0x0, s20;
	[sflag:s22] =	ssyncset.done $0x0  }
0xa0: {  	[sflag:s22] =	ssyncadd.s32 s4;
	_ =	sdelay $0x1  }
0xa1: {  	s23 =	simm.s32 $0x1B8B  }
0xa2: {  	_ =	swait.ge [sflag:s23], $0x1  }
0xa3: {  	[sflag:s23] =	ssyncset.done $0x0  }
0xa4: {  	s25 =	simm.s32 $0x1B8E;
	s24 =	sld [smem:$0x3FFE];
	[sflag:s23] =	ssyncadd.s32 $0xFFFFFFFF  }
0xa5: {  	s26 =	simm.s32 $execute0_lowered;
	[smem:$0x3FD2] =	sst s25  }
0xa6: {  	s5 =	sshll.u32 s26, $0x1;
	_ =	strace $0x80000046;
	[dreg:$0x1] =	wrdreg $0xFFFFFFFF  }
0xa7: {  	s28 =	simm.s32 $_size_execute0_lowered;
	s3 =	sadd.s32 s3, s5;
	[dreg:$0x0] =	wrdreg $0x0  }
0xa8: {  	s5 =	sshll.u32 s28, $0x1;
	[dreg:$0x2] =	wrdreg s3  }
0xa9: {  	[dreg:$0x3] =	wrdreg s5  }
0xaa: {  	[dreg:$0x4] =	wrdreg $0xC0  }
0xab: {  	_ =	task [dreg:s7], $0x5FFFF  }
0xac: {  	[dreg:$0x1] =	wrdreg $0xFFFFFFFF  }
0xad: {  	[dreg:$0x0] =	wrdreg $0x60  }
0xae: {  	[dreg:$0x2] =	wrdreg s24  }
0xaf: {  	[dreg:$0x3] =	wrdreg s2  }
0xb0: {  	[dreg:$0x4] =	wrdreg $0x9  }
0xb1: {  	_ =	task.clear_ibuf [dreg:s7], $0x5FFFF;
	_ =	strace $0x90000046  }
0xb2: {  	s29 =	simm.s32 $0x9;
	_ =	strace $0x80000048  }
0xb3: {  	_ =	swait.ge [sflag:s29], $0x1  }
0xb4: {  	[sflag:s29] =	ssyncadd.s32 $0xFFFFFFFF  }
0xb5: {  	_ =	strace $0x90000048  }
0xb6: {  	_ =	sfence  }
0xb7: {  	s30 =	sld [smem:$0x0];
	_ =	sdelay $0x2  }
0xb8: {  	s31 =	sshll.u32 s1, $0xD;
	s1 =	sshrl.u32 s1, $0x2  }
0xb9: {  	s3 =	sand.u32 $0x4000, s31;
	s1 =	sadd.s32 s1, s30  }
0xba: {  	s0 =	sor.u32 s3, s0;
	s1 =	sshll.u32 s1, $0x11  }
0xbb: {  	s0 =	sor.u32 s1, s0  }
0xbc: {  	s0 =	sadd.s32 $0x8F2B, s0  }
0xbd: {  	[sflag:s0] =	ssyncadd.remote.s32 $0x1  }
0xbe: {  	_ =	sfence.sel $0xFFFF  }
0xbf: {  	[dreg:$0x0] =	wrdreg $0xFFFFFFFF;
	(pc) =	sbr.abs _section_cstart, $3  }
0xc0: {  	[dreg:$0x1] =	wrdreg $0xFFFFFFFF  }
0xc1: {  	_ =	task.clear_ibuf [dreg:s7], $0x2FFFF;
	_ =	strace $0x9FFFFFFF  }
0xc2: {  	(tm) =	ssettm $0x7FFFFFFF  }
0xc3: {  	_ =	shalt  }
tec
execute0_lowered:
.L_overlay_start_1:
0x0: {  	(tag) =	ssettag $0x1  }
0x1: {  	v0 =	vlaneseq.u32;
	s0 =	srdreg.scid;
	s2 =	stileid.u32  }
0x2: {  	v6 =	vmul.u32 $0x303, v0;
	s0 =	sand.u32 $0x1, s0;
	s3 =	sshll.u32 s2, $0x1  }
0x3: {  	s1 =	rddreg [dreg:$0x0];
	v12 =	vmul.u32 $0x3, v0;
	s5 =	sor.u32 s0, s3;
	s3 =	simm.s32 $0x0  }
0x4: {  	[smem:$0x7FF] =	sst s3;
	v63 =	vadd.s32 $0x12122, v6  }
0x5: {  	s2 =	rddreg [dreg:$0x1];
	v1 =	vadd.s32 $0x121, v12;
	_ =	strace $0x80000047;
	[tilespmem:$0x1FED0] =	vst v63  }
0x6: {  	v2 =	vadd.s32 $0x122, v12;
	[tilespmem:$0x1FEE0] =	vst v1  }
0x7: {  	v3 =	vadd.s32 $0x12120, v6;
	[tilespmem:$0x1FEF0] =	vst v2  }
0x8: {  	v4 =	vadd.s32 $0x12121, v6;
	[tilespmem:$0x1FF00] =	vst v3  }
0x9: {  	v57 =	vadd.s32 $0xF0F2, v6;
	[tilespmem:$0x1FF10] =	vst v4  }
0xa: {  	v11 =	vadd.s32 $0x120, v12;
	[tilespmem:$0x1FF20] =	vst v57  }
0xb: {  	v10 =	vadd.s32 $0xF2, v12;
	[tilespmem:$0x1FF30] =	vst v11  }
0xc: {  	v56 =	vadd.s32 $0xF1, v12;
	[tilespmem:$0x1FF40] =	vst v10  }
0xd: {  	v7 =	vadd.s32 $0xF0, v12;
	[tilespmem:$0x1FF50] =	vst v56  }
0xe: {  	v13 =	vadd.s32 $0x1, v6;
	v14 =	vadd.s32 $0x1, v12;
	v38 =	vadd.s32 $0xF0F1, v6;
	[tilespmem:$0x1FF60] =	vst v7  }
0xf: {  	v15 =	vadd.s32 $0x2, v6;
	v16 =	vadd.s32 $0x2, v12;
	v17 =	vadd.s32 $0x3030, v6;
	[tilespmem:$0x1FF70] =	vst v38  }
0x10: {  	v18 =	vadd.s32 $0x30, v12;
	v19 =	vadd.s32 $0x3031, v6;
	v41 =	vadd.s32 $0xC2, v12;
	[tilespmem:$0x1FF80] =	vst v6  }
0x11: {  	s9 =	simm.s32 $0x5;
	s11 =	simm.s32 $0x20;
	s0 =	ssub.s32 $0x2, s0;
	v20 =	vadd.s32 $0x31, v12;
	v21 =	vadd.s32 $0x3032, v6;
	v39 =	vor.u32 $0xC0, v12;
	[tilespmem:$0x1FF90] =	vst v41  }
0x12: {  	s13 =	simm.s32 $0x1;
	v22 =	vadd.s32 $0x32, v12;
	v23 =	vadd.s32 $0x6060, v6;
	s4 =	smul.u32 $0xC80, s5;
	s6 =	sshrl.u32 s0, $0x1;
	v37 =	vadd.s32 $0xC0C2, v6;
	[tilespmem:$0x1FFA0] =	vst v39  }
0x13: {  	s14 =	simm.s32 $0x1A180;
	s15 =	simm.s32 $0x1B180;
	v24 =	vadd.s32 $0x60, v12;
	v25 =	vadd.s32 $0x6061, v6;
	v35 =	vadd.s32 $0xC0C0, v6;
	s0 =	ssub.s32 s0, s6;
	[tilespmem:$0x1FFB0] =	vst v37  }
0x14: {  	v26 =	vadd.s32 $0x61, v12;
	v27 =	vadd.s32 $0x6062, v6;
	v40 =	vadd.s32 $0xF0F0, v6;
	[tilespmem:$0x1FFC0] =	vst v35;
	s7 =	sadd.s32 s4, s1;
	s4 =	sadd.s32 $0x1C000, s1;
	s1 =	sadd.s32 $0x19A00, s1  }
0x15: {  	s16 =	simm.s32 $0x2;
	v28 =	vadd.s32 $0x62, v12;
	v29 =	vadd.s32 $0x9090, v6;
	v9 =	vadd.s32 $0xC1, v12;
	[tilespmem:$0x1FFD0] =	vst v40;
	s0 =	smax.u32 s0, $0x1;
	[dreg:$0x3] =	wrdreg s1  }
0x16: {  	s17 =	simm.s32 $0x1D780;
	v30 =	vadd.s32 $0x90, v12;
	v31 =	vadd.s32 $0x9091, v6;
	v8 =	vadd.s32 $0xC0C1, v6;
	[tilespmem:$0x1FFE0] =	vst v9;
	s31 =	sadd.s32 $0xA00, s7;
	[dreg:$0x5] =	wrdreg s0  }
0x17: {  	s20 =	simm.s32 $0x0;
	v32 =	vadd.s32 $0x91, v12;
	v33 =	vadd.s32 $0x9092, v6;
	v34 =	vadd.s32 $0x92, v12;
	s6 =	smul.u32 $0x1900, s5;
	[tilespmem:$0x1FFF0] =	vst v8;
	[dreg:$0x4] =	wrdreg s31  }
.LBB2_1:
0x18: {  	s0 =	rddreg [dreg:$0x3]  }
0x19: {  	[tilespmem:s3], [sflag:$0x5] =	stream.linear.gather [hbm4b:s0+s3], $0x12D80, $0x38;
	[tilespmem:$0x1FD80] =	vst v63  }
0x1a: {  	_ =	swait.ge [sflag:s9], $0x12D80  }
0x1b: {  	[sflag:s9] =	ssyncset.done $0x0  }
0x1c: {  	s1 =	simm.s32 $0x12D80;
	s30 =	rddreg [dreg:$0x4];
	[sflag:s9] =	ssyncadd.s32 $0xFFFED280  }
0x1d: {  	[tilespmem:s1], [sflag:$0x5] =	stream.linear.gather [hbm4b:s30+s3], $0x6400, $0x38;
	[tilespmem:$0x1FD80] =	vst v63  }
0x1e: {  	_ =	swait.ge [sflag:s9], $0x6400  }
0x1f: {  	[sflag:s9] =	ssyncset.done $0x0  }
0x20: {  	s31 =	simm.s32 $0x19180;
	s21 =	simm.s32 $0x0;
	[sflag:s9] =	ssyncadd.s32 $0xFFFF9C00  }
0x21: {  	[tilespmem:s31], [sflag:$0x1] =	stream.indirect.gather [hbm4b:s4+s11], $0x80, s1, s11, $0xb8;
	[tilespmem:$0x1FD80] =	vst v63  }
.LBB2_2:
0x22: {  	_ =	swait.ge [sflag:s13], $0x1000;
	s0 =	sshll.u32 s21, $0x8  }
0x23: {  	[sflag:s13] =	ssyncset.done $0x0;
	s22 =	sand.u32 $0x3FFFFF00, s0  }
0x24: {  	p0 =	seq.s32 s21, $0x0;
	[sflag:s13] =	ssyncadd.s32 $0xFFFFF000;
	s0 =	sadd.s32 $0x12E00, s22  }
0x25: {  	[tilespmem:s14], [sflag:$0x2] =	stream.indirect.gather [hbm4b:s4+s11], $0x80, s0, s11, $0xb8;
	[tilespmem:$0x1FD80] =	vst v63  }
0x26: {  	s0 =	simm.s32 @!p0 $0x3  }
0x27: {  	_ =	swait.ge @!p0 [sflag:s0], $0x2580  }
0x28: {  	[sflag:s0] =	ssyncset.done @!p0 $0x0  }
0x29: {  	s12 =	simm.s32 $0x19200;
	[sflag:s0] =	ssyncadd.s32 @!p0 $0xFFFFDA80  }
0x2a: {  	v0 =	vld [tilespmem:s12+$0x0]  }
0x2b: {  	v1 =	vld [tilespmem:s12+$0xFFFFFF80];
	_ =	sdelay $0x3  }
0x2c: {  	v0 =	vmul.u32 $0x3, v0  }
0x2d: {  	v1 =	vmul.u32 $0x3, v1  }
0x2e: {  	v2 =	vadd.s32 v6, v0  }
0x2f: {  	v42 =	vadd.s32 v6, v1;
	_ =	sdelay $0x2  }
0x30: {  	s24 =	simm.s32 $0x12C  }
0x31: {  	s23 =	simm.s32 $0x0;
	v43 =	vadd.s32 s24, v12;
	v2 =	vld.idx.msk [tilespmem:v2+s3+$0x0], $0xffff  }
0x32: {  	v44 =	vadd.s32 s23, v12;
	v45 =	vadd.s32 v13, v0;
	v42 =	vld.idx.msk [tilespmem:v42+s3+$0x0], $0xffff  }
0x33: {  	v46 =	vadd.s32 v13, v1;
	_ =	sdelay $0x2  }
0x34: {  	[tilespmem:v43+s15+$0x0] =	vst.idx.msk $0xffff, v2  }
0x35: {  	v58 =	vadd.s32 s24, v14;
	[tilespmem:v44+s15+$0x0] =	vst.idx.msk $0xffff, v42;
	v2 =	vld.idx.msk [tilespmem:v45+s3+$0x0], $0xffff  }
0x36: {  	v60 =	vadd.s32 s23, v14;
	v0 =	vadd.s32 v15, v0;
	v59 =	vld.idx.msk [tilespmem:v46+s3+$0x0], $0xffff  }
0x37: {  	v1 =	vadd.s32 v15, v1;
	_ =	sdelay $0x2  }
0x38: {  	[tilespmem:v58+s15+$0x0] =	vst.idx.msk $0xffff, v2  }
0x39: {  	[tilespmem:v60+s15+$0x0] =	vst.idx.msk $0xffff, v59;
	v2 =	vadd.s32 s24, v16;
	v0 =	vld.idx.msk [tilespmem:v0+s3+$0x0], $0xffff  }
0x3a: {  	v61 =	vadd.s32 s23, v16;
	v1 =	vld.idx.msk [tilespmem:v1+s3+$0x0], $0xffff;
	_ =	sdelay $0x3  }
0x3b: {  	[tilespmem:v2+s15+$0x0] =	vst.idx.msk $0xffff, v0  }
0x3c: {  	[tilespmem:v61+s15+$0x0] =	vst.idx.msk $0xffff, v1;
	v0 =	vld [tilespmem:s12+$0x10]  }
0x3d: {  	v1 =	vld [tilespmem:s12+$0xFFFFFF90];
	_ =	sdelay $0x3  }
0x3e: {  	v0 =	vmul.u32 $0x3, v0  }
0x3f: {  	v1 =	vmul.u32 $0x3, v1  }
0x40: {  	v2 =	vadd.s32 v17, v0  }
0x41: {  	v62 =	vadd.s32 v17, v1;
	_ =	sdelay $0x1  }
0x42: {  	s31 =	simm.s32 $0x19300  }
0x43: {  	v63 =	vld [tilespmem:s31+$0xFFFFFF80]  }
0x44: {  	v10 =	vadd.s32 s24, v18;
	v2 =	vld.idx.msk [tilespmem:v2+s3+$0x0], $0xffff  }
0x45: {  	v11 =	vadd.s32 s23, v18;
	v36 =	vadd.s32 v19, v0;
	v42 =	vld.idx.msk [tilespmem:v62+s3+$0x0], $0xffff  }
0x46: {  	v47 =	vld [tilespmem:s31+$0x0];
	v48 =	vadd.s32 v19, v1;
	_ =	sdelay $0x1  }
0x47: {  	v43 =	vmul.u32 $0x3, v63  }
0x48: {  	[tilespmem:v10+s15+$0x0] =	vst.idx.msk $0xffff, v2  }
0x49: {  	v53 =	vadd.s32 s24, v20;
	[tilespmem:v11+s15+$0x0] =	vst.idx.msk $0xffff, v42;
	v2 =	vadd.s32 v6, v43;
	v52 =	vld.idx.msk [tilespmem:v36+s3+$0x0], $0xffff  }
0x4a: {  	v55 =	vadd.s32 s23, v20;
	v54 =	vmul.u32 $0x3, v47;
	v0 =	vadd.s32 v21, v0;
	v45 =	vld.idx.msk [tilespmem:v48+s3+$0x0], $0xffff  }
0x4b: {  	v1 =	vadd.s32 v21, v1  }
0x4c: {  	v56 =	vadd.s32 v6, v54  }
0x4d: {  	s25 =	simm.s32 $0x258  }
0x4e: {  	v49 =	vadd.s32 s25, v12;
	v2 =	vld.idx.msk [tilespmem:v2+s3+$0x0], $0xffff;
	[tilespmem:v53+s15+$0x0] =	vst.idx.msk $0xffff, v52  }
0x4f: {  	v57 =	vadd.s32 v13, v43;
	v58 =	vadd.s32 s24, v22;
	[tilespmem:v55+s15+$0x0] =	vst.idx.msk $0xffff, v45;
	v0 =	vld.idx.msk [tilespmem:v0+s3+$0x0], $0xffff  }
0x50: {  	s26 =	simm.s32 $0x384;
	v59 =	vadd.s32 s23, v22;
	v1 =	vld.idx.msk [tilespmem:v1+s3+$0x0], $0xffff  }
0x51: {  	v60 =	vld.idx.msk [tilespmem:v56+s3+$0x0], $0xffff;
	v61 =	vadd.s32 s26, v12  }
0x52: {  	v50 =	vadd.s32 v13, v54  }
0x53: {  	[tilespmem:v49+s15+$0x0] =	vst.idx.msk $0xffff, v2  }
0x54: {  	v2 =	vld.idx.msk [tilespmem:v57+s3+$0x0], $0xffff;
	[tilespmem:v58+s15+$0x0] =	vst.idx.msk $0xffff, v0;
	v0 =	vadd.s32 s25, v14  }
0x55: {  	v62 =	vadd.s32 v15, v43;
	[tilespmem:v59+s15+$0x0] =	vst.idx.msk $0xffff, v1;
	v1 =	vld [tilespmem:s12+$0x20]  }
0x56: {  	[tilespmem:v61+s15+$0x0] =	vst.idx.msk $0xffff, v60;
	v63 =	vld [tilespmem:s12+$0xFFFFFFA0]  }
0x57: {  	v10 =	vld.idx.msk [tilespmem:v50+s3+$0x0], $0xffff;
	v11 =	vadd.s32 s26, v14  }
0x58: {  	v46 =	vadd.s32 v15, v54  }
0x59: {  	[tilespmem:v0+s15+$0x0] =	vst.idx.msk $0xffff, v2  }
0x5a: {  	v2 =	vadd.s32 s25, v16;
	v0 =	vld.idx.msk [tilespmem:v62+s3+$0x0], $0xffff;
	v1 =	vmul.u32 $0x3, v1  }
0x5b: {  	v36 =	vmul.u32 $0x3, v63  }
0x5c: {  	[tilespmem:v11+s15+$0x0] =	vst.idx.msk $0xffff, v10;
	v49 =	vadd.s32 v23, v1  }
0x5d: {  	v51 =	vadd.s32 s26, v16;
	v45 =	vld.idx.msk [tilespmem:v46+s3+$0x0], $0xffff;
	v50 =	vadd.s32 v23, v36;
	_ =	sdelay $0x1  }
0x5e: {  	[tilespmem:v2+s15+$0x0] =	vst.idx.msk $0xffff, v0  }
0x5f: {  	v0 =	vld [tilespmem:s31+$0xFFFFFF90]  }
0x60: {  	v52 =	vadd.s32 s24, v24;
	v2 =	vld.idx.msk [tilespmem:v49+s3+$0x0], $0xffff  }
0x61: {  	v53 =	vadd.s32 s23, v24;
	[tilespmem:v51+s15+$0x0] =	vst.idx.msk $0xffff, v45;
	v54 =	vadd.s32 v25, v1;
	v44 =	vld.idx.msk [tilespmem:v50+s3+$0x0], $0xffff  }
0x62: {  	v48 =	vld [tilespmem:s31+$0x10];
	v55 =	vadd.s32 v25, v36;
	_ =	sdelay $0x1  }
0x63: {  	v0 =	vmul.u32 $0x3, v0  }
0x64: {  	[tilespmem:v52+s15+$0x0] =	vst.idx.msk $0xffff, v2  }
0x65: {  	v56 =	vadd.s32 s24, v26;
	[tilespmem:v53+s15+$0x0] =	vst.idx.msk $0xffff, v44;
	v2 =	vadd.s32 v17, v0;
	v43 =	vld.idx.msk [tilespmem:v54+s3+$0x0], $0xffff  }
0x66: {  	v58 =	vadd.s32 s23, v26;
	v59 =	vmul.u32 $0x3, v48;
	v1 =	vadd.s32 v27, v1;
	v57 =	vld.idx.msk [tilespmem:v55+s3+$0x0], $0xffff  }
0x67: {  	v42 =	vadd.s32 v27, v36  }
0x68: {  	s30 =	simm.s32 $0x19400;
	v48 =	vadd.s32 v17, v59  }
0x69: {  	v60 =	vld [tilespmem:s30+$0xFFFFFF80]  }
0x6a: {  	v61 =	vadd.s32 s25, v18;
	v2 =	vld.idx.msk [tilespmem:v2+s3+$0x0], $0xffff;
	[tilespmem:v56+s15+$0x0] =	vst.idx.msk $0xffff, v43  }
0x6b: {  	v63 =	vadd.s32 s24, v28;
	v62 =	vadd.s32 v19, v0;
	[tilespmem:v58+s15+$0x0] =	vst.idx.msk $0xffff, v57;
	v1 =	vld.idx.msk [tilespmem:v1+s3+$0x0], $0xffff  }
0x6c: {  	v10 =	vadd.s32 s23, v28;
	v42 =	vld.idx.msk [tilespmem:v42+s3+$0x0], $0xffff  }
0x6d: {  	v36 =	vadd.s32 s26, v18;
	v11 =	vld.idx.msk [tilespmem:v48+s3+$0x0], $0xffff  }
0x6e: {  	v51 =	vld [tilespmem:s30+$0x0];
	v49 =	vmul.u32 $0x3, v60;
	v52 =	vadd.s32 v19, v59  }
0x6f: {  	[tilespmem:v61+s15+$0x0] =	vst.idx.msk $0xffff, v2  }
0x70: {  	v55 =	vadd.s32 s25, v20;
	v56 =	vadd.s32 v6, v49;
	v2 =	vld.idx.msk [tilespmem:v62+s3+$0x0], $0xffff;
	[tilespmem:v63+s15+$0x0] =	vst.idx.msk $0xffff, v1  }
0x71: {  	v0 =	vadd.s32 v21, v0;
	[tilespmem:v10+s15+$0x0] =	vst.idx.msk $0xffff, v42;
	v1 =	vld [tilespmem:s12+$0x30]  }
0x72: {  	[tilespmem:v36+s15+$0x0] =	vst.idx.msk $0xffff, v11;
	v42 =	vld [tilespmem:s12+$0xFFFFFFB0]  }
0x73: {  	v44 =	vmul.u32 $0x3, v51;
	v57 =	vld.idx.msk [tilespmem:v52+s3+$0x0], $0xffff;
	v58 =	vadd.s32 s26, v20  }
0x74: {  	s28 =	simm.s32 $0x4B0;
	v47 =	vadd.s32 v21, v59  }
0x75: {  	v60 =	vadd.s32 s28, v12;
	v59 =	vadd.s32 v6, v44;
	[tilespmem:v55+s15+$0x0] =	vst.idx.msk $0xffff, v2;
	v2 =	vld.idx.msk [tilespmem:v56+s3+$0x0], $0xffff  }
0x76: {  	v61 =	vadd.s32 s25, v22;
	v62 =	vadd.s32 v13, v49;
	v0 =	vld.idx.msk [tilespmem:v0+s3+$0x0], $0xffff;
	v1 =	vmul.u32 $0x3, v1  }
0x77: {  	v42 =	vmul.u32 $0x3, v42  }
0x78: {  	[tilespmem:v58+s15+$0x0] =	vst.idx.msk $0xffff, v57;
	v63 =	vadd.s32 v29, v1  }
0x79: {  	s29 =	simm.s32 $0x5DC;
	v11 =	vadd.s32 s26, v22;
	v47 =	vld.idx.msk [tilespmem:v47+s3+$0x0], $0xffff;
	v10 =	vadd.s32 v29, v42  }
0x7a: {  	v48 =	vld.idx.msk [tilespmem:v59+s3+$0x0], $0xffff;
	[tilespmem:v60+s15+$0x0] =	vst.idx.msk $0xffff, v2;
	v2 =	vadd.s32 s29, v12  }
0x7b: {  	v36 =	vadd.s32 s28, v14;
	[tilespmem:v61+s15+$0x0] =	vst.idx.msk $0xffff, v0;
	v0 =	vadd.s32 v13, v44;
	v43 =	vld.idx.msk [tilespmem:v62+s3+$0x0], $0xffff  }
0x7c: {  	v49 =	vadd.s32 v15, v49;
	v57 =	vld [tilespmem:s31+$0xFFFFFFA0]  }
0x7d: {  	v53 =	vadd.s32 s24, v30;
	v45 =	vld.idx.msk [tilespmem:v63+s3+$0x0], $0xffff  }
0x7e: {  	v54 =	vadd.s32 s23, v30;
	[tilespmem:v11+s15+$0x0] =	vst.idx.msk $0xffff, v47;
	v58 =	vadd.s32 v31, v1;
	v46 =	vld.idx.msk [tilespmem:v10+s3+$0x0], $0xffff  }
0x7f: {  	v59 =	vadd.s32 v31, v42;
	[tilespmem:v2+s15+$0x0] =	vst.idx.msk $0xffff, v48;
	v2 =	vld [tilespmem:s31+$0x20]  }
0x80: {  	v60 =	vadd.s32 s29, v14;
	v0 =	vld.idx.msk [tilespmem:v0+s3+$0x0], $0xffff;
	[tilespmem:v36+s15+$0x0] =	vst.idx.msk $0xffff, v43  }
0x81: {  	v44 =	vadd.s32 v15, v44;
	v61 =	vadd.s32 s28, v16;
	v43 =	vmul.u32 $0x3, v57;
	v49 =	vld.idx.msk [tilespmem:v49+s3+$0x0], $0xffff  }
0x82: {  	[tilespmem:v53+s15+$0x0] =	vst.idx.msk $0xffff, v45  }
0x83: {  	v10 =	vadd.s32 s24, v32;
	[tilespmem:v54+s15+$0x0] =	vst.idx.msk $0xffff, v46;
	v62 =	vadd.s32 v23, v43;
	v63 =	vld.idx.msk [tilespmem:v58+s3+$0x0], $0xffff  }
0x84: {  	v1 =	vadd.s32 v33, v1;
	v36 =	vadd.s32 s23, v32;
	v11 =	vld.idx.msk [tilespmem:v59+s3+$0x0], $0xffff;
	v2 =	vmul.u32 $0x3, v2  }
0x85: {  	v42 =	vadd.s32 v33, v42;
	[tilespmem:v60+s15+$0x0] =	vst.idx.msk $0xffff, v0  }
0x86: {  	v55 =	vadd.s32 s29, v16;
	v0 =	vld.idx.msk [tilespmem:v44+s3+$0x0], $0xffff;
	v54 =	vadd.s32 v23, v2;
	[tilespmem:v61+s15+$0x0] =	vst.idx.msk $0xffff, v49  }
0x87: {  	v49 =	vld [tilespmem:s30+$0xFFFFFF90]  }
0x88: {  	v56 =	vadd.s32 s25, v24;
	v45 =	vld.idx.msk [tilespmem:v62+s3+$0x0], $0xffff;
	[tilespmem:v10+s15+$0x0] =	vst.idx.msk $0xffff, v63  }
0x89: {  	v57 =	vadd.s32 v25, v43;
	v58 =	vadd.s32 s24, v34;
	[tilespmem:v36+s15+$0x0] =	vst.idx.msk $0xffff, v11;
	v1 =	vld.idx.msk [tilespmem:v1+s3+$0x0], $0xffff  }
0x8a: {  	v59 =	vadd.s32 s23, v34;
	v42 =	vld.idx.msk [tilespmem:v42+s3+$0x0], $0xffff  }
0x8b: {  	v60 =	vadd.s32 s26, v24;
	[tilespmem:v55+s15+$0x0] =	vst.idx.msk $0xffff, v0;
	v0 =	vld.idx.msk [tilespmem:v54+s3+$0x0], $0xffff  }
0x8c: {  	v62 =	vadd.s32 v25, v2;
	v48 =	vmul.u32 $0x3, v49;
	v61 =	vld [tilespmem:s30+$0x10]  }
0x8d: {  	[tilespmem:v56+s15+$0x0] =	vst.idx.msk $0xffff, v45  }
0x8e: {  	v63 =	vadd.s32 s25, v26;
	v45 =	vld.idx.msk [tilespmem:v57+s3+$0x0], $0xffff;
	[tilespmem:v58+s15+$0x0] =	vst.idx.msk $0xffff, v1;
	v1 =	vadd.s32 v17, v48  }
0x8f: {  	v43 =	vadd.s32 v27, v43;
	[tilespmem:v59+s15+$0x0] =	vst.idx.msk $0xffff, v42;
	v10 =	vld [tilespmem:s12+$0x40]  }
0x90: {  	v11 =	vld [tilespmem:s12+$0xFFFFFFC0];
	[tilespmem:v60+s15+$0x0] =	vst.idx.msk $0xffff, v0  }
0x91: {  	v36 =	vadd.s32 s26, v26;
	v0 =	vmul.u32 $0x3, v61;
	v44 =	vld.idx.msk [tilespmem:v62+s3+$0x0], $0xffff  }
0x92: {  	v2 =	vadd.s32 v27, v2  }
0x93: {  	v58 =	vadd.s32 s28, v18;
	[tilespmem:v63+s15+$0x0] =	vst.idx.msk $0xffff, v45;
	v57 =	vadd.s32 v17, v0;
	v1 =	vld.idx.msk [tilespmem:v1+s3+$0x0], $0xffff  }
0x94: {  	s0 =	simm.s32 $0x19500;
	v59 =	vadd.s32 s25, v28;
	v60 =	vadd.s32 v19, v48;
	v43 =	vld.idx.msk [tilespmem:v43+s3+$0x0], $0xffff;
	v42 =	vmul.u32 $0x3, v10  }
0x95: {  	v61 =	vld [tilespmem:s0+$0xFFFFFF80];
	v47 =	vmul.u32 $0x3, v11  }
0x96: {  	v52 =	vld [tilespmem:s0+$0x0];
	v62 =	vadd.s32 v35, v42;
	[tilespmem:v36+s15+$0x0] =	vst.idx.msk $0xffff, v44  }
0x97: {  	v10 =	vadd.s32 s26, v28;
	v63 =	vadd.s32 v35, v47;
	v2 =	vld.idx.msk [tilespmem:v2+s3+$0x0], $0xffff  }
0x98: {  	v55 =	vadd.s32 s29, v18;
	v45 =	vld.idx.msk [tilespmem:v57+s3+$0x0], $0xffff;
	[tilespmem:v58+s15+$0x0] =	vst.idx.msk $0xffff, v1  }
0x99: {  	v1 =	vadd.s32 v19, v0;
	[tilespmem:v59+s15+$0x0] =	vst.idx.msk $0xffff, v43;
	v11 =	vld.idx.msk [tilespmem:v60+s3+$0x0], $0xffff  }
0x9a: {  	v36 =	vadd.s32 s28, v20;
	v53 =	vmul.u32 $0x3, v61;
	v50 =	vld [tilespmem:s31+$0xFFFFFFB0]  }
0x9b: {  	v48 =	vadd.s32 v21, v48;
	v54 =	vld.idx.msk [tilespmem:v62+s3+$0x0], $0xffff  }
0x9c: {  	v56 =	vadd.s32 s23, v39;
	v44 =	vld.idx.msk [tilespmem:v63+s3+$0x0], $0xffff;
	v62 =	vadd.s32 v6, v53;
	[tilespmem:v10+s15+$0x0] =	vst.idx.msk $0xffff, v2  }
0x9d: {  	v46 =	vmul.u32 $0x3, v52;
	v61 =	vadd.s32 v8, v47;
	v60 =	vadd.s32 s24, v39;
	[tilespmem:v55+s15+$0x0] =	vst.idx.msk $0xffff, v45;
	v2 =	vld [tilespmem:s31+$0x30]  }
0x9e: {  	v57 =	vadd.s32 v8, v42;
	v63 =	vadd.s32 s29, v20;
	v1 =	vld.idx.msk [tilespmem:v1+s3+$0x0], $0xffff  }
0x9f: {  	[tilespmem:v36+s15+$0x0] =	vst.idx.msk $0xffff, v11;
	v11 =	vadd.s32 v6, v46  }
0xa0: {  	v0 =	vadd.s32 v21, v0;
	v10 =	vadd.s32 s28, v22;
	v48 =	vld.idx.msk [tilespmem:v48+s3+$0x0], $0xffff;
	v50 =	vmul.u32 $0x3, v50  }
0xa1: {  	[tilespmem:v56+s15+$0x0] =	vst.idx.msk $0xffff, v44;
	v49 =	vld.idx.msk [tilespmem:v62+s3+$0x0], $0xffff  }
0xa2: {  	s8 =	simm.s32 $0x708;
	[tilespmem:v60+s15+$0x0] =	vst.idx.msk $0xffff, v54;
	v60 =	vadd.s32 s23, v9;
	v36 =	vadd.s32 v29, v50;
	v45 =	vld.idx.msk [tilespmem:v61+s3+$0x0], $0xffff  }
0xa3: {  	s1 =	simm.s32 $0x834;
	v54 =	vld.idx.msk [tilespmem:v57+s3+$0x0], $0xffff;
	v61 =	vadd.s32 s8, v12;
	v2 =	vmul.u32 $0x3, v2;
	[tilespmem:v63+s15+$0x0] =	vst.idx.msk $0xffff, v1;
	v1 =	vadd.s32 v37, v47  }
0xa4: {  	v63 =	vadd.s32 v13, v53;
	v51 =	vld.idx.msk [tilespmem:v11+s3+$0x0], $0xffff;
	v11 =	vadd.s32 s1, v12  }
0xa5: {  	[tilespmem:v10+s15+$0x0] =	vst.idx.msk $0xffff, v48;
	v0 =	vld.idx.msk [tilespmem:v0+s3+$0x0], $0xffff;
	v62 =	vadd.s32 v29, v2;
	v10 =	vadd.s32 s29, v22  }
0xa6: {  	v52 =	vld [tilespmem:s30+$0xFFFFFFA0]  }
0xa7: {  	v58 =	vadd.s32 s25, v30;
	v59 =	vadd.s32 v13, v46;
	v44 =	vld.idx.msk [tilespmem:v36+s3+$0x0], $0xffff;
	[tilespmem:v60+s15+$0x0] =	vst.idx.msk $0xffff, v45  }
0xa8: {  	v36 =	vadd.s32 v31, v50;
	v60 =	vadd.s32 s23, v41;
	[tilespmem:v61+s15+$0x0] =	vst.idx.msk $0xffff, v49;
	v1 =	vld.idx.msk [tilespmem:v1+s3+$0x0], $0xffff  }
0xa9: {  	v48 =	vld.idx.msk [tilespmem:v63+s3+$0x0], $0xffff;
	[tilespmem:v11+s15+$0x0] =	vst.idx.msk $0xffff, v51;
	v11 =	vadd.s32 s24, v9  }
0xaa: {  	v42 =	vadd.s32 v37, v42;
	v61 =	vld.idx.msk [tilespmem:v62+s3+$0x0], $0xffff;
	v62 =	vadd.s32 s26, v30;
	[tilespmem:v10+s15+$0x0] =	vst.idx.msk $0xffff, v0  }
0xab: {  	v63 =	vadd.s32 v31, v2;
	v0 =	vadd.s32 s8, v14;
	v49 =	vmul.u32 $0x3, v52;
	v51 =	vld [tilespmem:s30+$0x20]  }
0xac: {  	v53 =	vadd.s32 v15, v53;
	[tilespmem:v58+s15+$0x0] =	vst.idx.msk $0xffff, v44;
	v44 =	vld.idx.msk [tilespmem:v59+s3+$0x0], $0xffff  }
0xad: {  	v10 =	vadd.s32 v23, v49;
	v45 =	vld.idx.msk [tilespmem:v36+s3+$0x0], $0xffff;
	[tilespmem:v60+s15+$0x0] =	vst.idx.msk $0xffff, v1  }
0xae: {  	v1 =	vadd.s32 s25, v32;
	[tilespmem:v11+s15+$0x0] =	vst.idx.msk $0xffff, v54;
	v43 =	vld [tilespmem:s12+$0xFFFFFFD0]  }
0xaf: {  	v37 =	vadd.s32 v33, v50;
	v36 =	vadd.s32 s1, v14;
	[tilespmem:v62+s15+$0x0] =	vst.idx.msk $0xffff, v61;
	v42 =	vld.idx.msk [tilespmem:v42+s3+$0x0], $0xffff  }
0xb0: {  	v59 =	vadd.s32 s26, v32;
	[tilespmem:v0+s15+$0x0] =	vst.idx.msk $0xffff, v48;
	v0 =	vadd.s32 v15, v46;
	v58 =	vld.idx.msk [tilespmem:v63+s3+$0x0], $0xffff  }
0xb1: {  	v2 =	vadd.s32 v33, v2;
	v61 =	vadd.s32 s8, v16;
	v60 =	vld.idx.msk [tilespmem:v53+s3+$0x0], $0xffff  }
0xb2: {  	v62 =	vld.idx.msk [tilespmem:v10+s3+$0x0], $0xffff;
	v10 =	vadd.s32 s24, v41  }
0xb3: {  	v63 =	vadd.s32 s28, v24;
	v51 =	vmul.u32 $0x3, v51;
	[tilespmem:v1+s15+$0x0] =	vst.idx.msk $0xffff, v45  }
0xb4: {  	[tilespmem:v36+s15+$0x0] =	vst.idx.msk $0xffff, v44;
	v1 =	vadd.s32 v25, v49;
	v44 =	vld.idx.msk [tilespmem:v37+s3+$0x0], $0xffff  }
0xb5: {  	v11 =	vadd.s32 v23, v51;
	v36 =	vadd.s32 s1, v16;
	v0 =	vld.idx.msk [tilespmem:v0+s3+$0x0], $0xffff;
	[tilespmem:v59+s15+$0x0] =	vst.idx.msk $0xffff, v58  }
0xb6: {  	v57 =	vadd.s32 s26, v34;
	[tilespmem:v61+s15+$0x0] =	vst.idx.msk $0xffff, v60;
	v2 =	vld.idx.msk [tilespmem:v2+s3+$0x0], $0xffff  }
0xb7: {  	v46 =	vmul.u32 $0x3, v43;
	v58 =	vadd.s32 s25, v34;
	v37 =	vld [tilespmem:s0+$0xFFFFFF90];
	[tilespmem:v10+s15+$0x0] =	vst.idx.msk $0xffff, v42  }
0xb8: {  	[tilespmem:v63+s15+$0x0] =	vst.idx.msk $0xffff, v62;
	v45 =	vld [tilespmem:s12+$0x50]  }
0xb9: {  	v60 =	vadd.s32 s28, v26;
	v10 =	vadd.s32 v40, v46;
	v1 =	vld.idx.msk [tilespmem:v1+s3+$0x0], $0xffff  }
0xba: {  	v59 =	vadd.s32 s29, v24;
	v63 =	vadd.s32 v27, v49;
	[tilespmem:v36+s15+$0x0] =	vst.idx.msk $0xffff, v0;
	v0 =	vld.idx.msk [tilespmem:v11+s3+$0x0], $0xffff  }
0xbb: {  	v62 =	vadd.s32 v25, v51;
	v61 =	vld [tilespmem:s0+$0x10];
	[tilespmem:v57+s15+$0x0] =	vst.idx.msk $0xffff, v2  }
0xbc: {  	[tilespmem:v58+s15+$0x0] =	vst.idx.msk $0xffff, v44;
	v2 =	vmul.u32 $0x3, v37;
	v11 =	vld [tilespmem:s31+$0x40]  }
0xbd: {  	v42 =	vld [tilespmem:s31+$0xFFFFFFC0];
	v48 =	vmul.u32 $0x3, v45  }
0xbe: {  	v56 =	vadd.s32 s23, v7;
	v50 =	vld.idx.msk [tilespmem:v10+s3+$0x0], $0xffff;
	v36 =	vadd.s32 v17, v2;
	[tilespmem:v60+s15+$0x0] =	vst.idx.msk $0xffff, v1  }
0xbf: {  	v53 =	vadd.s32 s28, v28;
	[tilespmem:v59+s15+$0x0] =	vst.idx.msk $0xffff, v0;
	v52 =	vld.idx.msk [tilespmem:v63+s3+$0x0], $0xffff;
	v37 =	vadd.s32 v40, v48  }
0xc0: {  	s7 =	simm.s32 $0x19600;
	v1 =	vadd.s32 s29, v26;
	v49 =	vmul.u32 $0x3, v61;
	v0 =	vld.idx.msk [tilespmem:v62+s3+$0x0], $0xffff  }
0xc1: {  	v4 =	vld [tilespmem:s7+$0x0];
	v51 =	vadd.s32 v27, v51;
	v45 =	vmul.u32 $0x3, v11  }
0xc2: {  	v58 =	vld [tilespmem:s7+$0xFFFFFF80];
	v54 =	vadd.s32 v17, v49  }
0xc3: {  	v63 =	vadd.s32 s8, v18;
	v47 =	vmul.u32 $0x3, v42;
	[tilespmem:v56+s15+$0x0] =	vst.idx.msk $0xffff, v50;
	v61 =	vld.idx.msk [tilespmem:v36+s3+$0x0], $0xffff;
	v36 =	vadd.s32 v35, v45  }
0xc4: {  	v11 =	vadd.s32 v19, v2;
	[tilespmem:v53+s15+$0x0] =	vst.idx.msk $0xffff, v52;
	v10 =	vld.idx.msk [tilespmem:v37+s3+$0x0], $0xffff  }
0xc5: {  	v7 =	vadd.s32 s24, v7;
	[tilespmem:v1+s15+$0x0] =	vst.idx.msk $0xffff, v0;
	v37 =	vadd.s32 v35, v47;
	v56 =	vld [tilespmem:s30+$0xFFFFFFB0]  }
0xc6: {  	v43 =	vadd.s32 s28, v39;
	v44 =	vadd.s32 s25, v39;
	v59 =	vadd.s32 s29, v28;
	v55 =	vld.idx.msk [tilespmem:v51+s3+$0x0], $0xffff  }
0xc7: {  	v41 =	vmovc v40;
	v60 =	vadd.s32 v38, v48;
	v42 =	vadd.s32 s8, v39;
	v50 =	vmul.u32 $0x3, v58;
	v62 =	vld.idx.msk [tilespmem:v54+s3+$0x0], $0xffff  }
0xc8: {  	v58 =	vadd.s32 v38, v46;
	v52 =	vmul.u32 $0x3, v4;
	v0 =	vadd.s32 s1, v18;
	[tilespmem:v63+s15+$0x0] =	vst.idx.msk $0xffff, v61;
	v53 =	vld.idx.msk [tilespmem:v36+s3+$0x0], $0xffff  }
0xc9: {  	v38 =	vmovc v9;
	v1 =	vadd.s32 v19, v49;
	v51 =	vadd.s32 v8, v45;
	v54 =	vadd.s32 s26, v39;
	v63 =	vld.idx.msk [tilespmem:v11+s3+$0x0], $0xffff  }
0xca: {  	s10 =	sshll.u32 s21, $0x1;
	s18 =	simm.s32 $0x8;
	s5 =	simm.s32 $0x708;
	v61 =	vadd.s32 v21, v2;
	v2 =	vadd.s32 s8, v20;
	v57 =	vld.idx.msk [tilespmem:v37+s3+$0x0], $0xffff;
	[tilespmem:v7+s15+$0x0] =	vst.idx.msk $0xffff, v10;
	v37 =	vmov v8  }
.LBB2_3:
0xcb: {  	_ =	sdelay $0x1  }
0xcc: {  	v5 =	vld [tilespmem:$0x1FF50]  }
0xcd: {  	v4 =	vld [tilespmem:$0x1FF20]  }
0xce: {  	v9 =	vld.idx.msk [tilespmem:v58+s3+$0x0], $0xffff  }
0xcf: {  	v8 =	vld [tilespmem:$0x1FFB0]  }
0xd0: {  	[tilespmem:v59+s15+$0x0] =	vst.idx.msk $0xffff, v55;
	v7 =	vld [tilespmem:$0x1FF90]  }
0xd1: {  	v55 =	vld.idx.msk [tilespmem:v60+s3+$0x0], $0xffff;
	[tilespmem:v0+s15+$0x0] =	vst.idx.msk $0xffff, v62  }
0xd2: {  	v40 =	vadd.s32 v37, v47;
	v39 =	vld [tilespmem:s30+$0x30]  }
0xd3: {  	[tilespmem:v2+s15+$0x0] =	vst.idx.msk $0xffff, v63;
	v1 =	vld.idx.msk [tilespmem:v1+s3+$0x0], $0xffff  }
0xd4: {  	[tilespmem:v54+s15+$0x0] =	vst.idx.msk $0xffff, v53;
	v58 =	vld.idx.msk [tilespmem:v61+s3+$0x0], $0xffff  }
0xd5: {  	v3 =	vadd.s32 v6, v50;
	v0 =	vmul.u32 $0x3, v56;
	v36 =	vadd.s32 s24, v5;
	v54 =	vld.idx.msk [tilespmem:v51+s3+$0x0], $0xffff  }
0xd6: {  	[tilespmem:v44+s15+$0x0] =	vst.idx.msk $0xffff, v57;
	v48 =	vadd.s32 v4, v48;
	v46 =	vadd.s32 v4, v46;
	v4 =	vld [tilespmem:$0x1FF40]  }
0xd7: {  	v2 =	vadd.s32 v29, v0;
	v10 =	vadd.s32 s23, v5;
	v62 =	vld.idx.msk [tilespmem:v40+s3+$0x0], $0xffff  }
0xd8: {  	v11 =	vadd.s32 s1, v20;
	v35 =	vadd.s32 s5, v22;
	v5 =	vld [tilespmem:$0x1FF00]  }
0xd9: {  	v49 =	vadd.s32 v21, v49;
	v47 =	vadd.s32 v8, v47;
	v45 =	vadd.s32 v8, v45;
	v8 =	vld [tilespmem:$0x1FF30]  }
0xda: {  	v3 =	vld.idx.msk [tilespmem:v3+s3+$0x0], $0xffff;
	[tilespmem:v36+s15+$0x0] =	vst.idx.msk $0xffff, v55;
	v55 =	vadd.s32 s25, v38  }
0xdb: {  	s8 =	sadd.s32 $0x258, s8;
	v60 =	vadd.s32 v6, v52;
	v59 =	vadd.s32 s24, v4;
	v48 =	vld.idx.msk [tilespmem:v48+s3+$0x0], $0xffff  }
0xdc: {  	v63 =	vadd.s32 s8, v12;
	v2 =	vld.idx.msk [tilespmem:v2+s3+$0x0], $0xffff;
	[tilespmem:v10+s15+$0x0] =	vst.idx.msk $0xffff, v9  }
0xdd: {  	v56 =	vmul.u32 $0x3, v39;
	[tilespmem:v11+s15+$0x0] =	vst.idx.msk $0xffff, v1;
	v1 =	vadd.s32 s28, v30;
	v46 =	vld.idx.msk [tilespmem:v46+s3+$0x0], $0xffff  }
0xde: {  	[tilespmem:v35+s15+$0x0] =	vst.idx.msk $0xffff, v58;
	v49 =	vld.idx.msk [tilespmem:v49+s3+$0x0], $0xffff  }
0xdf: {  	v10 =	vadd.s32 v29, v56;
	v11 =	vadd.s32 s23, v4;
	v40 =	vld [tilespmem:s0+$0xFFFFFFA0];
	[tilespmem:v55+s15+$0x0] =	vst.idx.msk $0xffff, v62  }
0xe0: {  	s19 =	sadd.s32 $0x12C, s8;
	v35 =	vadd.s32 v13, v50;
	v4 =	vadd.s32 s1, v22;
	v9 =	vld.idx.msk [tilespmem:v60+s3+$0x0], $0xffff;
	[tilespmem:v59+s15+$0x0] =	vst.idx.msk $0xffff, v48  }
0xe1: {  	v36 =	vld [tilespmem:$0x1FFA0];
	[tilespmem:v63+s15+$0x0] =	vst.idx.msk $0xffff, v3;
	v3 =	vadd.s32 s19, v12  }
0xe2: {  	v48 =	vld [tilespmem:s12+$0x60];
	[tilespmem:v1+s15+$0x0] =	vst.idx.msk $0xffff, v2  }
0xe3: {  	v39 =	vadd.s32 v13, v52;
	v1 =	vld.idx.msk [tilespmem:v47+s3+$0x0], $0xffff  }
0xe4: {  	v2 =	vadd.s32 v31, v0;
	v47 =	vld.idx.msk [tilespmem:v10+s3+$0x0], $0xffff;
	v10 =	vadd.s32 s25, v7;
	[tilespmem:v11+s15+$0x0] =	vst.idx.msk $0xffff, v46  }
0xe5: {  	[tilespmem:v4+s15+$0x0] =	vst.idx.msk $0xffff, v49;
	v4 =	vadd.s32 s29, v30;
	v46 =	vld.idx.msk [tilespmem:v35+s3+$0x0], $0xffff  }
0xe6: {  	v53 =	vmul.u32 $0x3, v40;
	v40 =	vld [tilespmem:s12+$0xFFFFFFE0];
	s12 =	smov.u32 s31;
	s31 =	smov.u32 s30;
	s30 =	smov.u32 s0;
	[tilespmem:v3+s15+$0x0] =	vst.idx.msk $0xffff, v9  }
0xe7: {  	v55 =	vadd.s32 v31, v56;
	v11 =	vadd.s32 s8, v14;
	v3 =	vld [tilespmem:s30+$0x20]  }
0xe8: {  	v35 =	vadd.s32 v23, v53;
	v58 =	vld.idx.msk [tilespmem:v39+s3+$0x0], $0xffff  }
0xe9: {  	v48 =	vmul.u32 $0x3, v48;
	v39 =	vadd.s32 v15, v50;
	v2 =	vld.idx.msk [tilespmem:v2+s3+$0x0], $0xffff;
	[tilespmem:v10+s15+$0x0] =	vst.idx.msk $0xffff, v1  }
0xea: {  	s0 =	smov.u32 s7;
	s7 =	sadd.s32 $0x100, s7;
	v9 =	vadd.s32 s19, v14;
	[tilespmem:v4+s15+$0x0] =	vst.idx.msk $0xffff, v47;
	v4 =	vld [tilespmem:s12+$0xFFFFFFD0]  }
0xeb: {  	v1 =	vadd.s32 s28, v32;
	v10 =	vadd.s32 v5, v48;
	v51 =	vld [tilespmem:s7+$0x0]  }
0xec: {  	v0 =	vadd.s32 v33, v0;
	[tilespmem:v11+s15+$0x0] =	vst.idx.msk $0xffff, v46;
	v55 =	vld.idx.msk [tilespmem:v55+s3+$0x0], $0xffff  }
0xed: {  	v57 =	vmul.u32 $0x3, v40;
	v59 =	vld.idx.msk [tilespmem:v35+s3+$0x0], $0xffff  }
0xee: {  	v11 =	vadd.s32 s26, v38;
	v50 =	vld.idx.msk [tilespmem:v39+s3+$0x0], $0xffff  }
0xef: {  	v61 =	vadd.s32 s29, v32;
	v40 =	vadd.s32 v15, v52;
	[tilespmem:v9+s15+$0x0] =	vst.idx.msk $0xffff, v58;
	v39 =	vadd.s32 v5, v57;
	v5 =	vld [tilespmem:$0x1FF10]  }
0xf0: {  	[tilespmem:v1+s15+$0x0] =	vst.idx.msk $0xffff, v2;
	v2 =	vld.idx.msk [tilespmem:v10+s3+$0x0], $0xf  }
0xf1: {  	v49 =	vadd.s32 s5, v24;
	v0 =	vld.idx.msk [tilespmem:v0+s3+$0x0], $0xffff  }
0xf2: {  	v35 =	vadd.s32 s8, v16;
	v1 =	vadd.s32 v33, v56;
	v10 =	vadd.s32 s26, v7;
	v7 =	vld [tilespmem:$0x1FEE0]  }
0xf3: {  	v46 =	vmul.u32 $0x3, v4;
	[tilespmem:v11+s15+$0x0] =	vst.idx.msk $0xffff, v54;
	v4 =	vadd.s32 s24, v8;
	v11 =	vadd.s32 s23, v8;
	v8 =	vld [tilespmem:$0x1FEF0]  }
0xf4: {  	v47 =	vld.idx.msk [tilespmem:v40+s3+$0x0], $0xffff;
	[tilespmem:v61+s15+$0x0] =	vst.idx.msk $0xffff, v55  }
0xf5: {  	v3 =	vmul.u32 $0x3, v3;
	v45 =	vld.idx.msk [tilespmem:v45+s3+$0x0], $0xffff;
	v54 =	vadd.s32 v5, v48  }
0xf6: {  	v9 =	vadd.s32 v25, v53;
	v40 =	vadd.s32 s19, v16;
	v58 =	vld.idx.msk [tilespmem:v39+s3+$0x0], $0xf  }
0xf7: {  	v52 =	vadd.s32 v23, v3;
	[tilespmem:v35+s15+$0x0] =	vst.idx.msk $0xffff, v50;
	v1 =	vld.idx.msk [tilespmem:v1+s3+$0x0], $0xffff  }
0xf8: {  	v35 =	vld [tilespmem:s0+$0xFFFFFF90];
	[tilespmem:v49+s15+$0x0] =	vst.idx.msk $0xffff, v59  }
0xf9: {  	v39 =	vadd.s32 s28, v34;
	v49 =	vadd.s32 v5, v57;
	v5 =	vld [tilespmem:$0x1FED0];
	[tilespmem:v4+s15+$0x0] =	vst.idx.msk $0xf, v2  }
0xfa: {  	v2 =	vadd.s32 s29, v34;
	v4 =	vld.idx.msk [tilespmem:v54+s3+$0x0], $0xf  }
0xfb: {  	v56 =	vadd.s32 s5, v26;
	[tilespmem:v40+s15+$0x0] =	vst.idx.msk $0xffff, v47;
	v47 =	vld.idx.msk [tilespmem:v9+s3+$0x0], $0xffff  }
0xfc: {  	v54 =	vadd.s32 s24, v7;
	v52 =	vld.idx.msk [tilespmem:v52+s3+$0x0], $0xffff;
	[tilespmem:v10+s15+$0x0] =	vst.idx.msk $0xffff, v45  }
0xfd: {  	[tilespmem:v11+s15+$0x0] =	vst.idx.msk $0xf, v58;
	v45 =	vadd.s32 v27, v53;
	v9 =	vld [tilespmem:s12+$0x50]  }
0xfe: {  	v40 =	vadd.s32 s1, v24;
	[tilespmem:v39+s15+$0x0] =	vst.idx.msk $0xffff, v0;
	v10 =	vld [tilespmem:s0+$0x10]  }
0xff: {  	v11 =	vadd.s32 v25, v3;
	v0 =	vld [tilespmem:s31+$0xFFFFFFC0];
	[tilespmem:v2+s15+$0x0] =	vst.idx.msk $0xffff, v1  }
0x100: {  	v58 =	vmul.u32 $0x3, v35;
	v35 =	vld [tilespmem:s31+$0x40];
	[tilespmem:v56+s15+$0x0] =	vst.idx.msk $0xffff, v47  }
0x101: {  	v1 =	vadd.s32 v41, v46;
	[tilespmem:v54+s15+$0x0] =	vst.idx.msk $0xf, v4;
	v4 =	vld.idx.msk [tilespmem:v49+s3+$0x0], $0xf  }
0x102: {  	v39 =	vadd.s32 s23, v7;
	v2 =	vadd.s32 v17, v58;
	v56 =	vld.idx.msk [tilespmem:v45+s3+$0x0], $0xffff  }
0x103: {  	v55 =	vadd.s32 v5, v48;
	v54 =	vadd.s32 v5, v57;
	[tilespmem:v40+s15+$0x0] =	vst.idx.msk $0xffff, v52;
	v40 =	vadd.s32 s5, v28;
	v5 =	vld [tilespmem:s7+$0xFFFFFF80]  }
0x104: {  	v52 =	vld.idx.msk [tilespmem:v11+s3+$0x0], $0xffff  }
0x105: {  	v53 =	vadd.s32 s1, v26;
	v48 =	vmul.u32 $0x3, v9;
	v11 =	vld [tilespmem:$0x1FF60]  }
0x106: {  	v3 =	vadd.s32 v27, v3;
	v49 =	vmul.u32 $0x3, v10;
	v47 =	vmul.u32 $0x3, v0;
	v0 =	vld.idx.msk [tilespmem:v1+s3+$0x0], $0xffff  }
0x107: {  	v45 =	vmul.u32 $0x3, v35;
	v2 =	vld.idx.msk [tilespmem:v2+s3+$0x0], $0xffff;
	v1 =	vadd.s32 v41, v48;
	[tilespmem:v39+s15+$0x0] =	vst.idx.msk $0xf, v4  }
0x108: {  	v35 =	vmovc v17;
	v59 =	vadd.s32 v17, v49;
	v17 =	vmov v16;
	v16 =	vmov v15;
	[tilespmem:v40+s15+$0x0] =	vst.idx.msk $0xffff, v56;
	v40 =	vld [tilespmem:$0x1FFC0]  }
0x109: {  	v63 =	vld.idx.msk [tilespmem:v55+s3+$0x0], $0xf;
	v15 =	vmovc v14;
	v14 =	vmovc v13;
	v13 =	vmov v12;
	v12 =	vmov v6;
	v6 =	vadd.s32 s24, v8  }
0x10a: {  	v57 =	vadd.s32 s25, v11;
	[tilespmem:v53+s15+$0x0] =	vst.idx.msk $0xffff, v52;
	v9 =	vld.idx.msk [tilespmem:v54+s3+$0x0], $0xf  }
0x10b: {  	v61 =	vadd.s32 s8, v18;
	v55 =	vld.idx.msk [tilespmem:v3+s3+$0x0], $0xffff  }
0x10c: {  	v7 =	vadd.s32 v19, v58;
	v10 =	vld.idx.msk [tilespmem:v1+s3+$0x0], $0xffff  }
0x10d: {  	s18 =	sadd.s32 $0x2, s18;
	v44 =	vmov v43;
	s24 =	smov.u32 s26;
	v4 =	vadd.s32 s23, v8;
	v62 =	vld.idx.msk [tilespmem:v59+s3+$0x0], $0xffff;
	v8 =	vadd.s32 v40, v45  }
0x10e: {  	p1 =	slt.u32 s18, $0x1E;
	v43 =	vmovc v42;
	v42 =	vadd.s32 s8, v36;
	v11 =	vadd.s32 s24, v11;
	[tilespmem:v6+s15+$0x0] =	vst.idx.msk $0xf, v63;
	v3 =	vadd.s32 v40, v47;
	v40 =	vld [tilespmem:$0x1FF70]  }
.Ltmp0:
0x10f: {  	s26 =	smov.u32 s29;
	s29 =	smov.u32 s1;
	v50 =	vmul.u32 $0x3, v5;
	v52 =	vmul.u32 $0x3, v51;
	v51 =	vadd.s32 v37, v45;
	[tilespmem:v57+s15+$0x0] =	vst.idx.msk $0xffff, v0;
	(pc) =	sbr.rel @p1 .LBB2_3-.Ltmp0, $4  }
0x110: {  	v54 =	vadd.s32 s26, v36;
	v59 =	vadd.s32 s29, v28;
	v6 =	vmovc v12;
	v12 =	vmovc v13;
	v13 =	vmov v14;
	v56 =	vld [tilespmem:s30+$0xFFFFFFB0];
	[tilespmem:v61+s15+$0x0] =	vst.idx.msk $0xffff, v2  }
0x111: {  	s1 =	smov.u32 s19;
	v14 =	vmovc v15;
	v15 =	vmovc v16;
	v16 =	vmov v17;
	v17 =	vmov v35;
	v1 =	vadd.s32 v19, v49;
	v63 =	vld.idx.msk [tilespmem:v7+s3+$0x0], $0xffff  }
0x112: {  	s23 =	smov.u32 s25;
	v0 =	vadd.s32 s1, v18;
	v61 =	vadd.s32 v21, v58;
	v2 =	vadd.s32 s8, v20;
	[tilespmem:v4+s15+$0x0] =	vst.idx.msk $0xf, v9;
	v53 =	vld.idx.msk [tilespmem:v8+s3+$0x0], $0xffff  }
0x113: {  	s25 =	smov.u32 s28;
	s28 =	smov.u32 s5;
	s5 =	smov.u32 s8;
	v60 =	vadd.s32 v40, v48;
	v58 =	vadd.s32 v40, v46;
	v57 =	vld.idx.msk [tilespmem:v3+s3+$0x0], $0xffff;
	[tilespmem:v11+s15+$0x0] =	vst.idx.msk $0xffff, v10  }
0x114: {  	v3 =	vadd.s32 v6, v52  }
0x115: {  	v4 =	vadd.s32 v6, v50;
	_ =	sdelay $0x1  }
0x116: {  	s8 =	sadd.s32 $0x258, s8  }
0x117: {  	s18 =	sadd.s32 $0x12C, s8  }
0x118: {  	v5 =	vadd.s32 s18, v12;
	v3 =	vld.idx.msk [tilespmem:v3+s3+$0x0], $0xffff  }
0x119: {  	v7 =	vadd.s32 v13, v52;
	v36 =	vadd.s32 s8, v12;
	v4 =	vld.idx.msk [tilespmem:v4+s3+$0x0], $0xffff  }
0x11a: {  	v8 =	vadd.s32 v13, v50;
	_ =	sdelay $0x2  }
0x11b: {  	[tilespmem:v5+s15+$0x0] =	vst.idx.msk $0xffff, v3  }
0x11c: {  	v39 =	vadd.s32 s18, v14;
	[tilespmem:v36+s15+$0x0] =	vst.idx.msk $0xffff, v4;
	v3 =	vld.idx.msk [tilespmem:v7+s3+$0x0], $0xffff  }
0x11d: {  	v35 =	vadd.s32 s8, v14;
	v36 =	vadd.s32 v15, v52;
	v40 =	vld.idx.msk [tilespmem:v8+s3+$0x0], $0xffff  }
0x11e: {  	v8 =	vadd.s32 v15, v50;
	_ =	sdelay $0x2  }
0x11f: {  	[tilespmem:v39+s15+$0x0] =	vst.idx.msk $0xffff, v3  }
0x120: {  	[tilespmem:v35+s15+$0x0] =	vst.idx.msk $0xffff, v40;
	v39 =	vadd.s32 s18, v16;
	v3 =	vld.idx.msk [tilespmem:v36+s3+$0x0], $0xffff  }
0x121: {  	v40 =	vadd.s32 s8, v16;
	v5 =	vld.idx.msk [tilespmem:v8+s3+$0x0], $0xffff;
	_ =	sdelay $0x3  }
0x122: {  	[tilespmem:v39+s15+$0x0] =	vst.idx.msk $0xffff, v3  }
0x123: {  	[tilespmem:v40+s15+$0x0] =	vst.idx.msk $0xffff, v5;
	v3 =	vld [tilespmem:s7+$0x10]  }
0x124: {  	v50 =	vld [tilespmem:s7+$0xFFFFFF90];
	_ =	sdelay $0x3  }
0x125: {  	v3 =	vmul.u32 $0x3, v3  }
0x126: {  	v4 =	vmul.u32 $0x3, v50  }
0x127: {  	v52 =	vadd.s32 v17, v3  }
0x128: {  	v35 =	vadd.s32 v17, v4;
	_ =	sdelay $0x3  }
0x129: {  	v36 =	vadd.s32 s18, v18;
	v5 =	vld.idx.msk [tilespmem:v52+s3+$0x0], $0xffff  }
0x12a: {  	v8 =	vadd.s32 s8, v18;
	v6 =	vld.idx.msk [tilespmem:v35+s3+$0x0], $0xffff  }
0x12b: {  	v9 =	vadd.s32 v19, v3;
	_ =	sdelay $0x1  }
0x12c: {  	[tilespmem:v0+s15+$0x0] =	vst.idx.msk $0xffff, v62  }
0x12d: {  	v0 =	vld.idx.msk [tilespmem:v1+s3+$0x0], $0xffff;
	v1 =	vadd.s32 s1, v20;
	v10 =	vadd.s32 v19, v4;
	[tilespmem:v36+s15+$0x0] =	vst.idx.msk $0xffff, v5  }
0x12e: {  	v39 =	vadd.s32 v21, v49;
	[tilespmem:v8+s15+$0x0] =	vst.idx.msk $0xffff, v6  }
0x12f: {  	v40 =	vadd.s32 s18, v20;
	v6 =	vld.idx.msk [tilespmem:v9+s3+$0x0], $0xffff  }
0x130: {  	v3 =	vadd.s32 v21, v3;
	_ =	sdelay $0x1  }
0x131: {  	[tilespmem:v1+s15+$0x0] =	vst.idx.msk $0xffff, v0;
	v8 =	vld.idx.msk [tilespmem:v10+s3+$0x0], $0xffff;
	v9 =	vadd.s32 s8, v20  }
0x132: {  	v4 =	vadd.s32 v21, v4;
	[tilespmem:v2+s15+$0x0] =	vst.idx.msk $0xffff, v63;
	v1 =	vadd.s32 s1, v22;
	v0 =	vld.idx.msk [tilespmem:v39+s3+$0x0], $0xffff  }
0x133: {  	v49 =	vadd.s32 s5, v22;
	v2 =	vld.idx.msk [tilespmem:v61+s3+$0x0], $0xffff;
	[tilespmem:v40+s15+$0x0] =	vst.idx.msk $0xffff, v6  }
0x134: {  	v50 =	vadd.s32 s18, v22;
	v3 =	vld.idx.msk [tilespmem:v3+s3+$0x0], $0xffff  }
0x135: {  	[tilespmem:v59+s15+$0x0] =	vst.idx.msk $0xffff, v55  }
0x136: {  	[tilespmem:v9+s15+$0x0] =	vst.idx.msk $0xffff, v8  }
0x137: {  	v52 =	vadd.s32 s8, v22;
	v5 =	vmul.u32 $0x3, v56;
	[tilespmem:v1+s15+$0x0] =	vst.idx.msk $0xffff, v0;
	v4 =	vld.idx.msk [tilespmem:v4+s3+$0x0], $0xffff  }
0x138: {  	v8 =	vld.idx.msk [tilespmem:v60+s3+$0x0], $0xffff;
	[tilespmem:v49+s15+$0x0] =	vst.idx.msk $0xffff, v2  }
0x139: {  	v11 =	vadd.s32 v29, v5;
	v9 =	vld [tilespmem:s30+$0x30];
	[tilespmem:v50+s15+$0x0] =	vst.idx.msk $0xffff, v3  }
0x13a: {  	v39 =	vmov v37;
	v0 =	vadd.s32 v37, v47;
	v37 =	vld [tilespmem:$0x1FF50]  }
0x13b: {  	v1 =	vld [tilespmem:s0+$0x20]  }
0x13c: {  	v2 =	vld [tilespmem:s0+$0xFFFFFFA0];
	[tilespmem:v52+s15+$0x0] =	vst.idx.msk $0xffff, v4  }
0x13d: {  	v36 =	vld [tilespmem:$0x1FF20]  }
0x13e: {  	v40 =	vadd.s32 s28, v30;
	v11 =	vld.idx.msk [tilespmem:v11+s3+$0x0], $0xffff  }
0x13f: {  	v9 =	vmul.u32 $0x3, v9;
	v55 =	vld [tilespmem:s7+$0x20];
	v3 =	vadd.s32 s24, v37  }
0x140: {  	v50 =	vadd.s32 v31, v5;
	v7 =	vld [tilespmem:s7+$0xFFFFFFA0]  }
0x141: {  	v10 =	vld.idx.msk [tilespmem:v58+s3+$0x0], $0xffff;
	v61 =	vadd.s32 v29, v9;
	[tilespmem:v44+s15+$0x0] =	vst.idx.msk $0xffff, v57;
	v58 =	vadd.s32 s23, v37  }
0x142: {  	v63 =	vadd.s32 s25, v38;
	v1 =	vmul.u32 $0x3, v1;
	[tilespmem:v54+s15+$0x0] =	vst.idx.msk $0xffff, v53;
	v0 =	vld.idx.msk [tilespmem:v0+s3+$0x0], $0xffff;
	v56 =	vadd.s32 v36, v48  }
0x143: {  	v2 =	vmul.u32 $0x3, v2;
	v35 =	vld [tilespmem:$0x1FFB0];
	[tilespmem:v40+s15+$0x0] =	vst.idx.msk $0xffff, v11;
	v59 =	vadd.s32 v36, v46  }
0x144: {  	v49 =	vld.idx.msk [tilespmem:v51+s3+$0x0], $0xffff;
	v4 =	vmul.u32 $0x3, v55;
	[tilespmem:v3+s15+$0x0] =	vst.idx.msk $0xffff, v8;
	v3 =	vadd.s32 v23, v1  }
0x145: {  	v50 =	vld.idx.msk [tilespmem:v50+s3+$0x0], $0xffff;
	v7 =	vmul.u32 $0x3, v7;
	v8 =	vadd.s32 v23, v2  }
0x146: {  	v11 =	vld.idx.msk [tilespmem:v61+s3+$0x0], $0xffff;
	[tilespmem:v58+s15+$0x0] =	vst.idx.msk $0xffff, v10;
	v10 =	vadd.s32 v23, v4  }
0x147: {  	[tilespmem:v63+s15+$0x0] =	vst.idx.msk $0xffff, v0;
	v0 =	vadd.s32 v23, v7;
	v6 =	vld.idx.msk [tilespmem:v56+s3+$0x0], $0xffff  }
0x148: {  	v60 =	vmov v38;
	v38 =	vadd.s32 v35, v47;
	v44 =	vld.idx.msk [tilespmem:v59+s3+$0x0], $0xffff  }
0x149: {  	v51 =	vadd.s32 s1, v24;
	v3 =	vld.idx.msk [tilespmem:v3+s3+$0x0], $0xffff  }
0x14a: {  	v52 =	vadd.s32 s5, v24;
	v62 =	vadd.s32 v25, v1;
	v8 =	vld.idx.msk [tilespmem:v8+s3+$0x0], $0xffff  }
0x14b: {  	v55 =	vadd.s32 s18, v24;
	v63 =	vadd.s32 v25, v2;
	v10 =	vld.idx.msk [tilespmem:v10+s3+$0x0], $0xffff  }
0x14c: {  	v57 =	vadd.s32 v25, v4;
	v56 =	vadd.s32 s8, v24;
	v0 =	vld.idx.msk [tilespmem:v0+s3+$0x0], $0xffff  }
0x14d: {  	v61 =	vadd.s32 s29, v30;
	v40 =	vadd.s32 v25, v7;
	v47 =	vld.idx.msk [tilespmem:v38+s3+$0x0], $0xffff  }
0x14e: {  	v59 =	vadd.s32 s28, v32;
	v38 =	vld [tilespmem:$0x1FF90];
	[tilespmem:v51+s15+$0x0] =	vst.idx.msk $0xffff, v3  }
0x14f: {  	[tilespmem:v52+s15+$0x0] =	vst.idx.msk $0xffff, v8;
	v8 =	vld.idx.msk [tilespmem:v62+s3+$0x0], $0xffff;
	v62 =	vadd.s32 s1, v26  }
0x150: {  	v1 =	vadd.s32 v27, v1;
	[tilespmem:v55+s15+$0x0] =	vst.idx.msk $0xffff, v10;
	v52 =	vld.idx.msk [tilespmem:v63+s3+$0x0], $0xffff;
	v63 =	vadd.s32 s5, v26  }
0x151: {  	v2 =	vadd.s32 v27, v2;
	[tilespmem:v56+s15+$0x0] =	vst.idx.msk $0xffff, v0;
	v10 =	vadd.s32 s18, v26;
	v0 =	vld.idx.msk [tilespmem:v57+s3+$0x0], $0xffff  }
0x152: {  	v4 =	vadd.s32 v27, v4;
	[tilespmem:v61+s15+$0x0] =	vst.idx.msk $0xffff, v11;
	v40 =	vld.idx.msk [tilespmem:v40+s3+$0x0], $0xffff;
	v57 =	vadd.s32 s8, v26  }
0x153: {  	v61 =	vadd.s32 s26, v60;
	[tilespmem:v59+s15+$0x0] =	vst.idx.msk $0xffff, v50  }
0x154: {  	v7 =	vadd.s32 v27, v7;
	v46 =	vadd.s32 s25, v38;
	[tilespmem:v62+s15+$0x0] =	vst.idx.msk $0xffff, v8  }
0x155: {  	v3 =	vadd.s32 v31, v9;
	[tilespmem:v63+s15+$0x0] =	vst.idx.msk $0xffff, v52;
	v62 =	vadd.s32 s1, v28;
	v1 =	vld.idx.msk [tilespmem:v1+s3+$0x0], $0xffff  }
0x156: {  	v63 =	vadd.s32 s5, v28;
	[tilespmem:v10+s15+$0x0] =	vst.idx.msk $0xffff, v0;
	v2 =	vld.idx.msk [tilespmem:v2+s3+$0x0], $0xffff  }
0x157: {  	[tilespmem:v57+s15+$0x0] =	vst.idx.msk $0xffff, v40;
	v40 =	vadd.s32 s18, v28;
	v0 =	vld.idx.msk [tilespmem:v4+s3+$0x0], $0xffff  }
0x158: {  	[tilespmem:v61+s15+$0x0] =	vst.idx.msk $0xffff, v49  }
0x159: {  	[tilespmem:v46+s15+$0x0] =	vst.idx.msk $0xffff, v47;
	v10 =	vadd.s32 s8, v28;
	v7 =	vld.idx.msk [tilespmem:v7+s3+$0x0], $0xffff  }
0x15a: {  	v3 =	vld.idx.msk [tilespmem:v3+s3+$0x0], $0xffff;
	v52 =	vadd.s32 s29, v32;
	[tilespmem:v62+s15+$0x0] =	vst.idx.msk $0xffff, v1  }
0x15b: {  	v9 =	vadd.s32 v33, v9;
	[tilespmem:v63+s15+$0x0] =	vst.idx.msk $0xffff, v2;
	v1 =	vld [tilespmem:s0+$0x30]  }
0x15c: {  	v8 =	vadd.s32 v35, v45;
	[tilespmem:v40+s15+$0x0] =	vst.idx.msk $0xffff, v0;
	v2 =	vld [tilespmem:s0+$0xFFFFFFB0]  }
0x15d: {  	v63 =	vld [tilespmem:$0x1FF40]  }
0x15e: {  	[tilespmem:v10+s15+$0x0] =	vst.idx.msk $0xffff, v7;
	v4 =	vld [tilespmem:s7+$0x30]  }
0x15f: {  	[tilespmem:v52+s15+$0x0] =	vst.idx.msk $0xffff, v3;
	v3 =	vld [tilespmem:s7+$0xFFFFFFB0]  }
0x160: {  	v10 =	vadd.s32 s29, v34;
	v9 =	vld.idx.msk [tilespmem:v9+s3+$0x0], $0xffff  }
0x161: {  	v5 =	vadd.s32 v33, v5;
	v53 =	vadd.s32 s26, v38;
	v8 =	vld.idx.msk [tilespmem:v8+s3+$0x0], $0xffff  }
0x162: {  	v0 =	vadd.s32 s24, v63;
	v2 =	vmul.u32 $0x3, v2  }
0x163: {  	v4 =	vmul.u32 $0x3, v4  }
0x164: {  	v3 =	vmul.u32 $0x3, v3;
	v56 =	vadd.s32 v29, v2  }
0x165: {  	v1 =	vmul.u32 $0x3, v1;
	[tilespmem:v10+s15+$0x0] =	vst.idx.msk $0xffff, v9;
	v9 =	vadd.s32 v29, v4  }
0x166: {  	v5 =	vld.idx.msk [tilespmem:v5+s3+$0x0], $0xffff;
	[tilespmem:v53+s15+$0x0] =	vst.idx.msk $0xffff, v8;
	v10 =	vadd.s32 v29, v3  }
0x167: {  	v11 =	vld [tilespmem:s31+$0xFFFFFFD0];
	v8 =	vadd.s32 s28, v34;
	[tilespmem:v0+s15+$0x0] =	vst.idx.msk $0xffff, v6;
	v0 =	vadd.s32 v29, v1  }
0x168: {  	v55 =	vld [tilespmem:s31+$0x50];
	v54 =	vadd.s32 s23, v63  }
0x169: {  	v49 =	vadd.s32 s5, v30;
	v7 =	vld.idx.msk [tilespmem:v56+s3+$0x0], $0xffff  }
0x16a: {  	v52 =	vadd.s32 s18, v30;
	v9 =	vld.idx.msk [tilespmem:v9+s3+$0x0], $0xffff  }
0x16b: {  	v53 =	vadd.s32 s8, v30;
	v10 =	vld.idx.msk [tilespmem:v10+s3+$0x0], $0xffff  }
0x16c: {  	v48 =	vadd.s32 s1, v30;
	v61 =	vadd.s32 v31, v4;
	[tilespmem:v8+s15+$0x0] =	vst.idx.msk $0xffff, v5;
	v0 =	vld.idx.msk [tilespmem:v0+s3+$0x0], $0xffff  }
0x16d: {  	[tilespmem:v54+s15+$0x0] =	vst.idx.msk $0xffff, v44  }
0x16e: {  	v11 =	vmul.u32 $0x3, v11;
	v50 =	vadd.s32 v31, v1;
	v40 =	vld [tilespmem:$0x1FFC0];
	[tilespmem:v49+s15+$0x0] =	vst.idx.msk $0xffff, v7  }
0x16f: {  	v57 =	vld [tilespmem:s30+$0x40];
	v51 =	vadd.s32 v31, v2;
	[tilespmem:v52+s15+$0x0] =	vst.idx.msk $0xffff, v9  }
0x170: {  	v59 =	vadd.s32 v41, v11;
	v8 =	vmul.u32 $0x3, v55;
	v58 =	vld [tilespmem:s30+$0xFFFFFFC0];
	[tilespmem:v53+s15+$0x0] =	vst.idx.msk $0xffff, v10  }
0x171: {  	v62 =	vadd.s32 v31, v3;
	v9 =	vld.idx.msk [tilespmem:v61+s3+$0x0], $0xffff;
	[tilespmem:v48+s15+$0x0] =	vst.idx.msk $0xffff, v0  }
0x172: {  	v47 =	vadd.s32 v41, v8;
	v61 =	vld [tilespmem:$0x1FF60]  }
0x173: {  	v48 =	vadd.s32 s1, v32;
	v7 =	vld.idx.msk [tilespmem:v50+s3+$0x0], $0xffff  }
0x174: {  	v1 =	vadd.s32 v33, v1;
	v49 =	vld.idx.msk [tilespmem:v51+s3+$0x0], $0xffff;
	v50 =	vadd.s32 s5, v32  }
0x175: {  	v2 =	vadd.s32 v33, v2;
	v44 =	vld.idx.msk [tilespmem:v59+s3+$0x0], $0xffff;
	v10 =	vadd.s32 s18, v32  }
0x176: {  	v4 =	vadd.s32 v33, v4;
	v51 =	vadd.s32 s8, v32;
	v45 =	vld.idx.msk [tilespmem:v62+s3+$0x0], $0xffff  }
0x177: {  	v5 =	vmul.u32 $0x3, v57;
	v47 =	vld.idx.msk [tilespmem:v47+s3+$0x0], $0xffff;
	v52 =	vadd.s32 s26, v61  }
0x178: {  	v57 =	vmov v41;
	v55 =	vmul.u32 $0x3, v58;
	v41 =	vld [tilespmem:$0x1FF70];
	v54 =	vadd.s32 s25, v61;
	[tilespmem:v48+s15+$0x0] =	vst.idx.msk $0xffff, v7  }
0x179: {  	v59 =	vadd.s32 s1, v34;
	v56 =	vadd.s32 v40, v5;
	[tilespmem:v50+s15+$0x0] =	vst.idx.msk $0xffff, v49;
	v1 =	vld.idx.msk [tilespmem:v1+s3+$0x0], $0xffff  }
0x17a: {  	v62 =	vadd.s32 s5, v34;
	v0 =	vadd.s32 v40, v55;
	[tilespmem:v10+s15+$0x0] =	vst.idx.msk $0xffff, v9;
	v2 =	vld.idx.msk [tilespmem:v2+s3+$0x0], $0xffff  }
0x17b: {  	v9 =	vadd.s32 s18, v34;
	[tilespmem:v51+s15+$0x0] =	vst.idx.msk $0xffff, v45;
	v4 =	vld.idx.msk [tilespmem:v4+s3+$0x0], $0xffff  }
0x17c: {  	v6 =	vld [tilespmem:s12+$0x60];
	[tilespmem:v52+s15+$0x0] =	vst.idx.msk $0xffff, v47  }
0x17d: {  	v3 =	vadd.s32 v33, v3;
	v46 =	vld [tilespmem:s12+$0xFFFFFFE0];
	[tilespmem:v54+s15+$0x0] =	vst.idx.msk $0xffff, v44  }
0x17e: {  	v53 =	vld.idx.msk [tilespmem:v56+s3+$0x0], $0xffff;
	v56 =	vadd.s32 v41, v8;
	[tilespmem:v59+s15+$0x0] =	vst.idx.msk $0xffff, v1  }
0x17f: {  	v0 =	vld.idx.msk [tilespmem:v0+s3+$0x0], $0xffff;
	[tilespmem:v62+s15+$0x0] =	vst.idx.msk $0xffff, v2  }
0x180: {  	v59 =	vld [tilespmem:$0x1FF00];
	[tilespmem:v9+s15+$0x0] =	vst.idx.msk $0xffff, v4  }
0x181: {  	v58 =	vadd.s32 v41, v11;
	v54 =	vmov v39;
	v1 =	vadd.s32 v39, v55;
	v39 =	vld [tilespmem:$0x1FFA0]  }
0x182: {  	v10 =	vadd.s32 s8, v34;
	v3 =	vld.idx.msk [tilespmem:v3+s3+$0x0], $0xffff  }
0x183: {  	v50 =	vadd.s32 s26, v37;
	v47 =	vld.idx.msk [tilespmem:v56+s3+$0x0], $0xffff  }
0x184: {  	v44 =	vmul.u32 $0x3, v6;
	v6 =	vadd.s32 v36, v8;
	v2 =	vld [tilespmem:s0+$0x40]  }
0x185: {  	v45 =	vmul.u32 $0x3, v46;
	v46 =	vld [tilespmem:s0+$0xFFFFFFC0]  }
0x186: {  	v7 =	vld.idx.msk [tilespmem:v58+s3+$0x0], $0xffff;
	v9 =	vadd.s32 s29, v39  }
0x187: {  	[tilespmem:v10+s15+$0x0] =	vst.idx.msk $0xffff, v3;
	v3 =	vld [tilespmem:s7+$0x40];
	v58 =	vadd.s32 v59, v45  }
0x188: {  	v62 =	vadd.s32 s25, v37;
	v52 =	vld [tilespmem:s7+$0xFFFFFFC0];
	[tilespmem:v50+s15+$0x0] =	vst.idx.msk $0xffff, v47  }
0x189: {  	[tilespmem:v43+s15+$0x0] =	vst.idx.msk $0xffff, v0;
	v0 =	vadd.s32 v36, v11;
	v11 =	vadd.s32 s26, v63;
	v6 =	vld.idx.msk [tilespmem:v6+s3+$0x0], $0xffff;
	v2 =	vmul.u32 $0x3, v2  }
0x18a: {  	v51 =	vmovc v54;
	v10 =	vadd.s32 v54, v5;
	v54 =	vadd.s32 s28, v60;
	v1 =	vld.idx.msk [tilespmem:v1+s3+$0x0], $0xffff;
	v46 =	vmul.u32 $0x3, v46  }
0x18b: {  	[tilespmem:v9+s15+$0x0] =	vst.idx.msk $0xffff, v53;
	v9 =	vadd.s32 v40, v2  }
0x18c: {  	v3 =	vmul.u32 $0x3, v3;
	v4 =	vld.idx.msk [tilespmem:v58+s3+$0x0], $0xf;
	v58 =	vadd.s32 v40, v46  }
0x18d: {  	v56 =	vadd.s32 v35, v55;
	[tilespmem:v62+s15+$0x0] =	vst.idx.msk $0xffff, v7;
	v47 =	vmul.u32 $0x3, v52  }
0x18e: {  	v0 =	vld.idx.msk [tilespmem:v0+s3+$0x0], $0xffff;
	[tilespmem:v11+s15+$0x0] =	vst.idx.msk $0xffff, v6;
	v6 =	vadd.s32 v40, v3  }
0x18f: {  	[tilespmem:v54+s15+$0x0] =	vst.idx.msk $0xffff, v1;
	v43 =	vadd.s32 v40, v47;
	v11 =	vadd.s32 s25, v63;
	v1 =	vld [tilespmem:s31+$0x60]  }
0x190: {  	v50 =	vadd.s32 s1, v39;
	v9 =	vld.idx.msk [tilespmem:v9+s3+$0x0], $0xffff  }
0x191: {  	v62 =	vmov v51;
	v51 =	vadd.s32 v51, v2;
	v7 =	vld.idx.msk [tilespmem:v58+s3+$0x0], $0xffff  }
0x192: {  	v52 =	vadd.s32 v62, v46;
	v48 =	vld.idx.msk [tilespmem:v56+s3+$0x0], $0xffff  }
0x193: {  	v58 =	vadd.s32 s18, v39;
	v6 =	vld.idx.msk [tilespmem:v6+s3+$0x0], $0xffff  }
0x194: {  	v54 =	vadd.s32 s8, v39;
	[tilespmem:v11+s15+$0x0] =	vst.idx.msk $0xffff, v0;
	v0 =	vld.idx.msk [tilespmem:v43+s3+$0x0], $0xffff;
	v11 =	vadd.s32 v62, v3  }
0x195: {  	v10 =	vld.idx.msk [tilespmem:v10+s3+$0x0], $0xffff;
	v62 =	vadd.s32 v62, v47;
	v43 =	vmul.u32 $0x3, v1;
	v1 =	vadd.s32 s29, v60;
	[tilespmem:v50+s15+$0x0] =	vst.idx.msk $0xffff, v9  }
0x196: {  	v5 =	vadd.s32 v35, v5;
	[tilespmem:v42+s15+$0x0] =	vst.idx.msk $0xffff, v7;
	v7 =	vadd.s32 s1, v60;
	v50 =	vld.idx.msk [tilespmem:v51+s3+$0x0], $0xffff  }
0x197: {  	v56 =	vadd.s32 s5, v60;
	v2 =	vadd.s32 v35, v2;
	v51 =	vld.idx.msk [tilespmem:v52+s3+$0x0], $0xffff  }
0x198: {  	v49 =	vadd.s32 s28, v38;
	v55 =	vld [tilespmem:s31+$0xFFFFFFE0];
	[tilespmem:v58+s15+$0x0] =	vst.idx.msk $0xffff, v6;
	v58 =	vadd.s32 v35, v46  }
0x199: {  	v8 =	vadd.s32 v59, v44;
	[tilespmem:v54+s15+$0x0] =	vst.idx.msk $0xffff, v0;
	v0 =	vadd.s32 s18, v60;
	v11 =	vld.idx.msk [tilespmem:v11+s3+$0x0], $0xffff  }
0x19a: {  	[tilespmem:v1+s15+$0x0] =	vst.idx.msk $0xffff, v10;
	v1 =	vld.idx.msk [tilespmem:v62+s3+$0x0], $0xffff;
	v10 =	vadd.s32 s8, v60  }
0x19b: {  	v9 =	vadd.s32 v59, v43;
	v62 =	vadd.s32 s29, v38;
	v5 =	vld.idx.msk [tilespmem:v5+s3+$0x0], $0xffff;
	[tilespmem:v7+s15+$0x0] =	vst.idx.msk $0xffff, v50  }
0x19c: {  	v53 =	vadd.s32 s1, v38;
	v3 =	vadd.s32 v35, v3;
	[tilespmem:v56+s15+$0x0] =	vst.idx.msk $0xffff, v51;
	v2 =	vld.idx.msk [tilespmem:v2+s3+$0x0], $0xffff  }
0x19d: {  	[tilespmem:v49+s15+$0x0] =	vst.idx.msk $0xffff, v48;
	v54 =	vadd.s32 s5, v38;
	v6 =	vld.idx.msk [tilespmem:v58+s3+$0x0], $0xffff  }
0x19e: {  	v8 =	vld.idx.msk [tilespmem:v8+s3+$0x0], $0xf;
	[tilespmem:v0+s15+$0x0] =	vst.idx.msk $0xffff, v11  }
0x19f: {  	v47 =	vadd.s32 v35, v47;
	v49 =	vld [tilespmem:s30+$0xFFFFFFD0];
	v42 =	vmul.u32 $0x3, v55;
	[tilespmem:v10+s15+$0x0] =	vst.idx.msk $0xffff, v1  }
0x1a0: {  	v9 =	vld.idx.msk [tilespmem:v9+s3+$0x0], $0xf;
	[tilespmem:v62+s15+$0x0] =	vst.idx.msk $0xffff, v5  }
0x1a1: {  	v35 =	vadd.s32 v59, v42;
	v0 =	vld.idx.msk [tilespmem:v3+s3+$0x0], $0xffff;
	[tilespmem:v53+s15+$0x0] =	vst.idx.msk $0xffff, v2  }
0x1a2: {  	v62 =	vld [tilespmem:$0x1FF30];
	[tilespmem:v54+s15+$0x0] =	vst.idx.msk $0xffff, v6  }
0x1a3: {  	v1 =	vadd.s32 s18, v38;
	v60 =	vld [tilespmem:$0x1FF10]  }
0x1a4: {  	v55 =	vadd.s32 s8, v38;
	v3 =	vld.idx.msk [tilespmem:v47+s3+$0x0], $0xffff  }
0x1a5: {  	v10 =	vld [tilespmem:s30+$0x50]  }
0x1a6: {  	v7 =	vld.idx.msk [tilespmem:v35+s3+$0x0], $0xf  }
0x1a7: {  	v6 =	vld [tilespmem:s0+$0x50];
	v2 =	vadd.s32 s24, v62  }
0x1a8: {  	v58 =	vld [tilespmem:s0+$0xFFFFFFD0];
	[tilespmem:v1+s15+$0x0] =	vst.idx.msk $0xffff, v0;
	v56 =	vadd.s32 s23, v62;
	v11 =	vadd.s32 v60, v44  }
0x1a9: {  	[tilespmem:v55+s15+$0x0] =	vst.idx.msk $0xffff, v3;
	v3 =	vld [tilespmem:s7+$0x50];
	v1 =	vadd.s32 s26, v62  }
0x1aa: {  	v10 =	vmul.u32 $0x3, v10;
	v54 =	vld [tilespmem:s7+$0xFFFFFFD0];
	v38 =	vadd.s32 s25, v62;
	v35 =	vadd.s32 v60, v43  }
0x1ab: {  	v49 =	vmul.u32 $0x3, v49;
	v55 =	vadd.s32 v60, v42  }
0x1ac: {  	v6 =	vmul.u32 $0x3, v6;
	[tilespmem:v2+s15+$0x0] =	vst.idx.msk $0xf, v8;
	v2 =	vadd.s32 v57, v10  }
0x1ad: {  	[tilespmem:v56+s15+$0x0] =	vst.idx.msk $0xf, v4;
	v56 =	vadd.s32 v57, v49;
	v8 =	vld.idx.msk [tilespmem:v11+s3+$0x0], $0xf;
	v11 =	vmul.u32 $0x3, v58  }
0x1ae: {  	v3 =	vmul.u32 $0x3, v3;
	[tilespmem:v1+s15+$0x0] =	vst.idx.msk $0xf, v9;
	v1 =	vadd.s32 v57, v6  }
0x1af: {  	[tilespmem:v38+s15+$0x0] =	vst.idx.msk $0xf, v7;
	v9 =	vmul.u32 $0x3, v54;
	v5 =	vld.idx.msk [tilespmem:v35+s3+$0x0], $0xf;
	v58 =	vadd.s32 v57, v11  }
0x1b0: {  	v38 =	vadd.s32 v57, v3;
	v46 =	vld.idx.msk [tilespmem:v55+s3+$0x0], $0xf  }
0x1b1: {  	v48 =	vadd.s32 s29, v61;
	v50 =	vadd.s32 v57, v9;
	v2 =	vld.idx.msk [tilespmem:v2+s3+$0x0], $0xffff  }
0x1b2: {  	v51 =	vadd.s32 s28, v61;
	v35 =	vadd.s32 v41, v10;
	v4 =	vld.idx.msk [tilespmem:v56+s3+$0x0], $0xffff  }
0x1b3: {  	v53 =	vadd.s32 v41, v49;
	v54 =	vadd.s32 s1, v61;
	v1 =	vld.idx.msk [tilespmem:v1+s3+$0x0], $0xffff  }
0x1b4: {  	v55 =	vadd.s32 s5, v61;
	v56 =	vadd.s32 v41, v6;
	v7 =	vld.idx.msk [tilespmem:v58+s3+$0x0], $0xffff  }
0x1b5: {  	v57 =	vadd.s32 v41, v11;
	v47 =	vld.idx.msk [tilespmem:v38+s3+$0x0], $0xffff;
	v38 =	vadd.s32 s18, v61  }
0x1b6: {  	[tilespmem:v48+s15+$0x0] =	vst.idx.msk $0xffff, v2;
	v2 =	vld.idx.msk [tilespmem:v50+s3+$0x0], $0xffff;
	v48 =	vadd.s32 s8, v61;
	v50 =	vadd.s32 v41, v3  }
0x1b7: {  	[tilespmem:v51+s15+$0x0] =	vst.idx.msk $0xffff, v4;
	v51 =	vadd.s32 s29, v37;
	v4 =	vld.idx.msk [tilespmem:v35+s3+$0x0], $0xffff;
	v35 =	vadd.s32 v41, v9  }
0x1b8: {  	[tilespmem:v54+s15+$0x0] =	vst.idx.msk $0xffff, v1;
	v1 =	vadd.s32 v36, v10;
	v10 =	vld.idx.msk [tilespmem:v53+s3+$0x0], $0xffff;
	v53 =	vadd.s32 s28, v37  }
0x1b9: {  	v54 =	vadd.s32 s1, v37;
	[tilespmem:v55+s15+$0x0] =	vst.idx.msk $0xffff, v7;
	v7 =	vadd.s32 v36, v49;
	v49 =	vld.idx.msk [tilespmem:v56+s3+$0x0], $0xffff  }
0x1ba: {  	v6 =	vadd.s32 v36, v6;
	[tilespmem:v38+s15+$0x0] =	vst.idx.msk $0xffff, v47;
	v41 =	vadd.s32 s5, v37;
	v38 =	vld.idx.msk [tilespmem:v57+s3+$0x0], $0xffff  }
0x1bb: {  	v56 =	vadd.s32 s18, v37;
	[tilespmem:v48+s15+$0x0] =	vst.idx.msk $0xffff, v2;
	v2 =	vadd.s32 v36, v11;
	v11 =	vld.idx.msk [tilespmem:v50+s3+$0x0], $0xffff  }
0x1bc: {  	v58 =	vadd.s32 s8, v37;
	[tilespmem:v51+s15+$0x0] =	vst.idx.msk $0xffff, v4;
	v57 =	vld.idx.msk [tilespmem:v35+s3+$0x0], $0xffff  }
0x1bd: {  	v35 =	vadd.s32 s29, v63;
	[tilespmem:v53+s15+$0x0] =	vst.idx.msk $0xffff, v10;
	v1 =	vld.idx.msk [tilespmem:v1+s3+$0x0], $0xffff  }
0x1be: {  	v10 =	vadd.s32 s28, v63;
	v7 =	vld.idx.msk [tilespmem:v7+s3+$0x0], $0xffff;
	[tilespmem:v54+s15+$0x0] =	vst.idx.msk $0xffff, v49  }
0x1bf: {  	v37 =	vadd.s32 s1, v63;
	v6 =	vld.idx.msk [tilespmem:v6+s3+$0x0], $0xffff;
	[tilespmem:v41+s15+$0x0] =	vst.idx.msk $0xffff, v38  }
0x1c0: {  	[tilespmem:v56+s15+$0x0] =	vst.idx.msk $0xffff, v11  }
0x1c1: {  	[tilespmem:v58+s15+$0x0] =	vst.idx.msk $0xffff, v57  }
0x1c2: {  	[tilespmem:v35+s15+$0x0] =	vst.idx.msk $0xffff, v1  }
0x1c3: {  	v3 =	vadd.s32 v36, v3;
	[tilespmem:v10+s15+$0x0] =	vst.idx.msk $0xffff, v7  }
0x1c4: {  	v9 =	vadd.s32 v36, v9;
	v2 =	vld.idx.msk [tilespmem:v2+s3+$0x0], $0xffff;
	[tilespmem:v37+s15+$0x0] =	vst.idx.msk $0xffff, v6  }
0x1c5: {  	v0 =	vadd.s32 v60, v45;
	v38 =	vadd.s32 s5, v63;
	v52 =	vld [tilespmem:$0x1FEE0];
	_ =	sdelay $0x2  }
0x1c6: {  	v11 =	vadd.s32 s18, v63;
	v3 =	vld.idx.msk [tilespmem:v3+s3+$0x0], $0xffff  }
0x1c7: {  	v41 =	vadd.s32 s8, v63;
	v1 =	vld.idx.msk [tilespmem:v9+s3+$0x0], $0xffff  }
0x1c8: {  	v0 =	vld.idx.msk [tilespmem:v0+s3+$0x0], $0xf;
	[tilespmem:v38+s15+$0x0] =	vst.idx.msk $0xffff, v2;
	v48 =	vadd.s32 s24, v52  }
0x1c9: {  	v35 =	vld [tilespmem:$0x1FED0]  }
0x1ca: {  	v9 =	vld [tilespmem:s30+$0x60]  }
0x1cb: {  	v7 =	vld [tilespmem:s30+$0xFFFFFFE0];
	[tilespmem:v11+s15+$0x0] =	vst.idx.msk $0xffff, v3  }
0x1cc: {  	v10 =	vld [tilespmem:s0+$0x60];
	[tilespmem:v41+s15+$0x0] =	vst.idx.msk $0xffff, v1  }
0x1cd: {  	v47 =	vld [tilespmem:s0+$0xFFFFFFE0];
	[tilespmem:v48+s15+$0x0] =	vst.idx.msk $0xf, v8  }
0x1ce: {  	v11 =	vadd.s32 s26, v52;
	v2 =	vadd.s32 v35, v44;
	v53 =	vld [tilespmem:$0x1FEF0]  }
0x1cf: {  	v50 =	vld [tilespmem:s7+$0x60];
	v9 =	vmul.u32 $0x3, v9;
	v49 =	vadd.s32 s23, v52;
	v1 =	vadd.s32 v35, v43  }
0x1d0: {  	v57 =	vld [tilespmem:s7+$0xFFFFFFE0];
	v3 =	vadd.s32 v35, v45  }
0x1d1: {  	v56 =	vadd.s32 s25, v52;
	v58 =	vadd.s32 v59, v9;
	v8 =	vmul.u32 $0x3, v10  }
0x1d2: {  	v7 =	vmul.u32 $0x3, v7;
	v42 =	vadd.s32 v35, v42  }
0x1d3: {  	v44 =	vmul.u32 $0x3, v47;
	v2 =	vld.idx.msk [tilespmem:v2+s3+$0x0], $0xf;
	[tilespmem:v11+s15+$0x0] =	vst.idx.msk $0xf, v5;
	v36 =	vadd.s32 v59, v8;
	v10 =	vadd.s32 s24, v53  }
0x1d4: {  	[tilespmem:v49+s15+$0x0] =	vst.idx.msk $0xf, v0;
	v0 =	vadd.s32 v59, v7;
	v11 =	vmul.u32 $0x3, v50;
	v1 =	vld.idx.msk [tilespmem:v1+s3+$0x0], $0xf;
	v37 =	vadd.s32 s26, v53  }
0x1d5: {  	v38 =	vadd.s32 v59, v44;
	v43 =	vmul.u32 $0x3, v57;
	v3 =	vld.idx.msk [tilespmem:v3+s3+$0x0], $0xf;
	v63 =	vadd.s32 s23, v53  }
0x1d6: {  	v6 =	vld.idx.msk [tilespmem:v58+s3+$0x0], $0xf;
	[tilespmem:v56+s15+$0x0] =	vst.idx.msk $0xf, v46;
	v56 =	vadd.s32 s29, v62;
	v55 =	vadd.s32 v59, v11  }
0x1d7: {  	v57 =	vadd.s32 v59, v43;
	v42 =	vld.idx.msk [tilespmem:v42+s3+$0x0], $0xf;
	v54 =	vadd.s32 s25, v53  }
0x1d8: {  	v58 =	vadd.s32 s1, v62;
	v5 =	vld.idx.msk [tilespmem:v36+s3+$0x0], $0xf;
	[tilespmem:v10+s15+$0x0] =	vst.idx.msk $0xf, v2;
	v2 =	vadd.s32 v60, v9  }
0x1d9: {  	v0 =	vld.idx.msk [tilespmem:v0+s3+$0x0], $0xf;
	v10 =	vadd.s32 s28, v62;
	[tilespmem:v37+s15+$0x0] =	vst.idx.msk $0xf, v1;
	v1 =	vadd.s32 v60, v8  }
0x1da: {  	v4 =	vld.idx.msk [tilespmem:v38+s3+$0x0], $0xf;
	v59 =	vadd.s32 s5, v62;
	[tilespmem:v63+s15+$0x0] =	vst.idx.msk $0xf, v3;
	v3 =	vadd.s32 v60, v7  }
0x1db: {  	[tilespmem:v56+s15+$0x0] =	vst.idx.msk $0xf, v6;
	v36 =	vld.idx.msk [tilespmem:v55+s3+$0x0], $0xf;
	v63 =	vadd.s32 v60, v44;
	v37 =	vadd.s32 s18, v62  }
0x1dc: {  	v55 =	vadd.s32 s8, v62;
	[tilespmem:v54+s15+$0x0] =	vst.idx.msk $0xf, v42;
	v54 =	vld.idx.msk [tilespmem:v57+s3+$0x0], $0xf  }
0x1dd: {  	v38 =	vadd.s32 v60, v11;
	v56 =	vadd.s32 s29, v52;
	[tilespmem:v58+s15+$0x0] =	vst.idx.msk $0xf, v5;
	v2 =	vld.idx.msk [tilespmem:v2+s3+$0x0], $0xf  }
0x1de: {  	v58 =	vadd.s32 s1, v52;
	[tilespmem:v10+s15+$0x0] =	vst.idx.msk $0xf, v0;
	v0 =	vadd.s32 v60, v43;
	v1 =	vld.idx.msk [tilespmem:v1+s3+$0x0], $0xf  }
0x1df: {  	[tilespmem:v59+s15+$0x0] =	vst.idx.msk $0xf, v4;
	v9 =	vadd.s32 v35, v9;
	v10 =	vadd.s32 s28, v52;
	v3 =	vld.idx.msk [tilespmem:v3+s3+$0x0], $0xf  }
0x1e0: {  	v59 =	vadd.s32 v35, v8;
	v8 =	vadd.s32 s5, v52;
	v42 =	vld.idx.msk [tilespmem:v63+s3+$0x0], $0xf;
	[tilespmem:v37+s15+$0x0] =	vst.idx.msk $0xf, v36  }
0x1e1: {  	v44 =	vadd.s32 v35, v44;
	[tilespmem:v55+s15+$0x0] =	vst.idx.msk $0xf, v54  }
0x1e2: {  	v57 =	vadd.s32 v35, v7;
	v60 =	vadd.s32 s18, v52;
	v6 =	vld.idx.msk [tilespmem:v38+s3+$0x0], $0xf;
	[tilespmem:v56+s15+$0x0] =	vst.idx.msk $0xf, v2  }
0x1e3: {  	v2 =	vadd.s32 v35, v11;
	v11 =	vadd.s32 s8, v52;
	v0 =	vld.idx.msk [tilespmem:v0+s3+$0x0], $0xf;
	[tilespmem:v58+s15+$0x0] =	vst.idx.msk $0xf, v1  }
0x1e4: {  	v62 =	vadd.s32 s29, v53;
	v9 =	vld.idx.msk [tilespmem:v9+s3+$0x0], $0xf;
	[tilespmem:v10+s15+$0x0] =	vst.idx.msk $0xf, v3;
	v3 =	vadd.s32 v35, v43  }
0x1e5: {  	v63 =	vadd.s32 s1, v53;
	[tilespmem:v8+s15+$0x0] =	vst.idx.msk $0xf, v42;
	v1 =	vld.idx.msk [tilespmem:v59+s3+$0x0], $0xf  }
0x1e6: {  	v35 =	vadd.s32 s5, v53;
	v8 =	vld.idx.msk [tilespmem:v44+s3+$0x0], $0xf  }
0x1e7: {  	v10 =	vadd.s32 s28, v53;
	[tilespmem:v60+s15+$0x0] =	vst.idx.msk $0xf, v6;
	v5 =	vld.idx.msk [tilespmem:v57+s3+$0x0], $0xf  }
0x1e8: {  	v36 =	vadd.s32 s18, v53;
	v2 =	vld.idx.msk [tilespmem:v2+s3+$0x0], $0xf;
	[tilespmem:v11+s15+$0x0] =	vst.idx.msk $0xf, v0  }
0x1e9: {  	s26 =	sshll.u32 s21, $0x6;
	v0 =	vadd.s32 s8, v53;
	[tilespmem:v62+s15+$0x0] =	vst.idx.msk $0xf, v9;
	v3 =	vld.idx.msk [tilespmem:v3+s3+$0x0], $0xf  }
0x1ea: {  	s0 =	sadd.s32 s6, s26;
	[tilespmem:v63+s15+$0x0] =	vst.idx.msk $0xf, v1  }
0x1eb: {  	s0 =	smul.u32 $0x12C, s0;
	[tilespmem:v35+s15+$0x0] =	vst.idx.msk $0xf, v8  }
0x1ec: {  	[tilespmem:v10+s15+$0x0] =	vst.idx.msk $0xf, v5  }
0x1ed: {  	s0 =	sshrl.u32 s0, $0x3;
	[tilespmem:v36+s15+$0x0] =	vst.idx.msk $0xf, v2  }
0x1ee: {  	s23 =	sor.u32 $0x1, s10;
	s0 =	sadd.s32 s2, s0;
	[tilespmem:v0+s15+$0x0] =	vst.idx.msk $0xf, v3  }
0x1ef: {  	[hbm4b:s0+s3] =	stream.linear.scatter [tilespmem:s15], [sflag:$0x3], $0x2580, $0x38;
	[tilespmem:$0x1FD80] =	vst v63  }
0x1f0: {  	p1 =	sgt.u32 s23, $0xC6;
	_ =	swait.ge [sflag:s16], $0x1000  }
0x1f1: {  	s1 =	simm.s32 @!p1 $0x20;
	[sflag:s16] =	ssyncset.done $0x0  }
0x1f2: {  	s5 =	simm.s32 @!p1 $0x19180;
	s0 =	sadd.s32 @!p1 $0x12E80, s22;
	[sflag:s16] =	ssyncadd.s32 $0xFFFFF000  }
0x1f3: {  	[tilespmem:s5], [sflag:$0x1] =	stream.indirect.gather @!p1 [hbm4b:s4+s1], $0x80, s0, s1, $0xb8;
	[tilespmem:$0x1FD80] =	vst v63  }
0x1f4: {  	s0 =	simm.s32 @!p0 $0x4  }
0x1f5: {  	_ =	swait.ge @!p0 [sflag:s0], $0x2580  }
0x1f6: {  	[sflag:s0] =	ssyncset.done @!p0 $0x0  }
0x1f7: {  	s12 =	simm.s32 $0x1A200;
	[sflag:s0] =	ssyncadd.s32 @!p0 $0xFFFFDA80  }
0x1f8: {  	v0 =	vld [tilespmem:s12+$0x0]  }
0x1f9: {  	v1 =	vld [tilespmem:s12+$0xFFFFFF80]  }
0x1fa: {  	v35 =	vld [tilespmem:$0x1FF80];
	_ =	sdelay $0x2  }
0x1fb: {  	v0 =	vmul.u32 $0x3, v0  }
0x1fc: {  	v1 =	vmul.u32 $0x3, v1  }
0x1fd: {  	v2 =	vadd.s32 v35, v0  }
0x1fe: {  	v3 =	vadd.s32 v35, v1;
	_ =	sdelay $0x2  }
0x1ff: {  	s24 =	simm.s32 $0x12C  }
0x200: {  	v37 =	vadd.s32 s24, v12;
	s22 =	simm.s32 $0x0;
	v2 =	vld.idx.msk [tilespmem:v2+s3+$0x0], $0xffff  }
0x201: {  	v38 =	vadd.s32 s22, v12;
	v41 =	vadd.s32 v13, v0;
	v3 =	vld.idx.msk [tilespmem:v3+s3+$0x0], $0xffff  }
0x202: {  	v42 =	vadd.s32 v13, v1;
	_ =	sdelay $0x2  }
0x203: {  	[tilespmem:v37+s17+$0x0] =	vst.idx.msk $0xffff, v2  }
0x204: {  	[tilespmem:v38+s17+$0x0] =	vst.idx.msk $0xffff, v3;
	v3 =	vadd.s32 s24, v14;
	v2 =	vld.idx.msk [tilespmem:v41+s3+$0x0], $0xffff  }
0x205: {  	v44 =	vadd.s32 s22, v14;
	v0 =	vadd.s32 v15, v0;
	v43 =	vld.idx.msk [tilespmem:v42+s3+$0x0], $0xffff  }
0x206: {  	v1 =	vadd.s32 v15, v1;
	_ =	sdelay $0x2  }
0x207: {  	[tilespmem:v3+s17+$0x0] =	vst.idx.msk $0xffff, v2  }
0x208: {  	[tilespmem:v44+s17+$0x0] =	vst.idx.msk $0xffff, v43;
	v2 =	vadd.s32 s24, v16;
	v0 =	vld.idx.msk [tilespmem:v0+s3+$0x0], $0xffff  }
0x209: {  	v3 =	vadd.s32 s22, v16;
	v1 =	vld.idx.msk [tilespmem:v1+s3+$0x0], $0xffff;
	_ =	sdelay $0x3  }
0x20a: {  	[tilespmem:v2+s17+$0x0] =	vst.idx.msk $0xffff, v0  }
0x20b: {  	[tilespmem:v3+s17+$0x0] =	vst.idx.msk $0xffff, v1;
	v0 =	vld [tilespmem:s12+$0x10]  }
0x20c: {  	v1 =	vld [tilespmem:s12+$0xFFFFFF90];
	_ =	sdelay $0x3  }
0x20d: {  	v0 =	vmul.u32 $0x3, v0  }
0x20e: {  	v1 =	vmul.u32 $0x3, v1  }
0x20f: {  	v2 =	vadd.s32 v17, v0  }
0x210: {  	v3 =	vadd.s32 v17, v1;
	_ =	sdelay $0x1  }
0x211: {  	s31 =	simm.s32 $0x1A300  }
0x212: {  	v45 =	vld [tilespmem:s31+$0xFFFFFF80]  }
0x213: {  	v46 =	vadd.s32 s24, v18;
	v2 =	vld.idx.msk [tilespmem:v2+s3+$0x0], $0xffff  }
0x214: {  	v47 =	vadd.s32 s22, v18;
	v48 =	vadd.s32 v19, v0;
	v3 =	vld.idx.msk [tilespmem:v3+s3+$0x0], $0xffff  }
0x215: {  	v8 =	vld [tilespmem:s31+$0x0];
	v9 =	vadd.s32 v19, v1;
	_ =	sdelay $0x1  }
0x216: {  	v4 =	vmul.u32 $0x3, v45  }
0x217: {  	[tilespmem:v46+s17+$0x0] =	vst.idx.msk $0xffff, v2  }
0x218: {  	v49 =	vadd.s32 s24, v20;
	[tilespmem:v47+s17+$0x0] =	vst.idx.msk $0xffff, v3;
	v2 =	vadd.s32 v35, v4;
	v3 =	vld.idx.msk [tilespmem:v48+s3+$0x0], $0xffff  }
0x219: {  	v50 =	vmul.u32 $0x3, v8;
	v8 =	vadd.s32 s22, v20;
	v0 =	vadd.s32 v21, v0;
	v6 =	vld.idx.msk [tilespmem:v9+s3+$0x0], $0xffff  }
0x21a: {  	v1 =	vadd.s32 v21, v1  }
0x21b: {  	v9 =	vadd.s32 v35, v50  }
0x21c: {  	s25 =	simm.s32 $0x258  }
0x21d: {  	v10 =	vadd.s32 s25, v12;
	v2 =	vld.idx.msk [tilespmem:v2+s3+$0x0], $0xffff;
	[tilespmem:v49+s17+$0x0] =	vst.idx.msk $0xffff, v3  }
0x21e: {  	v51 =	vadd.s32 s24, v22;
	[tilespmem:v8+s17+$0x0] =	vst.idx.msk $0xffff, v6;
	v3 =	vadd.s32 v13, v4;
	v0 =	vld.idx.msk [tilespmem:v0+s3+$0x0], $0xffff  }
0x21f: {  	s26 =	simm.s32 $0x384;
	v52 =	vadd.s32 s22, v22;
	v1 =	vld.idx.msk [tilespmem:v1+s3+$0x0], $0xffff  }
0x220: {  	v8 =	vld.idx.msk [tilespmem:v9+s3+$0x0], $0xffff;
	v9 =	vadd.s32 s26, v12  }
0x221: {  	v11 =	vadd.s32 v13, v50  }
0x222: {  	[tilespmem:v10+s17+$0x0] =	vst.idx.msk $0xffff, v2  }
0x223: {  	v2 =	vld.idx.msk [tilespmem:v3+s3+$0x0], $0xffff;
	[tilespmem:v51+s17+$0x0] =	vst.idx.msk $0xffff, v0;
	v0 =	vadd.s32 s25, v14  }
0x224: {  	v3 =	vadd.s32 v15, v4;
	[tilespmem:v52+s17+$0x0] =	vst.idx.msk $0xffff, v1;
	v1 =	vld [tilespmem:s12+$0x20]  }
0x225: {  	[tilespmem:v9+s17+$0x0] =	vst.idx.msk $0xffff, v8;
	v53 =	vld [tilespmem:s12+$0xFFFFFFA0]  }
0x226: {  	v55 =	vadd.s32 s26, v14;
	v54 =	vld.idx.msk [tilespmem:v11+s3+$0x0], $0xffff  }
0x227: {  	v7 =	vadd.s32 v15, v50  }
0x228: {  	[tilespmem:v0+s17+$0x0] =	vst.idx.msk $0xffff, v2  }
0x229: {  	v2 =	vadd.s32 s25, v16;
	v0 =	vld.idx.msk [tilespmem:v3+s3+$0x0], $0xffff;
	v1 =	vmul.u32 $0x3, v1  }
0x22a: {  	v3 =	vmul.u32 $0x3, v53  }
0x22b: {  	[tilespmem:v55+s17+$0x0] =	vst.idx.msk $0xffff, v54;
	v56 =	vadd.s32 v23, v1  }
0x22c: {  	v58 =	vadd.s32 s26, v16;
	v6 =	vld.idx.msk [tilespmem:v7+s3+$0x0], $0xffff;
	v57 =	vadd.s32 v23, v3;
	_ =	sdelay $0x1  }
0x22d: {  	[tilespmem:v2+s17+$0x0] =	vst.idx.msk $0xffff, v0  }
0x22e: {  	v0 =	vld [tilespmem:s31+$0xFFFFFF90]  }
0x22f: {  	v59 =	vadd.s32 s24, v24;
	v2 =	vld.idx.msk [tilespmem:v56+s3+$0x0], $0xffff  }
0x230: {  	v8 =	vadd.s32 s22, v24;
	v60 =	vadd.s32 v25, v1;
	[tilespmem:v58+s17+$0x0] =	vst.idx.msk $0xffff, v6;
	v5 =	vld.idx.msk [tilespmem:v57+s3+$0x0], $0xffff  }
0x231: {  	v62 =	vadd.s32 v25, v3;
	v9 =	vld [tilespmem:s31+$0x10];
	_ =	sdelay $0x1  }
0x232: {  	v0 =	vmul.u32 $0x3, v0  }
0x233: {  	[tilespmem:v59+s17+$0x0] =	vst.idx.msk $0xffff, v2  }
0x234: {  	v63 =	vadd.s32 s24, v26;
	[tilespmem:v8+s17+$0x0] =	vst.idx.msk $0xffff, v5;
	v2 =	vadd.s32 v17, v0;
	v4 =	vld.idx.msk [tilespmem:v60+s3+$0x0], $0xffff  }
0x235: {  	v37 =	vadd.s32 s22, v26;
	v1 =	vadd.s32 v27, v1;
	v8 =	vmul.u32 $0x3, v9;
	v36 =	vld.idx.msk [tilespmem:v62+s3+$0x0], $0xffff  }
0x236: {  	v3 =	vadd.s32 v27, v3  }
0x237: {  	s30 =	simm.s32 $0x1A400;
	v9 =	vadd.s32 v17, v8  }
0x238: {  	v10 =	vld [tilespmem:s30+$0xFFFFFF80]  }
0x239: {  	v11 =	vadd.s32 s25, v18;
	v2 =	vld.idx.msk [tilespmem:v2+s3+$0x0], $0xffff;
	[tilespmem:v63+s17+$0x0] =	vst.idx.msk $0xffff, v4  }
0x23a: {  	v45 =	vadd.s32 s24, v28;
	v38 =	vadd.s32 v19, v0;
	[tilespmem:v37+s17+$0x0] =	vst.idx.msk $0xffff, v36;
	v1 =	vld.idx.msk [tilespmem:v1+s3+$0x0], $0xffff  }
0x23b: {  	v46 =	vadd.s32 s22, v28;
	v3 =	vld.idx.msk [tilespmem:v3+s3+$0x0], $0xffff  }
0x23c: {  	v47 =	vld.idx.msk [tilespmem:v9+s3+$0x0], $0xffff;
	v9 =	vadd.s32 s26, v18  }
0x23d: {  	v48 =	vld [tilespmem:s30+$0x0];
	v10 =	vmul.u32 $0x3, v10;
	v49 =	vadd.s32 v19, v8  }
0x23e: {  	[tilespmem:v11+s17+$0x0] =	vst.idx.msk $0xffff, v2  }
0x23f: {  	v50 =	vadd.s32 s25, v20;
	v11 =	vadd.s32 v35, v10;
	v2 =	vld.idx.msk [tilespmem:v38+s3+$0x0], $0xffff;
	[tilespmem:v45+s17+$0x0] =	vst.idx.msk $0xffff, v1  }
0x240: {  	v0 =	vadd.s32 v21, v0;
	[tilespmem:v46+s17+$0x0] =	vst.idx.msk $0xffff, v3;
	v1 =	vld [tilespmem:s12+$0x30]  }
0x241: {  	[tilespmem:v9+s17+$0x0] =	vst.idx.msk $0xffff, v47;
	v3 =	vld [tilespmem:s12+$0xFFFFFFB0]  }
0x242: {  	v51 =	vmul.u32 $0x3, v48;
	v53 =	vadd.s32 s26, v20;
	v52 =	vld.idx.msk [tilespmem:v49+s3+$0x0], $0xffff  }
0x243: {  	s28 =	simm.s32 $0x4B0;
	v8 =	vadd.s32 v21, v8  }
0x244: {  	v54 =	vadd.s32 s28, v12;
	v9 =	vadd.s32 v35, v51;
	[tilespmem:v50+s17+$0x0] =	vst.idx.msk $0xffff, v2;
	v2 =	vld.idx.msk [tilespmem:v11+s3+$0x0], $0xffff  }
0x245: {  	v55 =	vadd.s32 v13, v10;
	v11 =	vadd.s32 s25, v22;
	v0 =	vld.idx.msk [tilespmem:v0+s3+$0x0], $0xffff;
	v1 =	vmul.u32 $0x3, v1  }
0x246: {  	v3 =	vmul.u32 $0x3, v3  }
0x247: {  	[tilespmem:v53+s17+$0x0] =	vst.idx.msk $0xffff, v52;
	v56 =	vadd.s32 v29, v1  }
0x248: {  	s29 =	simm.s32 $0x5DC;
	v58 =	vadd.s32 s26, v22;
	v8 =	vld.idx.msk [tilespmem:v8+s3+$0x0], $0xffff;
	v57 =	vadd.s32 v29, v3  }
0x249: {  	v9 =	vld.idx.msk [tilespmem:v9+s3+$0x0], $0xffff;
	[tilespmem:v54+s17+$0x0] =	vst.idx.msk $0xffff, v2;
	v2 =	vadd.s32 s29, v12  }
0x24a: {  	[tilespmem:v11+s17+$0x0] =	vst.idx.msk $0xffff, v0;
	v0 =	vadd.s32 v13, v51;
	v4 =	vld.idx.msk [tilespmem:v55+s3+$0x0], $0xffff;
	v11 =	vadd.s32 s28, v14  }
0x24b: {  	v10 =	vadd.s32 v15, v10;
	v59 =	vld [tilespmem:s31+$0xFFFFFFA0]  }
0x24c: {  	v60 =	vadd.s32 s24, v30;
	v6 =	vld.idx.msk [tilespmem:v56+s3+$0x0], $0xffff  }
0x24d: {  	v62 =	vadd.s32 s22, v30;
	[tilespmem:v58+s17+$0x0] =	vst.idx.msk $0xffff, v8;
	v8 =	vadd.s32 v31, v1;
	v7 =	vld.idx.msk [tilespmem:v57+s3+$0x0], $0xffff  }
0x24e: {  	v63 =	vadd.s32 v31, v3;
	[tilespmem:v2+s17+$0x0] =	vst.idx.msk $0xffff, v9;
	v2 =	vld [tilespmem:s31+$0x20]  }
0x24f: {  	v9 =	vadd.s32 s29, v14;
	v0 =	vld.idx.msk [tilespmem:v0+s3+$0x0], $0xffff;
	[tilespmem:v11+s17+$0x0] =	vst.idx.msk $0xffff, v4  }
0x250: {  	v5 =	vadd.s32 v15, v51;
	v11 =	vadd.s32 s28, v16;
	v36 =	vmul.u32 $0x3, v59;
	v10 =	vld.idx.msk [tilespmem:v10+s3+$0x0], $0xffff  }
0x251: {  	[tilespmem:v60+s17+$0x0] =	vst.idx.msk $0xffff, v6  }
0x252: {  	[tilespmem:v62+s17+$0x0] =	vst.idx.msk $0xffff, v7;
	v37 =	vadd.s32 v23, v36;
	v38 =	vld.idx.msk [tilespmem:v8+s3+$0x0], $0xffff;
	v8 =	vadd.s32 s24, v32  }
0x253: {  	v46 =	vadd.s32 s22, v32;
	v1 =	vadd.s32 v33, v1;
	v45 =	vld.idx.msk [tilespmem:v63+s3+$0x0], $0xffff;
	v2 =	vmul.u32 $0x3, v2  }
0x254: {  	v3 =	vadd.s32 v33, v3;
	[tilespmem:v9+s17+$0x0] =	vst.idx.msk $0xffff, v0  }
0x255: {  	v9 =	vadd.s32 s29, v16;
	v0 =	vld.idx.msk [tilespmem:v5+s3+$0x0], $0xffff;
	v47 =	vadd.s32 v23, v2;
	[tilespmem:v11+s17+$0x0] =	vst.idx.msk $0xffff, v10  }
0x256: {  	v10 =	vld [tilespmem:s30+$0xFFFFFF90]  }
0x257: {  	v6 =	vld.idx.msk [tilespmem:v37+s3+$0x0], $0xffff;
	[tilespmem:v8+s17+$0x0] =	vst.idx.msk $0xffff, v38  }
0x258: {  	[tilespmem:v46+s17+$0x0] =	vst.idx.msk $0xffff, v45;
	v8 =	vadd.s32 s24, v34;
	v1 =	vld.idx.msk [tilespmem:v1+s3+$0x0], $0xffff  }
0x259: {  	v49 =	vadd.s32 s22, v34;
	v3 =	vld.idx.msk [tilespmem:v3+s3+$0x0], $0xffff  }
0x25a: {  	v11 =	vadd.s32 s25, v24;
	[tilespmem:v9+s17+$0x0] =	vst.idx.msk $0xffff, v0;
	v0 =	vld.idx.msk [tilespmem:v47+s3+$0x0], $0xffff  }
0x25b: {  	v50 =	vadd.s32 s26, v24;
	v48 =	vadd.s32 v25, v36;
	v9 =	vmul.u32 $0x3, v10;
	v10 =	vld [tilespmem:s30+$0x10];
	_ =	sdelay $0x1  }
0x25c: {  	v51 =	vadd.s32 v25, v2;
	[tilespmem:v8+s17+$0x0] =	vst.idx.msk $0xffff, v1  }
0x25d: {  	v1 =	vadd.s32 v17, v9;
	[tilespmem:v49+s17+$0x0] =	vst.idx.msk $0xffff, v3;
	v3 =	vld [tilespmem:s12+$0x40]  }
0x25e: {  	[tilespmem:v11+s17+$0x0] =	vst.idx.msk $0xffff, v6;
	v8 =	vld [tilespmem:s12+$0xFFFFFFC0]  }
0x25f: {  	v52 =	vadd.s32 s25, v26;
	v6 =	vld.idx.msk [tilespmem:v48+s3+$0x0], $0xffff;
	[tilespmem:v50+s17+$0x0] =	vst.idx.msk $0xffff, v0;
	v0 =	vmul.u32 $0x3, v10  }
0x260: {  	v4 =	vadd.s32 v27, v36  }
0x261: {  	v5 =	vld.idx.msk [tilespmem:v51+s3+$0x0], $0xffff;
	v10 =	vadd.s32 s26, v26;
	v53 =	vadd.s32 v17, v0  }
0x262: {  	s0 =	simm.s32 $0x1A500;
	v54 =	vadd.s32 s28, v18;
	v2 =	vadd.s32 v27, v2;
	v1 =	vld.idx.msk [tilespmem:v1+s3+$0x0], $0xffff;
	v3 =	vmul.u32 $0x3, v3  }
0x263: {  	v43 =	vld [tilespmem:s0+$0x0];
	v55 =	vadd.s32 v19, v9;
	v8 =	vmul.u32 $0x3, v8  }
0x264: {  	v56 =	vld [tilespmem:s0+$0xFFFFFF80];
	[tilespmem:v52+s17+$0x0] =	vst.idx.msk $0xffff, v6;
	v57 =	vadd.s32 v40, v3  }
0x265: {  	v11 =	vadd.s32 s25, v28;
	v4 =	vld.idx.msk [tilespmem:v4+s3+$0x0], $0xffff;
	v58 =	vadd.s32 v40, v8  }
0x266: {  	v59 =	vadd.s32 s29, v18;
	[tilespmem:v10+s17+$0x0] =	vst.idx.msk $0xffff, v5;
	v6 =	vld.idx.msk [tilespmem:v53+s3+$0x0], $0xffff  }
0x267: {  	v10 =	vadd.s32 s26, v28;
	v2 =	vld.idx.msk [tilespmem:v2+s3+$0x0], $0xffff;
	[tilespmem:v54+s17+$0x0] =	vst.idx.msk $0xffff, v1;
	v1 =	vadd.s32 v19, v0  }
0x268: {  	v62 =	vadd.s32 s28, v20;
	v60 =	vld.idx.msk [tilespmem:v55+s3+$0x0], $0xffff  }
0x269: {  	v63 =	vadd.s32 s24, v39;
	v45 =	vld.idx.msk [tilespmem:v57+s3+$0x0], $0xffff  }
0x26a: {  	v52 =	vadd.s32 s22, v39;
	[tilespmem:v11+s17+$0x0] =	vst.idx.msk $0xffff, v4;
	v5 =	vld.idx.msk [tilespmem:v58+s3+$0x0], $0xffff  }
0x26b: {  	v36 =	vld [tilespmem:$0x1FFF0];
	[tilespmem:v59+s17+$0x0] =	vst.idx.msk $0xffff, v6  }
0x26c: {  	v55 =	vadd.s32 s29, v20;
	[tilespmem:v10+s17+$0x0] =	vst.idx.msk $0xffff, v2;
	v1 =	vld.idx.msk [tilespmem:v1+s3+$0x0], $0xffff  }
0x26d: {  	[tilespmem:v62+s17+$0x0] =	vst.idx.msk $0xffff, v60  }
0x26e: {  	v9 =	vadd.s32 v21, v9;
	[tilespmem:v63+s17+$0x0] =	vst.idx.msk $0xffff, v45  }
0x26f: {  	v2 =	vld [tilespmem:s31+$0x30];
	[tilespmem:v52+s17+$0x0] =	vst.idx.msk $0xffff, v5  }
0x270: {  	v44 =	vmul.u32 $0x3, v56;
	v7 =	vmul.u32 $0x3, v43;
	v54 =	vadd.s32 v36, v8;
	v37 =	vld [tilespmem:$0x1FFE0]  }
0x271: {  	v0 =	vadd.s32 v21, v0;
	v11 =	vld [tilespmem:s31+$0xFFFFFFB0];
	[tilespmem:v55+s17+$0x0] =	vst.idx.msk $0xffff, v1  }
0x272: {  	v57 =	vadd.s32 v35, v7;
	v10 =	vadd.s32 v35, v44;
	v35 =	vld [tilespmem:$0x1FFB0]  }
0x273: {  	v56 =	vadd.s32 s28, v22;
	v9 =	vld.idx.msk [tilespmem:v9+s3+$0x0], $0xffff;
	_ =	sdelay $0x1  }
0x274: {  	s7 =	simm.s32 $0x708;
	v53 =	vadd.s32 v36, v3;
	v2 =	vmul.u32 $0x3, v2;
	v6 =	vld.idx.msk [tilespmem:v54+s3+$0x0], $0xffff;
	v59 =	vadd.s32 s22, v37  }
0x275: {  	v60 =	vadd.s32 s7, v12;
	v62 =	vadd.s32 s29, v22;
	v0 =	vld.idx.msk [tilespmem:v0+s3+$0x0], $0xffff  }
0x276: {  	v11 =	vmul.u32 $0x3, v11;
	v10 =	vld.idx.msk [tilespmem:v10+s3+$0x0], $0xffff;
	v1 =	vadd.s32 v35, v8;
	v8 =	vadd.s32 v29, v2  }
0x277: {  	v42 =	vld.idx.msk [tilespmem:v57+s3+$0x0], $0xffff;
	[tilespmem:v56+s17+$0x0] =	vst.idx.msk $0xffff, v9;
	v9 =	vadd.s32 v13, v44  }
0x278: {  	s1 =	simm.s32 $0x834;
	v58 =	vadd.s32 v29, v11;
	v43 =	vld [tilespmem:s30+$0xFFFFFFA0]  }
0x279: {  	v63 =	vadd.s32 s1, v12;
	v45 =	vld.idx.msk [tilespmem:v53+s3+$0x0], $0xffff;
	[tilespmem:v59+s17+$0x0] =	vst.idx.msk $0xffff, v6  }
0x27a: {  	v53 =	vadd.s32 v13, v7;
	v41 =	vld [tilespmem:$0x1FF90];
	[tilespmem:v62+s17+$0x0] =	vst.idx.msk $0xffff, v0;
	v62 =	vadd.s32 s24, v37  }
0x27b: {  	[tilespmem:v60+s17+$0x0] =	vst.idx.msk $0xffff, v10;
	v56 =	vld.idx.msk [tilespmem:v8+s3+$0x0], $0xffff;
	v8 =	vadd.s32 s26, v30  }
0x27c: {  	v57 =	vadd.s32 v31, v2;
	v0 =	vadd.s32 s7, v14;
	v9 =	vld.idx.msk [tilespmem:v9+s3+$0x0], $0xffff  }
0x27d: {  	v5 =	vld.idx.msk [tilespmem:v58+s3+$0x0], $0xffff;
	v3 =	vadd.s32 v35, v3;
	v10 =	vmul.u32 $0x3, v43  }
0x27e: {  	v52 =	vadd.s32 s25, v30;
	v44 =	vadd.s32 v15, v44;
	[tilespmem:v63+s17+$0x0] =	vst.idx.msk $0xffff, v42;
	v58 =	vld [tilespmem:s30+$0x20]  }
0x27f: {  	v63 =	vadd.s32 s1, v14;
	v59 =	vld.idx.msk [tilespmem:v53+s3+$0x0], $0xffff;
	v60 =	vadd.s32 v23, v10;
	[tilespmem:v62+s17+$0x0] =	vst.idx.msk $0xffff, v45  }
0x280: {  	v54 =	vadd.s32 v31, v11;
	v1 =	vld.idx.msk [tilespmem:v1+s3+$0x0], $0xffff;
	v55 =	vadd.s32 s22, v41;
	[tilespmem:v8+s17+$0x0] =	vst.idx.msk $0xffff, v56  }
0x281: {  	[tilespmem:v0+s17+$0x0] =	vst.idx.msk $0xffff, v9;
	v0 =	vadd.s32 v15, v7;
	v9 =	vadd.s32 s26, v32;
	v49 =	vld.idx.msk [tilespmem:v57+s3+$0x0], $0xffff  }
0x282: {  	v2 =	vadd.s32 v33, v2;
	v53 =	vadd.s32 s24, v41;
	v3 =	vld.idx.msk [tilespmem:v3+s3+$0x0], $0xffff  }
0x283: {  	v50 =	vadd.s32 s7, v16;
	[tilespmem:v52+s17+$0x0] =	vst.idx.msk $0xffff, v5;
	v8 =	vadd.s32 v33, v11;
	v11 =	vld.idx.msk [tilespmem:v44+s3+$0x0], $0xffff  }
0x284: {  	v52 =	vadd.s32 s28, v24;
	[tilespmem:v63+s17+$0x0] =	vst.idx.msk $0xffff, v59;
	v51 =	vld.idx.msk [tilespmem:v60+s3+$0x0], $0xffff  }
0x285: {  	v6 =	vld.idx.msk [tilespmem:v54+s3+$0x0], $0xffff;
	[tilespmem:v55+s17+$0x0] =	vst.idx.msk $0xffff, v1;
	v1 =	vadd.s32 s25, v32  }
0x286: {  	v55 =	vadd.s32 s1, v16;
	v0 =	vld.idx.msk [tilespmem:v0+s3+$0x0], $0xffff;
	[tilespmem:v9+s17+$0x0] =	vst.idx.msk $0xffff, v49  }
0x287: {  	[tilespmem:v53+s17+$0x0] =	vst.idx.msk $0xffff, v3;
	v9 =	vadd.s32 s26, v34;
	v2 =	vld.idx.msk [tilespmem:v2+s3+$0x0], $0xffff  }
0x288: {  	[tilespmem:v50+s17+$0x0] =	vst.idx.msk $0xffff, v11  }
0x289: {  	v37 =	vmov v35;
	v42 =	vmul.u32 $0x3, v58;
	v35 =	vld [tilespmem:s12+$0xFFFFFFD0];
	[tilespmem:v52+s17+$0x0] =	vst.idx.msk $0xffff, v51  }
0x28a: {  	v56 =	vld [tilespmem:s0+$0xFFFFFF90];
	[tilespmem:v1+s17+$0x0] =	vst.idx.msk $0xffff, v6;
	v1 =	vadd.s32 v25, v10  }
0x28b: {  	v54 =	vld.idx.msk [tilespmem:v8+s3+$0x0], $0xffff;
	v8 =	vadd.s32 v23, v42;
	[tilespmem:v55+s17+$0x0] =	vst.idx.msk $0xffff, v0  }
0x28c: {  	v6 =	vld [tilespmem:s12+$0x50];
	[tilespmem:v9+s17+$0x0] =	vst.idx.msk $0xffff, v2  }
0x28d: {  	v38 =	vmov v40;
	v40 =	vld [tilespmem:$0x1FFD0]  }
0x28e: {  	v3 =	vadd.s32 s25, v34;
	v11 =	vld [tilespmem:s0+$0x10]  }
0x28f: {  	v57 =	vadd.s32 s28, v26;
	v1 =	vld.idx.msk [tilespmem:v1+s3+$0x0], $0xffff  }
0x290: {  	v10 =	vadd.s32 v27, v10;
	v46 =	vmul.u32 $0x3, v35;
	v0 =	vld.idx.msk [tilespmem:v8+s3+$0x0], $0xffff;
	v8 =	vadd.s32 s29, v24  }
0x291: {  	v58 =	vadd.s32 v25, v42;
	v9 =	vld [tilespmem:s31+$0x40]  }
0x292: {  	s5 =	simm.s32 $0x1A600;
	v2 =	vmul.u32 $0x3, v56;
	v59 =	vadd.s32 v40, v46  }
0x293: {  	v50 =	vld [tilespmem:s5+$0xFFFFFF80];
	v48 =	vmul.u32 $0x3, v6;
	[tilespmem:v3+s17+$0x0] =	vst.idx.msk $0xffff, v54  }
0x294: {  	v60 =	vadd.s32 v17, v2;
	v3 =	vld [tilespmem:s31+$0xFFFFFFC0];
	v49 =	vmul.u32 $0x3, v11;
	[tilespmem:v57+s17+$0x0] =	vst.idx.msk $0xffff, v1  }
0x295: {  	v62 =	vadd.s32 v40, v48;
	[tilespmem:v8+s17+$0x0] =	vst.idx.msk $0xffff, v0;
	v63 =	vld.idx.msk [tilespmem:v10+s3+$0x0], $0xffff;
	v10 =	vadd.s32 s28, v28  }
0x296: {  	v1 =	vadd.s32 s29, v26;
	v45 =	vmul.u32 $0x3, v9;
	v9 =	vadd.s32 v17, v49;
	v0 =	vld.idx.msk [tilespmem:v58+s3+$0x0], $0xffff  }
0x297: {  	v11 =	vadd.s32 s22, v61;
	v8 =	vadd.s32 v27, v42;
	v7 =	vld.idx.msk [tilespmem:v59+s3+$0x0], $0xffff  }
0x298: {  	v35 =	vld [tilespmem:s5+$0x0]  }
0x299: {  	v47 =	vmul.u32 $0x3, v3;
	v3 =	vld.idx.msk [tilespmem:v60+s3+$0x0], $0xffff  }
0x29a: {  	v5 =	vadd.s32 s7, v18;
	v52 =	vadd.s32 v38, v45;
	v51 =	vld.idx.msk [tilespmem:v62+s3+$0x0], $0xffff;
	[tilespmem:v10+s17+$0x0] =	vst.idx.msk $0xffff, v63  }
0x29b: {  	v4 =	vadd.s32 s24, v61;
	v57 =	vadd.s32 v19, v2;
	v62 =	vld.idx.msk [tilespmem:v9+s3+$0x0], $0xffff;
	[tilespmem:v1+s17+$0x0] =	vst.idx.msk $0xffff, v0  }
0x29c: {  	v55 =	vld.idx.msk [tilespmem:v8+s3+$0x0], $0xffff;
	[tilespmem:v11+s17+$0x0] =	vst.idx.msk $0xffff, v7  }
0x29d: {  	v8 =	vadd.s32 v38, v47;
	v6 =	vld [tilespmem:$0x1FF70]  }
0x29e: {  	v43 =	vadd.s32 s28, v39;
	v44 =	vadd.s32 s25, v39;
	v56 =	vld [tilespmem:s30+$0xFFFFFFB0]  }
0x29f: {  	v50 =	vmul.u32 $0x3, v50;
	v54 =	vadd.s32 s26, v39;
	v61 =	vadd.s32 v21, v2;
	v53 =	vld.idx.msk [tilespmem:v52+s3+$0x0], $0xffff;
	[tilespmem:v5+s17+$0x0] =	vst.idx.msk $0xffff, v3  }
0x2a0: {  	v2 =	vadd.s32 s7, v20;
	v42 =	vadd.s32 s7, v39;
	v59 =	vadd.s32 s29, v28;
	[tilespmem:v4+s17+$0x0] =	vst.idx.msk $0xffff, v51;
	v63 =	vld.idx.msk [tilespmem:v57+s3+$0x0], $0xffff  }
0x2a1: {  	v0 =	vadd.s32 s1, v18;
	v1 =	vadd.s32 v19, v49;
	v52 =	vmul.u32 $0x3, v35;
	v35 =	vmovc v38;
	v11 =	vmovc v36;
	v38 =	vld [tilespmem:$0x1FFE0]  }
0x2a2: {  	s10 =	simm.s32 $0x708;
	s8 =	simm.s32 $0x8;
	v51 =	vadd.s32 v36, v45;
	v57 =	vld.idx.msk [tilespmem:v8+s3+$0x0], $0xffff;
	v60 =	vadd.s32 v6, v48;
	v58 =	vadd.s32 v6, v46  }
.LBB2_5:
0x2a3: {  	_ =	sdelay $0x1  }
0x2a4: {  	v6 =	vld [tilespmem:$0x1FF80]  }
0x2a5: {  	[tilespmem:v59+s17+$0x0] =	vst.idx.msk $0xffff, v55;
	v59 =	vld [tilespmem:$0x1FF50]  }
0x2a6: {  	v4 =	vld.idx.msk [tilespmem:v60+s3+$0x0], $0xffff  }
0x2a7: {  	v60 =	vld [tilespmem:$0x1FF20]  }
0x2a8: {  	v10 =	vld.idx.msk [tilespmem:v58+s3+$0x0], $0xffff;
	[tilespmem:v0+s17+$0x0] =	vst.idx.msk $0xffff, v62;
	v0 =	vmul.u32 $0x3, v56  }
0x2a9: {  	v8 =	vadd.s32 v11, v47;
	v7 =	vld [tilespmem:s30+$0x30]  }
0x2aa: {  	v1 =	vld.idx.msk [tilespmem:v1+s3+$0x0], $0xffff;
	[tilespmem:v2+s17+$0x0] =	vst.idx.msk $0xffff, v63;
	v2 =	vadd.s32 v29, v0  }
0x2ab: {  	v61 =	vld.idx.msk [tilespmem:v61+s3+$0x0], $0xffff;
	v3 =	vadd.s32 v6, v50;
	v5 =	vadd.s32 s24, v59  }
0x2ac: {  	[tilespmem:v54+s17+$0x0] =	vst.idx.msk $0xffff, v53;
	v9 =	vadd.s32 v60, v48;
	v48 =	vadd.s32 s22, v59;
	v46 =	vadd.s32 v60, v46;
	v60 =	vld [tilespmem:$0x1FF40]  }
0x2ad: {  	v36 =	vmov v11;
	v62 =	vadd.s32 s1, v20;
	[tilespmem:v44+s17+$0x0] =	vst.idx.msk $0xffff, v57;
	v11 =	vld.idx.msk [tilespmem:v51+s3+$0x0], $0xffff  }
0x2ae: {  	v63 =	vadd.s32 s10, v22;
	v8 =	vld.idx.msk [tilespmem:v8+s3+$0x0], $0xffff  }
0x2af: {  	v49 =	vadd.s32 v21, v49;
	v2 =	vld.idx.msk [tilespmem:v2+s3+$0x0], $0xffff  }
0x2b0: {  	[tilespmem:v5+s17+$0x0] =	vst.idx.msk $0xffff, v4;
	v4 =	vadd.s32 s25, v38;
	v3 =	vld.idx.msk [tilespmem:v3+s3+$0x0], $0xffff  }
0x2b1: {  	s7 =	sadd.s32 $0x258, s7;
	v6 =	vadd.s32 v6, v52;
	v7 =	vmul.u32 $0x3, v7;
	v5 =	vld.idx.msk [tilespmem:v9+s3+$0x0], $0xffff;
	v9 =	vadd.s32 s24, v60;
	[tilespmem:v48+s17+$0x0] =	vst.idx.msk $0xffff, v10  }
0x2b2: {  	v55 =	vadd.s32 s7, v12;
	[tilespmem:v62+s17+$0x0] =	vst.idx.msk $0xffff, v1  }
0x2b3: {  	v1 =	vadd.s32 s28, v30;
	v46 =	vld.idx.msk [tilespmem:v46+s3+$0x0], $0xffff;
	[tilespmem:v63+s17+$0x0] =	vst.idx.msk $0xffff, v61;
	v61 =	vadd.s32 v29, v7  }
0x2b4: {  	v10 =	vadd.s32 v37, v47;
	v47 =	vld.idx.msk [tilespmem:v49+s3+$0x0], $0xffff;
	v49 =	vadd.s32 s22, v60  }
0x2b5: {  	v62 =	vadd.s32 v13, v50;
	v54 =	vld [tilespmem:s0+$0xFFFFFFA0];
	[tilespmem:v4+s17+$0x0] =	vst.idx.msk $0xffff, v8  }
0x2b6: {  	s18 =	sadd.s32 $0x12C, s7;
	v63 =	vadd.s32 s1, v22;
	v60 =	vld.idx.msk [tilespmem:v6+s3+$0x0], $0xffff;
	[tilespmem:v9+s17+$0x0] =	vst.idx.msk $0xffff, v5  }
0x2b7: {  	[tilespmem:v55+s17+$0x0] =	vst.idx.msk $0xffff, v3;
	v3 =	vadd.s32 s18, v12;
	v5 =	vld [tilespmem:s12+$0x60]  }
0x2b8: {  	[tilespmem:v1+s17+$0x0] =	vst.idx.msk $0xffff, v2;
	v61 =	vld.idx.msk [tilespmem:v61+s3+$0x0], $0xffff  }
0x2b9: {  	v53 =	vadd.s32 v13, v52;
	v1 =	vld.idx.msk [tilespmem:v10+s3+$0x0], $0xffff;
	[tilespmem:v49+s17+$0x0] =	vst.idx.msk $0xffff, v46  }
0x2ba: {  	v9 =	vld.idx.msk [tilespmem:v62+s3+$0x0], $0xffff;
	v62 =	vadd.s32 s29, v30  }
0x2bb: {  	v8 =	vadd.s32 s25, v41;
	v2 =	vadd.s32 v31, v0;
	[tilespmem:v63+s17+$0x0] =	vst.idx.msk $0xffff, v47;
	v10 =	vmul.u32 $0x3, v54;
	v54 =	vld [tilespmem:$0x1FEE0]  }
0x2bc: {  	v63 =	vld [tilespmem:s12+$0xFFFFFFE0];
	s12 =	smov.u32 s31;
	s31 =	smov.u32 s30;
	s30 =	smov.u32 s0;
	[tilespmem:v3+s17+$0x0] =	vst.idx.msk $0xffff, v60  }
0x2bd: {  	v3 =	vld [tilespmem:s30+$0x20]  }
0x2be: {  	v4 =	vadd.s32 v31, v7;
	v47 =	vadd.s32 s7, v14;
	v57 =	vld.idx.msk [tilespmem:v53+s3+$0x0], $0xffff  }
0x2bf: {  	v60 =	vadd.s32 s18, v14;
	[tilespmem:v62+s17+$0x0] =	vst.idx.msk $0xffff, v61;
	v62 =	vld [tilespmem:$0x1FF00]  }
0x2c0: {  	v2 =	vld.idx.msk [tilespmem:v2+s3+$0x0], $0xffff;
	[tilespmem:v8+s17+$0x0] =	vst.idx.msk $0xffff, v1  }
0x2c1: {  	v59 =	vadd.s32 v15, v50;
	s0 =	smov.u32 s5;
	s5 =	sadd.s32 $0x100, s5;
	v61 =	vld [tilespmem:s12+$0xFFFFFFD0]  }
0x2c2: {  	v58 =	vadd.s32 v23, v10;
	v5 =	vmul.u32 $0x3, v5;
	v1 =	vadd.s32 s28, v32;
	v51 =	vld [tilespmem:s5+$0x0]  }
0x2c3: {  	v0 =	vadd.s32 v33, v0;
	[tilespmem:v47+s17+$0x0] =	vst.idx.msk $0xffff, v9;
	v47 =	vmul.u32 $0x3, v63;
	v4 =	vld.idx.msk [tilespmem:v4+s3+$0x0], $0xffff  }
0x2c4: {  	[tilespmem:v60+s17+$0x0] =	vst.idx.msk $0xffff, v57;
	v57 =	vld [tilespmem:$0x1FF30];
	v8 =	vadd.s32 v62, v5  }
0x2c5: {  	v9 =	vadd.s32 s26, v38;
	v49 =	vadd.s32 v62, v47;
	v62 =	vld [tilespmem:$0x1FF10]  }
0x2c6: {  	v55 =	vadd.s32 s7, v16;
	v63 =	vadd.s32 v15, v52;
	v50 =	vld.idx.msk [tilespmem:v59+s3+$0x0], $0xffff  }
0x2c7: {  	v53 =	vadd.s32 s29, v32;
	v52 =	vld.idx.msk [tilespmem:v58+s3+$0x0], $0xffff;
	[tilespmem:v1+s17+$0x0] =	vst.idx.msk $0xffff, v2  }
0x2c8: {  	v45 =	vadd.s32 v37, v45;
	v0 =	vld.idx.msk [tilespmem:v0+s3+$0x0], $0xffff  }
0x2c9: {  	v1 =	vadd.s32 v33, v7;
	v60 =	vadd.s32 s24, v57;
	v2 =	vld.idx.msk [tilespmem:v8+s3+$0x0], $0xf  }
0x2ca: {  	[tilespmem:v9+s17+$0x0] =	vst.idx.msk $0xffff, v11;
	v8 =	vadd.s32 s10, v24;
	v11 =	vadd.s32 v62, v5;
	v49 =	vld.idx.msk [tilespmem:v49+s3+$0x0], $0xf  }
0x2cb: {  	v58 =	vadd.s32 v25, v10;
	v3 =	vmul.u32 $0x3, v3;
	v46 =	vmul.u32 $0x3, v61;
	[tilespmem:v55+s17+$0x0] =	vst.idx.msk $0xffff, v50;
	v61 =	vld.idx.msk [tilespmem:v63+s3+$0x0], $0xffff  }
0x2cc: {  	v63 =	vadd.s32 s18, v16;
	[tilespmem:v53+s17+$0x0] =	vst.idx.msk $0xffff, v4;
	v53 =	vld [tilespmem:s0+$0xFFFFFF90]  }
0x2cd: {  	v59 =	vadd.s32 s26, v41;
	v9 =	vadd.s32 v23, v3;
	v4 =	vld.idx.msk [tilespmem:v45+s3+$0x0], $0xffff  }
0x2ce: {  	v50 =	vadd.s32 s22, v57;
	v1 =	vld.idx.msk [tilespmem:v1+s3+$0x0], $0xffff;
	[tilespmem:v60+s17+$0x0] =	vst.idx.msk $0xf, v2  }
0x2cf: {  	v55 =	vadd.s32 s28, v34;
	[tilespmem:v8+s17+$0x0] =	vst.idx.msk $0xffff, v52;
	v6 =	vld.idx.msk [tilespmem:v11+s3+$0x0], $0xf  }
0x2d0: {  	v2 =	vadd.s32 s29, v34;
	v7 =	vld.idx.msk [tilespmem:v58+s3+$0x0], $0xffff  }
0x2d1: {  	[tilespmem:v63+s17+$0x0] =	vst.idx.msk $0xffff, v61;
	v61 =	vld [tilespmem:$0x1FED0]  }
0x2d2: {  	v60 =	vadd.s32 s10, v26;
	v9 =	vld.idx.msk [tilespmem:v9+s3+$0x0], $0xffff;
	[tilespmem:v59+s17+$0x0] =	vst.idx.msk $0xffff, v4  }
0x2d3: {  	v8 =	vadd.s32 v62, v47;
	v11 =	vadd.s32 s24, v54;
	[tilespmem:v50+s17+$0x0] =	vst.idx.msk $0xf, v49;
	v45 =	vld [tilespmem:s12+$0x50]  }
0x2d4: {  	v63 =	vadd.s32 v27, v10;
	[tilespmem:v55+s17+$0x0] =	vst.idx.msk $0xffff, v0;
	v57 =	vld [tilespmem:s0+$0x10]  }
0x2d5: {  	v10 =	vadd.s32 s1, v24;
	v0 =	vld [tilespmem:s31+$0xFFFFFFC0];
	[tilespmem:v2+s17+$0x0] =	vst.idx.msk $0xffff, v1  }
0x2d6: {  	v58 =	vadd.s32 v25, v3;
	v59 =	vld [tilespmem:s31+$0x40]  }
0x2d7: {  	v52 =	vmul.u32 $0x3, v53;
	v62 =	vadd.s32 v61, v5;
	[tilespmem:v60+s17+$0x0] =	vst.idx.msk $0xffff, v7;
	v60 =	vadd.s32 v61, v47;
	v61 =	vld [tilespmem:$0x1FF60]  }
0x2d8: {  	v1 =	vadd.s32 v40, v46;
	[tilespmem:v11+s17+$0x0] =	vst.idx.msk $0xf, v6;
	v6 =	vld.idx.msk [tilespmem:v8+s3+$0x0], $0xf  }
0x2d9: {  	v54 =	vadd.s32 s22, v54;
	v2 =	vadd.s32 v17, v52;
	v5 =	vld.idx.msk [tilespmem:v63+s3+$0x0], $0xffff  }
0x2da: {  	[tilespmem:v10+s17+$0x0] =	vst.idx.msk $0xffff, v9;
	v8 =	vadd.s32 s10, v28;
	v63 =	vld [tilespmem:$0x1FEF0]  }
0x2db: {  	v10 =	vadd.s32 s1, v26;
	v9 =	vld.idx.msk [tilespmem:v58+s3+$0x0], $0xffff  }
0x2dc: {  	v50 =	vld [tilespmem:s5+$0xFFFFFF80];
	v48 =	vmul.u32 $0x3, v45  }
0x2dd: {  	v3 =	vadd.s32 v27, v3;
	v49 =	vmul.u32 $0x3, v57;
	v47 =	vmul.u32 $0x3, v0;
	v0 =	vld.idx.msk [tilespmem:v1+s3+$0x0], $0xffff  }
0x2de: {  	v1 =	vadd.s32 v40, v48;
	v2 =	vld.idx.msk [tilespmem:v2+s3+$0x0], $0xffff;
	[tilespmem:v54+s17+$0x0] =	vst.idx.msk $0xf, v6  }
0x2df: {  	v45 =	vmul.u32 $0x3, v59;
	v11 =	vadd.s32 s25, v61;
	v4 =	vld.idx.msk [tilespmem:v62+s3+$0x0], $0xf;
	v62 =	vadd.s32 v17, v49;
	[tilespmem:v8+s17+$0x0] =	vst.idx.msk $0xffff, v5  }
0x2e0: {  	v56 =	vadd.s32 s24, v63;
	[tilespmem:v10+s17+$0x0] =	vst.idx.msk $0xffff, v9;
	v10 =	vld [tilespmem:$0x1FF70]  }
0x2e1: {  	v54 =	vadd.s32 s7, v18;
	v5 =	vadd.s32 v35, v45;
	v7 =	vld.idx.msk [tilespmem:v60+s3+$0x0], $0xf  }
0x2e2: {  	s8 =	sadd.s32 $0x2, s8;
	v57 =	vadd.s32 v19, v52;
	s24 =	smov.u32 s26;
	v6 =	vadd.s32 s22, v63;
	v55 =	vld.idx.msk [tilespmem:v3+s3+$0x0], $0xffff  }
0x2e3: {  	p0 =	slt.u32 s8, $0x1E;
	v9 =	vadd.s32 s24, v61;
	v3 =	vadd.s32 v35, v47;
	v8 =	vld.idx.msk [tilespmem:v1+s3+$0x0], $0xffff  }
.Ltmp1:
0x2e4: {  	v44 =	vmov v43;
	v43 =	vmov v42;
	v42 =	vadd.s32 s7, v39;
	[tilespmem:v11+s17+$0x0] =	vst.idx.msk $0xffff, v0;
	v62 =	vld.idx.msk [tilespmem:v62+s3+$0x0], $0xffff;
	(pc) =	sbr.rel @p0 .LBB2_5-.Ltmp1, $4  }
0x2e5: {  	s26 =	smov.u32 s29;
	s29 =	smov.u32 s1;
	s1 =	smov.u32 s18;
	v61 =	vadd.s32 v21, v52;
	v52 =	vmul.u32 $0x3, v51;
	v51 =	vadd.s32 v36, v45;
	[tilespmem:v56+s17+$0x0] =	vst.idx.msk $0xf, v4;
	v56 =	vld [tilespmem:s30+$0xFFFFFFB0]  }
0x2e6: {  	v59 =	vadd.s32 s29, v28;
	v1 =	vadd.s32 v19, v49;
	v0 =	vadd.s32 s1, v18;
	[tilespmem:v54+s17+$0x0] =	vst.idx.msk $0xffff, v2;
	v53 =	vld.idx.msk [tilespmem:v5+s3+$0x0], $0xffff  }
0x2e7: {  	s22 =	smov.u32 s25;
	v50 =	vmul.u32 $0x3, v50;
	v11 =	vmovc v36;
	v54 =	vadd.s32 s26, v39;
	v2 =	vadd.s32 s7, v20;
	v63 =	vld.idx.msk [tilespmem:v57+s3+$0x0], $0xffff;
	[tilespmem:v6+s17+$0x0] =	vst.idx.msk $0xf, v7  }
0x2e8: {  	s25 =	smov.u32 s28;
	s28 =	smov.u32 s10;
	s10 =	smov.u32 s7;
	v60 =	vadd.s32 v10, v48;
	v58 =	vadd.s32 v10, v46;
	v57 =	vld.idx.msk [tilespmem:v3+s3+$0x0], $0xffff;
	[tilespmem:v9+s17+$0x0] =	vst.idx.msk $0xffff, v8  }
0x2e9: {  	v4 =	vld [tilespmem:$0x1FF80];
	_ =	sdelay $0x4  }
0x2ea: {  	v3 =	vadd.s32 v4, v52  }
0x2eb: {  	v4 =	vadd.s32 v4, v50;
	_ =	sdelay $0x1  }
0x2ec: {  	s7 =	sadd.s32 $0x258, s7  }
0x2ed: {  	s8 =	sadd.s32 $0x12C, s7  }
0x2ee: {  	v5 =	vadd.s32 s8, v12;
	v3 =	vld.idx.msk [tilespmem:v3+s3+$0x0], $0xffff  }
0x2ef: {  	v7 =	vadd.s32 v13, v52;
	v6 =	vadd.s32 s7, v12;
	v4 =	vld.idx.msk [tilespmem:v4+s3+$0x0], $0xffff  }
0x2f0: {  	v8 =	vadd.s32 v13, v50;
	_ =	sdelay $0x2  }
0x2f1: {  	[tilespmem:v5+s17+$0x0] =	vst.idx.msk $0xffff, v3  }
0x2f2: {  	[tilespmem:v6+s17+$0x0] =	vst.idx.msk $0xffff, v4;
	v4 =	vadd.s32 s8, v14;
	v3 =	vld.idx.msk [tilespmem:v7+s3+$0x0], $0xffff  }
0x2f3: {  	v6 =	vadd.s32 s7, v14;
	v5 =	vld.idx.msk [tilespmem:v8+s3+$0x0], $0xffff;
	v7 =	vadd.s32 v15, v52  }
0x2f4: {  	v8 =	vadd.s32 v15, v50;
	_ =	sdelay $0x2  }
0x2f5: {  	[tilespmem:v4+s17+$0x0] =	vst.idx.msk $0xffff, v3  }
0x2f6: {  	[tilespmem:v6+s17+$0x0] =	vst.idx.msk $0xffff, v5;
	v4 =	vadd.s32 s8, v16;
	v3 =	vld.idx.msk [tilespmem:v7+s3+$0x0], $0xffff  }
0x2f7: {  	v6 =	vadd.s32 s7, v16;
	v5 =	vld.idx.msk [tilespmem:v8+s3+$0x0], $0xffff;
	_ =	sdelay $0x3  }
0x2f8: {  	[tilespmem:v4+s17+$0x0] =	vst.idx.msk $0xffff, v3  }
0x2f9: {  	[tilespmem:v6+s17+$0x0] =	vst.idx.msk $0xffff, v5;
	v3 =	vld [tilespmem:s5+$0x10]  }
0x2fa: {  	v4 =	vld [tilespmem:s5+$0xFFFFFF90];
	_ =	sdelay $0x3  }
0x2fb: {  	v3 =	vmul.u32 $0x3, v3  }
0x2fc: {  	v4 =	vmul.u32 $0x3, v4  }
0x2fd: {  	v5 =	vadd.s32 v17, v3  }
0x2fe: {  	v6 =	vadd.s32 v17, v4;
	_ =	sdelay $0x3  }
0x2ff: {  	v7 =	vadd.s32 s8, v18;
	v5 =	vld.idx.msk [tilespmem:v5+s3+$0x0], $0xffff  }
0x300: {  	v8 =	vadd.s32 s7, v18;
	v9 =	vadd.s32 v19, v3;
	v6 =	vld.idx.msk [tilespmem:v6+s3+$0x0], $0xffff;
	_ =	sdelay $0x1  }
0x301: {  	[tilespmem:v0+s17+$0x0] =	vst.idx.msk $0xffff, v62  }
0x302: {  	v0 =	vld.idx.msk [tilespmem:v1+s3+$0x0], $0xffff;
	v50 =	vadd.s32 s1, v20;
	v10 =	vadd.s32 v19, v4  }
0x303: {  	[tilespmem:v7+s17+$0x0] =	vst.idx.msk $0xffff, v5;
	v5 =	vadd.s32 v21, v49  }
0x304: {  	[tilespmem:v8+s17+$0x0] =	vst.idx.msk $0xffff, v6;
	v7 =	vadd.s32 s8, v20;
	v6 =	vld.idx.msk [tilespmem:v9+s3+$0x0], $0xffff  }
0x305: {  	v3 =	vadd.s32 v21, v3;
	_ =	sdelay $0x1  }
0x306: {  	[tilespmem:v50+s17+$0x0] =	vst.idx.msk $0xffff, v0;
	v8 =	vld.idx.msk [tilespmem:v10+s3+$0x0], $0xffff;
	v9 =	vadd.s32 s7, v20  }
0x307: {  	[tilespmem:v2+s17+$0x0] =	vst.idx.msk $0xffff, v63;
	v52 =	vadd.s32 s1, v22;
	v4 =	vadd.s32 v21, v4;
	v0 =	vld.idx.msk [tilespmem:v5+s3+$0x0], $0xffff  }
0x308: {  	v2 =	vld.idx.msk [tilespmem:v61+s3+$0x0], $0xffff;
	v5 =	vadd.s32 s10, v22;
	[tilespmem:v7+s17+$0x0] =	vst.idx.msk $0xffff, v6  }
0x309: {  	v6 =	vadd.s32 s8, v22;
	v3 =	vld.idx.msk [tilespmem:v3+s3+$0x0], $0xffff  }
0x30a: {  	[tilespmem:v59+s17+$0x0] =	vst.idx.msk $0xffff, v55  }
0x30b: {  	v10 =	vld.idx.msk [tilespmem:v58+s3+$0x0], $0xffff;
	[tilespmem:v9+s17+$0x0] =	vst.idx.msk $0xffff, v8  }
0x30c: {  	v7 =	vadd.s32 s7, v22;
	v4 =	vld.idx.msk [tilespmem:v4+s3+$0x0], $0xffff;
	[tilespmem:v52+s17+$0x0] =	vst.idx.msk $0xffff, v0  }
0x30d: {  	v8 =	vld.idx.msk [tilespmem:v60+s3+$0x0], $0xffff;
	[tilespmem:v5+s17+$0x0] =	vst.idx.msk $0xffff, v2  }
0x30e: {  	v55 =	vadd.s32 v11, v47;
	v1 =	vld [tilespmem:s0+$0x20];
	[tilespmem:v6+s17+$0x0] =	vst.idx.msk $0xffff, v3  }
0x30f: {  	v60 =	vld [tilespmem:$0x1FF50]  }
0x310: {  	v2 =	vld [tilespmem:s0+$0xFFFFFFA0]  }
0x311: {  	[tilespmem:v7+s17+$0x0] =	vst.idx.msk $0xffff, v4;
	v4 =	vld [tilespmem:s5+$0x20]  }
0x312: {  	v59 =	vld [tilespmem:$0x1FF20];
	[tilespmem:v44+s17+$0x0] =	vst.idx.msk $0xffff, v57  }
0x313: {  	v5 =	vmul.u32 $0x3, v56;
	v0 =	vld.idx.msk [tilespmem:v55+s3+$0x0], $0xffff;
	v55 =	vadd.s32 s25, v38  }
0x314: {  	v7 =	vld [tilespmem:s5+$0xFFFFFFA0];
	v62 =	vadd.s32 s24, v60  }
0x315: {  	v9 =	vld [tilespmem:s30+$0x30];
	v11 =	vadd.s32 v29, v5;
	v1 =	vmul.u32 $0x3, v1;
	v63 =	vadd.s32 s22, v60  }
0x316: {  	v56 =	vadd.s32 v37, v47  }
0x317: {  	[tilespmem:v54+s17+$0x0] =	vst.idx.msk $0xffff, v53;
	v2 =	vmul.u32 $0x3, v2;
	v57 =	vadd.s32 v23, v1  }
0x318: {  	v4 =	vmul.u32 $0x3, v4;
	v52 =	vadd.s32 v59, v46;
	[tilespmem:v55+s17+$0x0] =	vst.idx.msk $0xffff, v0  }
0x319: {  	v49 =	vld.idx.msk [tilespmem:v51+s3+$0x0], $0xffff;
	v7 =	vmul.u32 $0x3, v7;
	[tilespmem:v62+s17+$0x0] =	vst.idx.msk $0xffff, v8;
	v8 =	vadd.s32 v23, v2  }
0x31a: {  	v9 =	vmul.u32 $0x3, v9;
	v11 =	vld.idx.msk [tilespmem:v11+s3+$0x0], $0xffff;
	[tilespmem:v63+s17+$0x0] =	vst.idx.msk $0xffff, v10;
	v10 =	vadd.s32 v23, v4  }
0x31b: {  	v58 =	vadd.s32 v23, v7;
	v47 =	vld.idx.msk [tilespmem:v56+s3+$0x0], $0xffff  }
0x31c: {  	v61 =	vadd.s32 v29, v9;
	v46 =	vadd.s32 s28, v30;
	v3 =	vld.idx.msk [tilespmem:v57+s3+$0x0], $0xffff  }
0x31d: {  	v51 =	vadd.s32 s1, v24;
	v44 =	vld.idx.msk [tilespmem:v52+s3+$0x0], $0xffff  }
0x31e: {  	v62 =	vadd.s32 v25, v1;
	v52 =	vadd.s32 s10, v24;
	v8 =	vld.idx.msk [tilespmem:v8+s3+$0x0], $0xffff  }
0x31f: {  	v55 =	vadd.s32 s8, v24;
	v63 =	vadd.s32 v25, v2;
	v10 =	vld.idx.msk [tilespmem:v10+s3+$0x0], $0xffff  }
0x320: {  	v56 =	vadd.s32 s7, v24;
	v57 =	vadd.s32 v25, v4;
	v0 =	vld.idx.msk [tilespmem:v58+s3+$0x0], $0xffff  }
0x321: {  	[tilespmem:v46+s17+$0x0] =	vst.idx.msk $0xffff, v11;
	v11 =	vld.idx.msk [tilespmem:v61+s3+$0x0], $0xffff;
	v61 =	vadd.s32 s29, v30  }
0x322: {  	v6 =	vadd.s32 v59, v48;
	v48 =	vadd.s32 v25, v7;
	v46 =	vadd.s32 s25, v41;
	[tilespmem:v51+s17+$0x0] =	vst.idx.msk $0xffff, v3  }
0x323: {  	v50 =	vadd.s32 v31, v5;
	[tilespmem:v52+s17+$0x0] =	vst.idx.msk $0xffff, v8;
	v8 =	vld.idx.msk [tilespmem:v62+s3+$0x0], $0xffff;
	v62 =	vadd.s32 s1, v26  }
0x324: {  	v1 =	vadd.s32 v27, v1;
	[tilespmem:v55+s17+$0x0] =	vst.idx.msk $0xffff, v10;
	v52 =	vld.idx.msk [tilespmem:v63+s3+$0x0], $0xffff;
	v63 =	vadd.s32 s10, v26  }
0x325: {  	v2 =	vadd.s32 v27, v2;
	[tilespmem:v56+s17+$0x0] =	vst.idx.msk $0xffff, v0;
	v10 =	vadd.s32 s8, v26;
	v0 =	vld.idx.msk [tilespmem:v57+s3+$0x0], $0xffff  }
0x326: {  	v4 =	vadd.s32 v27, v4;
	[tilespmem:v61+s17+$0x0] =	vst.idx.msk $0xffff, v11;
	v61 =	vadd.s32 s26, v38  }
0x327: {  	v3 =	vadd.s32 v31, v9;
	[tilespmem:v46+s17+$0x0] =	vst.idx.msk $0xffff, v47;
	v47 =	vadd.s32 s7, v26;
	v46 =	vld.idx.msk [tilespmem:v48+s3+$0x0], $0xffff  }
0x328: {  	v7 =	vadd.s32 v27, v7;
	v50 =	vld.idx.msk [tilespmem:v50+s3+$0x0], $0xffff;
	v57 =	vadd.s32 s28, v32;
	[tilespmem:v62+s17+$0x0] =	vst.idx.msk $0xffff, v8  }
0x329: {  	v5 =	vadd.s32 v33, v5;
	v62 =	vadd.s32 s1, v28;
	[tilespmem:v63+s17+$0x0] =	vst.idx.msk $0xffff, v52;
	v1 =	vld.idx.msk [tilespmem:v1+s3+$0x0], $0xffff  }
0x32a: {  	v8 =	vadd.s32 v37, v45;
	v63 =	vadd.s32 s10, v28;
	[tilespmem:v10+s17+$0x0] =	vst.idx.msk $0xffff, v0;
	v2 =	vld.idx.msk [tilespmem:v2+s3+$0x0], $0xffff  }
0x32b: {  	[tilespmem:v61+s17+$0x0] =	vst.idx.msk $0xffff, v49;
	v0 =	vld.idx.msk [tilespmem:v4+s3+$0x0], $0xffff;
	v4 =	vadd.s32 s8, v28  }
0x32c: {  	v3 =	vld.idx.msk [tilespmem:v3+s3+$0x0], $0xffff;
	[tilespmem:v47+s17+$0x0] =	vst.idx.msk $0xffff, v46  }
0x32d: {  	v7 =	vld.idx.msk [tilespmem:v7+s3+$0x0], $0xffff;
	[tilespmem:v57+s17+$0x0] =	vst.idx.msk $0xffff, v50;
	v50 =	vadd.s32 s29, v32  }
0x32e: {  	v9 =	vadd.s32 v33, v9;
	v10 =	vadd.s32 s7, v28;
	v5 =	vld.idx.msk [tilespmem:v5+s3+$0x0], $0xffff;
	[tilespmem:v62+s17+$0x0] =	vst.idx.msk $0xffff, v1  }
0x32f: {  	v52 =	vadd.s32 s26, v41;
	v8 =	vld.idx.msk [tilespmem:v8+s3+$0x0], $0xffff;
	[tilespmem:v63+s17+$0x0] =	vst.idx.msk $0xffff, v2  }
0x330: {  	v1 =	vld [tilespmem:s0+$0x30];
	[tilespmem:v4+s17+$0x0] =	vst.idx.msk $0xffff, v0  }
0x331: {  	v63 =	vld [tilespmem:$0x1FF40]  }
0x332: {  	v4 =	vld [tilespmem:s5+$0x30];
	[tilespmem:v50+s17+$0x0] =	vst.idx.msk $0xffff, v3  }
0x333: {  	[tilespmem:v10+s17+$0x0] =	vst.idx.msk $0xffff, v7;
	v10 =	vadd.s32 s29, v34;
	v9 =	vld.idx.msk [tilespmem:v9+s3+$0x0], $0xffff  }
0x334: {  	v54 =	vld [tilespmem:s5+$0xFFFFFFB0];
	[tilespmem:v52+s17+$0x0] =	vst.idx.msk $0xffff, v8;
	v8 =	vadd.s32 s28, v34  }
0x335: {  	v2 =	vld [tilespmem:s0+$0xFFFFFFB0]  }
0x336: {  	v11 =	vld [tilespmem:s31+$0xFFFFFFD0]  }
0x337: {  	v1 =	vmul.u32 $0x3, v1;
	v7 =	vadd.s32 s22, v63  }
0x338: {  	v4 =	vmul.u32 $0x3, v4;
	[tilespmem:v10+s17+$0x0] =	vst.idx.msk $0xffff, v9  }
0x339: {  	v56 =	vadd.s32 v29, v1;
	v3 =	vmul.u32 $0x3, v54;
	[tilespmem:v8+s17+$0x0] =	vst.idx.msk $0xffff, v5;
	v5 =	vld [tilespmem:s30+$0x40]  }
0x33a: {  	v2 =	vmul.u32 $0x3, v2;
	v9 =	vadd.s32 v29, v4  }
0x33b: {  	v6 =	vld.idx.msk [tilespmem:v6+s3+$0x0], $0xffff;
	v11 =	vmul.u32 $0x3, v11;
	v53 =	vadd.s32 s24, v63;
	v10 =	vadd.s32 v29, v3  }
0x33c: {  	v55 =	vld [tilespmem:s31+$0x50];
	[tilespmem:v7+s17+$0x0] =	vst.idx.msk $0xffff, v44;
	v7 =	vadd.s32 v29, v2  }
0x33d: {  	v58 =	vadd.s32 v40, v11;
	v57 =	vld [tilespmem:s30+$0xFFFFFFC0]  }
0x33e: {  	v48 =	vadd.s32 s1, v30;
	v0 =	vld.idx.msk [tilespmem:v56+s3+$0x0], $0xffff;
	v5 =	vmul.u32 $0x3, v5  }
0x33f: {  	v52 =	vadd.s32 s8, v30;
	v9 =	vld.idx.msk [tilespmem:v9+s3+$0x0], $0xffff  }
0x340: {  	[tilespmem:v53+s17+$0x0] =	vst.idx.msk $0xffff, v6;
	v53 =	vadd.s32 s7, v30;
	v10 =	vld.idx.msk [tilespmem:v10+s3+$0x0], $0xffff;
	v62 =	vadd.s32 v35, v5  }
0x341: {  	v49 =	vadd.s32 s10, v30;
	v50 =	vadd.s32 v31, v1;
	v7 =	vld.idx.msk [tilespmem:v7+s3+$0x0], $0xffff  }
0x342: {  	v44 =	vld.idx.msk [tilespmem:v58+s3+$0x0], $0xffff  }
0x343: {  	v6 =	vld [tilespmem:s12+$0x60];
	[tilespmem:v48+s17+$0x0] =	vst.idx.msk $0xffff, v0  }
0x344: {  	v51 =	vadd.s32 v31, v2;
	v46 =	vld [tilespmem:s12+$0xFFFFFFE0];
	[tilespmem:v52+s17+$0x0] =	vst.idx.msk $0xffff, v9  }
0x345: {  	v54 =	vadd.s32 v31, v4;
	v8 =	vmul.u32 $0x3, v55;
	[tilespmem:v53+s17+$0x0] =	vst.idx.msk $0xffff, v10;
	v53 =	vld.idx.msk [tilespmem:v62+s3+$0x0], $0xffff  }
0x346: {  	v61 =	vadd.s32 v31, v3;
	v55 =	vmul.u32 $0x3, v57;
	[tilespmem:v49+s17+$0x0] =	vst.idx.msk $0xffff, v7;
	v7 =	vld.idx.msk [tilespmem:v50+s3+$0x0], $0xffff  }
0x347: {  	v47 =	vadd.s32 v40, v8;
	v57 =	vld [tilespmem:$0x1FF60]  }
0x348: {  	v0 =	vadd.s32 v35, v55;
	v48 =	vadd.s32 s1, v32;
	v62 =	vld [tilespmem:$0x1FF70]  }
0x349: {  	v1 =	vadd.s32 v33, v1;
	v50 =	vadd.s32 s10, v32;
	v49 =	vld.idx.msk [tilespmem:v51+s3+$0x0], $0xffff  }
0x34a: {  	v2 =	vadd.s32 v33, v2;
	v9 =	vld.idx.msk [tilespmem:v54+s3+$0x0], $0xffff;
	v10 =	vadd.s32 s8, v32  }
0x34b: {  	v4 =	vadd.s32 v33, v4;
	v45 =	vld.idx.msk [tilespmem:v61+s3+$0x0], $0xffff;
	v51 =	vadd.s32 s7, v32  }
0x34c: {  	v3 =	vadd.s32 v33, v3;
	v47 =	vld.idx.msk [tilespmem:v47+s3+$0x0], $0xffff;
	v52 =	vadd.s32 s26, v57  }
0x34d: {  	v0 =	vld.idx.msk [tilespmem:v0+s3+$0x0], $0xffff;
	[tilespmem:v48+s17+$0x0] =	vst.idx.msk $0xffff, v7;
	v54 =	vadd.s32 s25, v57;
	v56 =	vadd.s32 v62, v8  }
0x34e: {  	v48 =	vadd.s32 s1, v34;
	v7 =	vadd.s32 v62, v11;
	[tilespmem:v50+s17+$0x0] =	vst.idx.msk $0xffff, v49;
	v1 =	vld.idx.msk [tilespmem:v1+s3+$0x0], $0xffff  }
0x34f: {  	v61 =	vadd.s32 s10, v34;
	[tilespmem:v10+s17+$0x0] =	vst.idx.msk $0xffff, v9;
	v2 =	vld.idx.msk [tilespmem:v2+s3+$0x0], $0xffff  }
0x350: {  	v4 =	vld.idx.msk [tilespmem:v4+s3+$0x0], $0xffff;
	[tilespmem:v51+s17+$0x0] =	vst.idx.msk $0xffff, v45  }
0x351: {  	v9 =	vadd.s32 s8, v34;
	v3 =	vld.idx.msk [tilespmem:v3+s3+$0x0], $0xffff;
	[tilespmem:v52+s17+$0x0] =	vst.idx.msk $0xffff, v47  }
0x352: {  	v10 =	vadd.s32 s7, v34;
	[tilespmem:v54+s17+$0x0] =	vst.idx.msk $0xffff, v44;
	v47 =	vld.idx.msk [tilespmem:v56+s3+$0x0], $0xffff  }
0x353: {  	[tilespmem:v48+s17+$0x0] =	vst.idx.msk $0xffff, v1;
	v7 =	vld.idx.msk [tilespmem:v7+s3+$0x0], $0xffff  }
0x354: {  	v50 =	vadd.s32 s26, v60;
	v1 =	vadd.s32 v36, v55;
	[tilespmem:v61+s17+$0x0] =	vst.idx.msk $0xffff, v2;
	v2 =	vld [tilespmem:s0+$0x40]  }
0x355: {  	v44 =	vmul.u32 $0x3, v6;
	v54 =	vmov v59;
	v6 =	vadd.s32 v59, v8;
	v59 =	vld [tilespmem:$0x1FF00]  }
0x356: {  	v45 =	vmul.u32 $0x3, v46;
	v46 =	vld [tilespmem:s0+$0xFFFFFFC0];
	[tilespmem:v9+s17+$0x0] =	vst.idx.msk $0xffff, v4  }
0x357: {  	v9 =	vadd.s32 s29, v39;
	[tilespmem:v10+s17+$0x0] =	vst.idx.msk $0xffff, v3;
	v3 =	vld [tilespmem:s5+$0x40]  }
0x358: {  	v61 =	vadd.s32 s25, v60;
	[tilespmem:v43+s17+$0x0] =	vst.idx.msk $0xffff, v0;
	v52 =	vld [tilespmem:s5+$0xFFFFFFC0]  }
0x359: {  	v58 =	vadd.s32 s28, v38;
	v54 =	vadd.s32 v54, v11;
	v1 =	vld.idx.msk [tilespmem:v1+s3+$0x0], $0xffff;
	[tilespmem:v50+s17+$0x0] =	vst.idx.msk $0xffff, v47  }
0x35a: {  	v56 =	vmovc v60;
	v11 =	vadd.s32 s26, v63;
	v60 =	vadd.s32 v37, v55;
	v2 =	vmul.u32 $0x3, v2;
	v6 =	vld.idx.msk [tilespmem:v6+s3+$0x0], $0xffff  }
0x35b: {  	v46 =	vmul.u32 $0x3, v46  }
0x35c: {  	[tilespmem:v9+s17+$0x0] =	vst.idx.msk $0xffff, v53;
	v9 =	vadd.s32 v35, v2  }
0x35d: {  	[tilespmem:v61+s17+$0x0] =	vst.idx.msk $0xffff, v7;
	v3 =	vmul.u32 $0x3, v3;
	v7 =	vadd.s32 v35, v46  }
0x35e: {  	v10 =	vadd.s32 v36, v5;
	v0 =	vld.idx.msk [tilespmem:v54+s3+$0x0], $0xffff;
	v47 =	vmul.u32 $0x3, v52;
	[tilespmem:v58+s17+$0x0] =	vst.idx.msk $0xffff, v1  }
0x35f: {  	v49 =	vadd.s32 s28, v41;
	v48 =	vld.idx.msk [tilespmem:v60+s3+$0x0], $0xffff;
	[tilespmem:v11+s17+$0x0] =	vst.idx.msk $0xffff, v6;
	v6 =	vadd.s32 v35, v3  }
0x360: {  	v61 =	vadd.s32 v35, v47;
	v11 =	vadd.s32 s25, v63;
	v1 =	vld [tilespmem:s31+$0x60]  }
0x361: {  	v50 =	vadd.s32 s1, v39;
	v9 =	vld.idx.msk [tilespmem:v9+s3+$0x0], $0xffff  }
0x362: {  	v58 =	vadd.s32 v36, v2;
	v7 =	vld.idx.msk [tilespmem:v7+s3+$0x0], $0xffff  }
0x363: {  	v10 =	vld.idx.msk [tilespmem:v10+s3+$0x0], $0xffff;
	v60 =	vadd.s32 v36, v46  }
0x364: {  	v53 =	vadd.s32 s8, v39;
	[tilespmem:v49+s17+$0x0] =	vst.idx.msk $0xffff, v48;
	v6 =	vld.idx.msk [tilespmem:v6+s3+$0x0], $0xffff  }
0x365: {  	v54 =	vadd.s32 s7, v39;
	v61 =	vld.idx.msk [tilespmem:v61+s3+$0x0], $0xffff;
	[tilespmem:v11+s17+$0x0] =	vst.idx.msk $0xffff, v0;
	v11 =	vadd.s32 v36, v3  }
0x366: {  	v48 =	vadd.s32 v36, v47;
	v55 =	vld [tilespmem:s31+$0xFFFFFFE0];
	v43 =	vmul.u32 $0x3, v1;
	v1 =	vadd.s32 s29, v38;
	[tilespmem:v50+s17+$0x0] =	vst.idx.msk $0xffff, v9  }
0x367: {  	v5 =	vadd.s32 v37, v5;
	v50 =	vld.idx.msk [tilespmem:v58+s3+$0x0], $0xffff;
	[tilespmem:v42+s17+$0x0] =	vst.idx.msk $0xffff, v7;
	v7 =	vadd.s32 s1, v38  }
0x368: {  	v2 =	vadd.s32 v37, v2;
	v58 =	vld.idx.msk [tilespmem:v60+s3+$0x0], $0xffff;
	v60 =	vadd.s32 s10, v38  }
0x369: {  	[tilespmem:v53+s17+$0x0] =	vst.idx.msk $0xffff, v6;
	v6 =	vadd.s32 v37, v46  }
0x36a: {  	[tilespmem:v54+s17+$0x0] =	vst.idx.msk $0xffff, v61;
	v61 =	vadd.s32 s8, v38;
	v11 =	vld.idx.msk [tilespmem:v11+s3+$0x0], $0xffff  }
0x36b: {  	v53 =	vld.idx.msk [tilespmem:v48+s3+$0x0], $0xffff;
	[tilespmem:v1+s17+$0x0] =	vst.idx.msk $0xffff, v10;
	v10 =	vadd.s32 s7, v38  }
0x36c: {  	v3 =	vadd.s32 v37, v3;
	v54 =	vadd.s32 s29, v41;
	v5 =	vld.idx.msk [tilespmem:v5+s3+$0x0], $0xffff;
	[tilespmem:v7+s17+$0x0] =	vst.idx.msk $0xffff, v50  }
0x36d: {  	v47 =	vadd.s32 v37, v47;
	v42 =	vmul.u32 $0x3, v55;
	v55 =	vadd.s32 s1, v41;
	[tilespmem:v60+s17+$0x0] =	vst.idx.msk $0xffff, v58;
	v2 =	vld.idx.msk [tilespmem:v2+s3+$0x0], $0xffff  }
0x36e: {  	v58 =	vadd.s32 s10, v41;
	v6 =	vld.idx.msk [tilespmem:v6+s3+$0x0], $0xffff  }
0x36f: {  	[tilespmem:v61+s17+$0x0] =	vst.idx.msk $0xffff, v11  }
0x370: {  	[tilespmem:v10+s17+$0x0] =	vst.idx.msk $0xffff, v53  }
0x371: {  	v0 =	vld.idx.msk [tilespmem:v3+s3+$0x0], $0xffff;
	[tilespmem:v54+s17+$0x0] =	vst.idx.msk $0xffff, v5  }
0x372: {  	v8 =	vadd.s32 v59, v44;
	v53 =	vld.idx.msk [tilespmem:v47+s3+$0x0], $0xffff;
	[tilespmem:v55+s17+$0x0] =	vst.idx.msk $0xffff, v2  }
0x373: {  	v52 =	vadd.s32 s8, v41;
	v9 =	vadd.s32 v59, v43;
	v61 =	vld [tilespmem:$0x1FF30];
	[tilespmem:v58+s17+$0x0] =	vst.idx.msk $0xffff, v6  }
0x374: {  	v5 =	vadd.s32 s7, v41;
	v60 =	vld [tilespmem:$0x1FF10]  }
0x375: {  	v4 =	vadd.s32 v59, v45;
	_ =	sdelay $0x1  }
0x376: {  	v8 =	vld.idx.msk [tilespmem:v8+s3+$0x0], $0xf  }
0x377: {  	v9 =	vld.idx.msk [tilespmem:v9+s3+$0x0], $0xf;
	v7 =	vadd.s32 v59, v42;
	[tilespmem:v52+s17+$0x0] =	vst.idx.msk $0xffff, v0;
	v1 =	vadd.s32 s26, v61  }
0x378: {  	[tilespmem:v5+s17+$0x0] =	vst.idx.msk $0xffff, v53;
	v55 =	vld [tilespmem:s5+$0x50];
	v5 =	vadd.s32 v60, v43  }
0x379: {  	v4 =	vld.idx.msk [tilespmem:v4+s3+$0x0], $0xf  }
0x37a: {  	v49 =	vld [tilespmem:s30+$0xFFFFFFD0]  }
0x37b: {  	v10 =	vld [tilespmem:s30+$0x50];
	v54 =	vadd.s32 s24, v61  }
0x37c: {  	v7 =	vld.idx.msk [tilespmem:v7+s3+$0x0], $0xf;
	v46 =	vadd.s32 s22, v61;
	v11 =	vadd.s32 v60, v44;
	[tilespmem:v1+s17+$0x0] =	vst.idx.msk $0xf, v9  }
0x37d: {  	v0 =	vadd.s32 v60, v45;
	v3 =	vmul.u32 $0x3, v55;
	v55 =	vld.idx.msk [tilespmem:v5+s3+$0x0], $0xf  }
0x37e: {  	v6 =	vld [tilespmem:s0+$0x50];
	v48 =	vadd.s32 s25, v61  }
0x37f: {  	v47 =	vld [tilespmem:s0+$0xFFFFFFD0];
	v58 =	vadd.s32 v60, v42  }
0x380: {  	v50 =	vld [tilespmem:s5+$0xFFFFFFD0];
	[tilespmem:v54+s17+$0x0] =	vst.idx.msk $0xf, v8  }
0x381: {  	[tilespmem:v46+s17+$0x0] =	vst.idx.msk $0xf, v4;
	v8 =	vld.idx.msk [tilespmem:v11+s3+$0x0], $0xf  }
0x382: {  	v46 =	vld.idx.msk [tilespmem:v0+s3+$0x0], $0xf;
	[tilespmem:$0x1FEB0] =	vst v55  }
0x383: {  	v10 =	vmul.u32 $0x3, v10;
	[tilespmem:v48+s17+$0x0] =	vst.idx.msk $0xf, v7  }
0x384: {  	v49 =	vmul.u32 $0x3, v49;
	v0 =	vld.idx.msk [tilespmem:v58+s3+$0x0], $0xf  }
0x385: {  	v6 =	vmul.u32 $0x3, v6;
	v54 =	vadd.s32 v40, v10  }
0x386: {  	v4 =	vadd.s32 v40, v49  }
0x387: {  	v1 =	vadd.s32 v40, v6;
	_ =	sdelay $0x1  }
0x388: {  	[tilespmem:$0x1FEC0] =	vst v0  }
0x389: {  	v48 =	vadd.s32 s29, v57;
	v2 =	vld.idx.msk [tilespmem:v54+s3+$0x0], $0xffff  }
0x38a: {  	v51 =	vadd.s32 s28, v57;
	v4 =	vld.idx.msk [tilespmem:v4+s3+$0x0], $0xffff  }
0x38b: {  	v11 =	vmul.u32 $0x3, v47;
	v58 =	vadd.s32 v40, v3;
	v1 =	vld.idx.msk [tilespmem:v1+s3+$0x0], $0xffff;
	v54 =	vadd.s32 s1, v57;
	_ =	sdelay $0x1  }
0x38c: {  	v9 =	vmul.u32 $0x3, v50;
	v7 =	vadd.s32 v40, v11  }
0x38d: {  	[tilespmem:v48+s17+$0x0] =	vst.idx.msk $0xffff, v2  }
0x38e: {  	v50 =	vadd.s32 v40, v9;
	[tilespmem:v51+s17+$0x0] =	vst.idx.msk $0xffff, v4  }
0x38f: {  	v53 =	vadd.s32 v62, v49;
	v52 =	vadd.s32 v62, v10;
	v47 =	vld.idx.msk [tilespmem:v58+s3+$0x0], $0xffff;
	[tilespmem:v54+s17+$0x0] =	vst.idx.msk $0xffff, v1  }
0x390: {  	v55 =	vadd.s32 s10, v57;
	v58 =	vadd.s32 s8, v57;
	v48 =	vadd.s32 s7, v57;
	v57 =	vld [tilespmem:$0x1FF20]  }
0x391: {  	v0 =	vadd.s32 v62, v6;
	v7 =	vld.idx.msk [tilespmem:v7+s3+$0x0], $0xffff  }
0x392: {  	v5 =	vadd.s32 v62, v11  }
0x393: {  	v2 =	vld.idx.msk [tilespmem:v50+s3+$0x0], $0xffff;
	v50 =	vadd.s32 v62, v3  }
0x394: {  	v51 =	vadd.s32 s29, v56;
	v4 =	vld.idx.msk [tilespmem:v52+s3+$0x0], $0xffff;
	v52 =	vadd.s32 v62, v9  }
0x395: {  	v1 =	vadd.s32 v57, v10;
	v10 =	vld.idx.msk [tilespmem:v53+s3+$0x0], $0xffff;
	v53 =	vadd.s32 s28, v56  }
0x396: {  	v54 =	vadd.s32 s1, v56;
	[tilespmem:v55+s17+$0x0] =	vst.idx.msk $0xffff, v7;
	v7 =	vadd.s32 v57, v49;
	v49 =	vld.idx.msk [tilespmem:v0+s3+$0x0], $0xffff  }
0x397: {  	[tilespmem:v58+s17+$0x0] =	vst.idx.msk $0xffff, v47;
	v55 =	vadd.s32 s10, v56;
	v47 =	vld.idx.msk [tilespmem:v5+s3+$0x0], $0xffff;
	v6 =	vadd.s32 v57, v6  }
0x398: {  	v58 =	vadd.s32 s8, v56;
	[tilespmem:v48+s17+$0x0] =	vst.idx.msk $0xffff, v2;
	v2 =	vadd.s32 v57, v11;
	v11 =	vld.idx.msk [tilespmem:v50+s3+$0x0], $0xffff  }
0x399: {  	[tilespmem:v51+s17+$0x0] =	vst.idx.msk $0xffff, v4;
	v4 =	vld.idx.msk [tilespmem:v52+s3+$0x0], $0xffff;
	v52 =	vadd.s32 s7, v56  }
0x39a: {  	[tilespmem:v53+s17+$0x0] =	vst.idx.msk $0xffff, v10;
	v1 =	vld.idx.msk [tilespmem:v1+s3+$0x0], $0xffff;
	v10 =	vadd.s32 s29, v63  }
0x39b: {  	v3 =	vadd.s32 v57, v3;
	v56 =	vadd.s32 s28, v63;
	[tilespmem:v54+s17+$0x0] =	vst.idx.msk $0xffff, v49;
	v7 =	vld.idx.msk [tilespmem:v7+s3+$0x0], $0xffff  }
0x39c: {  	v9 =	vadd.s32 v57, v9;
	v57 =	vadd.s32 s1, v63;
	[tilespmem:v55+s17+$0x0] =	vst.idx.msk $0xffff, v47;
	v6 =	vld.idx.msk [tilespmem:v6+s3+$0x0], $0xffff  }
0x39d: {  	[tilespmem:v58+s17+$0x0] =	vst.idx.msk $0xffff, v11  }
0x39e: {  	[tilespmem:v52+s17+$0x0] =	vst.idx.msk $0xffff, v4  }
0x39f: {  	[tilespmem:v10+s17+$0x0] =	vst.idx.msk $0xffff, v1  }
0x3a0: {  	[tilespmem:v56+s17+$0x0] =	vst.idx.msk $0xffff, v7  }
0x3a1: {  	[tilespmem:v57+s17+$0x0] =	vst.idx.msk $0xffff, v6  }
0x3a2: {  	v52 =	vld [tilespmem:$0x1FEE0]  }
0x3a3: {  	v2 =	vld.idx.msk [tilespmem:v2+s3+$0x0], $0xffff;
	v11 =	vadd.s32 s10, v63;
	_ =	sdelay $0x1  }
0x3a4: {  	v58 =	vadd.s32 s8, v63;
	v3 =	vld.idx.msk [tilespmem:v3+s3+$0x0], $0xffff  }
0x3a5: {  	v4 =	vadd.s32 s7, v63;
	v1 =	vld.idx.msk [tilespmem:v9+s3+$0x0], $0xffff  }
0x3a6: {  	v6 =	vadd.s32 s24, v52  }
0x3a7: {  	[tilespmem:v11+s17+$0x0] =	vst.idx.msk $0xffff, v2;
	v11 =	vadd.s32 s22, v52;
	_ =	sdelay $0x1  }
0x3a8: {  	v51 =	vld [tilespmem:$0x1FED0];
	[tilespmem:v58+s17+$0x0] =	vst.idx.msk $0xffff, v3  }
0x3a9: {  	v9 =	vld [tilespmem:s30+$0x60];
	[tilespmem:v4+s17+$0x0] =	vst.idx.msk $0xffff, v1  }
0x3aa: {  	v7 =	vld [tilespmem:s30+$0xFFFFFFE0];
	[tilespmem:v6+s17+$0x0] =	vst.idx.msk $0xf, v8  }
0x3ab: {  	v53 =	vld [tilespmem:$0x1FEF0];
	[tilespmem:v11+s17+$0x0] =	vst.idx.msk $0xf, v46  }
0x3ac: {  	v63 =	vadd.s32 s26, v52;
	v5 =	vld [tilespmem:$0x1FEB0];
	_ =	sdelay $0x1  }
0x3ad: {  	v10 =	vld [tilespmem:s0+$0x60];
	v56 =	vadd.s32 v51, v44  }
0x3ae: {  	v57 =	vld [tilespmem:s0+$0xFFFFFFE0]  }
0x3af: {  	v48 =	vld [tilespmem:s5+$0x60];
	v9 =	vmul.u32 $0x3, v9;
	v58 =	vadd.s32 v51, v45  }
0x3b0: {  	v50 =	vld [tilespmem:s5+$0xFFFFFFE0];
	v7 =	vmul.u32 $0x3, v7;
	v49 =	vadd.s32 v51, v43;
	[tilespmem:v63+s17+$0x0] =	vst.idx.msk $0xf, v5  }
0x3b1: {  	v4 =	vadd.s32 s25, v52;
	v6 =	vadd.s32 v59, v9;
	v46 =	vld [tilespmem:$0x1FEC0]  }
0x3b2: {  	v0 =	vadd.s32 v59, v7;
	v8 =	vmul.u32 $0x3, v10;
	v2 =	vld.idx.msk [tilespmem:v56+s3+$0x0], $0xf;
	v10 =	vadd.s32 s24, v53  }
0x3b3: {  	v42 =	vadd.s32 v51, v42  }
0x3b4: {  	v11 =	vmul.u32 $0x3, v57;
	v3 =	vld.idx.msk [tilespmem:v58+s3+$0x0], $0xf;
	v55 =	vadd.s32 s22, v53  }
0x3b5: {  	v43 =	vmul.u32 $0x3, v50;
	v56 =	vadd.s32 s26, v53;
	v5 =	vadd.s32 v59, v8;
	v1 =	vld.idx.msk [tilespmem:v49+s3+$0x0], $0xf  }
0x3b6: {  	v45 =	vmul.u32 $0x3, v48;
	v6 =	vld.idx.msk [tilespmem:v6+s3+$0x0], $0xf;
	v49 =	vadd.s32 s29, v61;
	[tilespmem:v4+s17+$0x0] =	vst.idx.msk $0xf, v46;
	v4 =	vadd.s32 v59, v11  }
0x3b7: {  	v0 =	vld.idx.msk [tilespmem:v0+s3+$0x0], $0xf;
	v63 =	vadd.s32 v59, v43;
	[tilespmem:v10+s17+$0x0] =	vst.idx.msk $0xf, v2;
	v10 =	vadd.s32 s28, v61  }
0x3b8: {  	v58 =	vadd.s32 v59, v45;
	v57 =	vadd.s32 s25, v53;
	v42 =	vld.idx.msk [tilespmem:v42+s3+$0x0], $0xf  }
0x3b9: {  	v54 =	vadd.s32 v60, v9;
	[tilespmem:v55+s17+$0x0] =	vst.idx.msk $0xf, v3  }
0x3ba: {  	v44 =	vadd.s32 s1, v61;
	v3 =	vadd.s32 v60, v7;
	v5 =	vld.idx.msk [tilespmem:v5+s3+$0x0], $0xf;
	[tilespmem:v56+s17+$0x0] =	vst.idx.msk $0xf, v1  }
0x3bb: {  	v55 =	vadd.s32 s10, v61;
	v1 =	vadd.s32 v60, v8;
	[tilespmem:v49+s17+$0x0] =	vst.idx.msk $0xf, v6;
	v4 =	vld.idx.msk [tilespmem:v4+s3+$0x0], $0xf  }
0x3bc: {  	v56 =	vadd.s32 v60, v11;
	v59 =	vld.idx.msk [tilespmem:v63+s3+$0x0], $0xf;
	v63 =	vadd.s32 s7, v61;
	[tilespmem:v10+s17+$0x0] =	vst.idx.msk $0xf, v0  }
0x3bd: {  	v10 =	vadd.s32 v60, v43;
	[tilespmem:v57+s17+$0x0] =	vst.idx.msk $0xf, v42;
	v57 =	vld.idx.msk [tilespmem:v58+s3+$0x0], $0xf;
	v58 =	vadd.s32 s8, v61  }
0x3be: {  	v6 =	vadd.s32 v60, v45;
	v2 =	vld.idx.msk [tilespmem:v54+s3+$0x0], $0xf;
	v54 =	vadd.s32 s29, v52  }
0x3bf: {  	[tilespmem:v44+s17+$0x0] =	vst.idx.msk $0xf, v5;
	v5 =	vadd.s32 v51, v9;
	v9 =	vadd.s32 s28, v52;
	v3 =	vld.idx.msk [tilespmem:v3+s3+$0x0], $0xf  }
0x3c0: {  	v1 =	vld.idx.msk [tilespmem:v1+s3+$0x0], $0xf;
	[tilespmem:v55+s17+$0x0] =	vst.idx.msk $0xf, v4;
	v4 =	vadd.s32 v51, v7;
	v7 =	vadd.s32 s1, v52  }
0x3c1: {  	[tilespmem:v63+s17+$0x0] =	vst.idx.msk $0xf, v59;
	v55 =	vadd.s32 s10, v52;
	v42 =	vld.idx.msk [tilespmem:v56+s3+$0x0], $0xf  }
0x3c2: {  	v8 =	vadd.s32 v51, v8;
	v10 =	vld.idx.msk [tilespmem:v10+s3+$0x0], $0xf;
	[tilespmem:v58+s17+$0x0] =	vst.idx.msk $0xf, v57;
	v58 =	vadd.s32 s7, v52  }
0x3c3: {  	v11 =	vadd.s32 v51, v11;
	[tilespmem:v54+s17+$0x0] =	vst.idx.msk $0xf, v2;
	v56 =	vadd.s32 s8, v52;
	v6 =	vld.idx.msk [tilespmem:v6+s3+$0x0], $0xf  }
0x3c4: {  	[tilespmem:v9+s17+$0x0] =	vst.idx.msk $0xf, v3;
	v59 =	vld.idx.msk [tilespmem:v5+s3+$0x0], $0xf;
	v5 =	vadd.s32 s29, v53;
	v9 =	vadd.s32 v51, v43  }
0x3c5: {  	v57 =	vadd.s32 v51, v45;
	[tilespmem:v7+s17+$0x0] =	vst.idx.msk $0xf, v1  }
0x3c6: {  	v60 =	vadd.s32 s28, v53;
	v4 =	vld.idx.msk [tilespmem:v4+s3+$0x0], $0xf;
	[tilespmem:v55+s17+$0x0] =	vst.idx.msk $0xf, v42  }
0x3c7: {  	v7 =	vld.idx.msk [tilespmem:v8+s3+$0x0], $0xf;
	v8 =	vadd.s32 s1, v53;
	[tilespmem:v58+s17+$0x0] =	vst.idx.msk $0xf, v10  }
0x3c8: {  	[tilespmem:v56+s17+$0x0] =	vst.idx.msk $0xf, v6;
	v6 =	vadd.s32 s10, v53;
	v11 =	vld.idx.msk [tilespmem:v11+s3+$0x0], $0xf  }
0x3c9: {  	v63 =	vadd.s32 s7, v53;
	[tilespmem:v5+s17+$0x0] =	vst.idx.msk $0xf, v59;
	v5 =	vld.idx.msk [tilespmem:v9+s3+$0x0], $0xf  }
0x3ca: {  	s31 =	sshll.u32 s23, $0x5;
	v61 =	vadd.s32 s8, v53;
	v0 =	vld.idx.msk [tilespmem:v57+s3+$0x0], $0xf  }
0x3cb: {  	s21 =	sadd.s32 $0x1, s21;
	s0 =	sadd.s32 s6, s31;
	[tilespmem:v60+s17+$0x0] =	vst.idx.msk $0xf, v4  }
0x3cc: {  	p0 =	sne.s32 s21, $0x64;
	s0 =	smul.u32 $0x12C, s0;
	[tilespmem:v8+s17+$0x0] =	vst.idx.msk $0xf, v7  }
.Ltmp2:
0x3cd: {  	[tilespmem:v6+s17+$0x0] =	vst.idx.msk $0xf, v11;
	(pc) =	sbr.rel @p0 .LBB2_2-.Ltmp2, $4  }
0x3ce: {  	[tilespmem:v63+s17+$0x0] =	vst.idx.msk $0xf, v5  }
0x3cf: {  	s0 =	sshrl.u32 s0, $0x3;
	[tilespmem:v61+s17+$0x0] =	vst.idx.msk $0xf, v0  }
0x3d0: {  	s0 =	sadd.s32 s2, s0;
	v6 =	vld [tilespmem:$0x1FF80]  }
0x3d1: {  	v9 =	vmov v38;
	v38 =	vmov v62;
	v8 =	vmov v36;
	[hbm4b:s0+s3] =	stream.linear.scatter [tilespmem:s17], [sflag:$0x4], $0x2580, $0x38;
	v7 =	vld [tilespmem:$0x1FF60]  }
0x3d2: {  	s0 =	simm.s32 $0x3  }
0x3d3: {  	_ =	swait.ge [sflag:s0], $0x2580  }
0x3d4: {  	[sflag:s0] =	ssyncset.done $0x0  }
0x3d5: {  	s1 =	simm.s32 $0x4;
	[sflag:s0] =	ssyncadd.s32 $0xFFFFDA80  }
0x3d6: {  	_ =	swait.ge [sflag:s1], $0x2580  }
0x3d7: {  	s20 =	sadd.s32 $0x1, s20;
	s31 =	rddreg [dreg:$0x5]  }
0x3d8: {  	p0 =	sne.s32 s20, s31  }
.Ltmp3:
0x3d9: {  	_ = 	snop;
	(pc) =	sbr.rel @p0 .LBB2_1-.Ltmp3, $3  }
0x3da: {  	_ =	sdelay $0x1  }
0x3db: {  	[sflag:s1] =	ssyncset.done $0x0  }
0x3dc: {  	[sflag:s1] =	ssyncadd.s32 $0xFFFFDA80  }
0x3dd: {  	_ =	sfence.sel $0x180000  }
0x3de: {  	[bflag:$0x0] =	sbarrier.arrive $0xFFFF  }
0x3df: {  	_ =	strace $0x90000047  }
0x3e0: {  	s0 =	stileid.u32;
	[bflag:$0x2] =	sbarrier.arrive $0xFFFF  }
0x3e1: {  	p0 =	sne.s32 s0, $0x0;
	s0 =	rddreg [dreg:$0x2]  }
0x3e2: {  	s0 =	sadd.s32 @!p0 $0x100000, s0  }
0x3e3: {  	[sflag:s0] =	ssyncadd.tile.s32 @!p0 $0x1;
	_ =	shalt  }
.Lfunc_end2:
_tile_overlayer_lowered:
.L_overlay_start_2:
0x3e4: {  	(tag) =	ssettag $0x2  }
0x3e5: {  	s0 =	rddreg [dreg:$0x0];
	s2 =	stileid.u32  }
0x3e6: {  	s1 =	rddreg [dreg:$0x1];
	p0 =	sne.s32 s2, $0x0  }
0x3e7: {  	s3 =	rddreg [dreg:$0x2];
	[bflag:$0x3] =	sbarrier.arrive $0xFFFF;
	s2 =	simm.s32 @!p0 $0x1C05  }
0x3e8: {  	[timem:s3], [sflag:s2] =	dma.local @!p0 [hbm:s0], s1  }
0x3e9: {  	s0 =	simm.s32 @!p0 $0x5  }
0x3ea: {  	_ =	swait.ge @!p0 [sflag:s0], s1  }
0x3eb: {  	s1 =	ssub.s32 @!p0 $0x0, s1;
	[sflag:s0] =	ssyncset.done @!p0 $0x0  }
0x3ec: {  	[sflag:s0] =	ssyncadd.s32 @!p0 s1  }
0x3ed: {  	[bflag:$0x3] =	sbarrier.arrive $0xFFFF  }
0x3ee: {  	_ =	shalt  }

// kernel: sparse-core-data-format-call.cloned.1.call-start
scs
called_computation_lowered:
.L_overlay_start_0:
0x0: {  	s2 =	sld [smem:$0x3FD9]  }
0x1: {  	s3 =	sld [smem:$0x3FFE];
	_ =	sdelay $0x1  }
0x2: {  	s1 =	srdreg.scid  }
0x3: {  	s0 =	sand.u32 $0x1, s1  }
0x4: {  	s18 =	sshll.u32 s0, $0xA;
	s2 =	sadd.s32 s3, s2  }
0x5: {  	s2 =	sadd.s32 s2, s18  }
0x6: {  	[smem:$0x3FC5] =	sst s2  }
0x7: {  	_ = 	snop  }
0x8: {  	s2 =	sld [smem:$0x3FD0];
	(tm) =	ssettm $0x1  }
0x9: {  	s19 =	sld [smem:$0x3FFB];
	_ =	sdelay $0x3  }
0xa: {  	_ =	strace s19  }
0xb: {  	s3 =	sld [smem:$0x3FFC];
	_ =	sdelay $0x3  }
0xc: {  	_ =	strace s3  }
0xd: {  	s3 =	sld [smem:$0x3FFD];
	_ =	sdelay $0x3  }
0xe: {  	_ =	strace s3  }
0xf: {  	_ =	strace $0x8FFFFFFF  }
0x10: {  	s20 =	sld [smem:$0x3FDB];
	_ =	sdelay $0x1  }
0x11: {  	s4 =	simm.s32 $_scs_section_size  }
0x12: {  	s5 =	simm.s32 $_size__tile_overlayer_lowered;
	s6 =	simm.s32 $_tile_overlayer_lowered  }
0x13: {  	s23 =	simm.s32 $0x1BFF;
	s22 =	sshll.u32 s6, $0x1;
	s3 =	sadd.s32 s4, s20  }
0x14: {  	s7 =	simm.s32 $0x0;
	s21 =	sshll.u32 s5, $0x1;
	s5 =	sadd.s32 s22, s3  }
0x15: {  	[timem:s7], [sflag:s23] =	dma.local [hbm:s5], s21  }
0x16: {  	_ =	swait.ge [sflag:s23], s21  }
0x17: {  	s4 =	ssub.s32 $0x0, s21;
	[sflag:s23] =	ssyncset.done $0x0  }
0x18: {  	[sflag:s23] =	ssyncadd.s32 s4;
	_ =	sdelay $0x1  }
0x19: {  	s24 =	simm.s32 $0x1B8B  }
0x1a: {  	_ =	swait.ge [sflag:s24], $0x1  }
0x1b: {  	[sflag:s24] =	ssyncset.done $0x0  }
0x1c: {  	s26 =	simm.s32 $0x1B8E;
	s25 =	sld [smem:$0x3FFE];
	[sflag:s24] =	ssyncadd.s32 $0xFFFFFFFF  }
0x1d: {  	s27 =	simm.s32 $execute0_lowered;
	[smem:$0x3FD2] =	sst s26  }
0x1e: {  	s5 =	sshll.u32 s27, $0x1;
	_ =	strace $0x80000049;
	[dreg:$0x1] =	wrdreg $0xFFFFFFFF  }
0x1f: {  	s28 =	simm.s32 $_size_execute0_lowered;
	s3 =	sadd.s32 s3, s5;
	[dreg:$0x0] =	wrdreg $0x0  }
0x20: {  	s5 =	sshll.u32 s28, $0x1;
	[dreg:$0x2] =	wrdreg s3  }
0x21: {  	[dreg:$0x3] =	wrdreg s5  }
0x22: {  	[dreg:$0x4] =	wrdreg $0xC0  }
0x23: {  	_ =	task [dreg:s7], $0x5FFFF  }
0x24: {  	[dreg:$0x1] =	wrdreg $0xFFFFFFFF  }
0x25: {  	[dreg:$0x0] =	wrdreg $0x60  }
0x26: {  	[dreg:$0x2] =	wrdreg s25  }
0x27: {  	[dreg:$0x3] =	wrdreg s2  }
0x28: {  	[dreg:$0x4] =	wrdreg $0x9  }
0x29: {  	_ =	task.clear_ibuf [dreg:s7], $0x5FFFF;
	_ =	strace $0x90000049  }
0x2a: {  	s29 =	simm.s32 $0x9;
	_ =	strace $0x8000004B  }
0x2b: {  	_ =	swait.ge [sflag:s29], $0x1  }
0x2c: {  	[sflag:s29] =	ssyncadd.s32 $0xFFFFFFFF  }
0x2d: {  	_ =	strace $0x9000004B  }
0x2e: {  	_ =	sfence  }
0x2f: {  	s30 =	sld [smem:$0x0];
	_ =	sdelay $0x2  }
0x30: {  	s31 =	sshll.u32 s1, $0xD;
	s1 =	sshrl.u32 s1, $0x2  }
0x31: {  	s3 =	sand.u32 $0x4000, s31;
	s1 =	sadd.s32 s1, s30  }
0x32: {  	s0 =	sor.u32 s3, s0;
	s1 =	sshll.u32 s1, $0x11  }
0x33: {  	s0 =	sor.u32 s1, s0  }
0x34: {  	s0 =	sadd.s32 $0x8F2B, s0  }
0x35: {  	[sflag:s0] =	ssyncadd.remote.s32 $0x1  }
0x36: {  	_ =	sfence.sel $0xFFFF  }
0x37: {  	[dreg:$0x0] =	wrdreg $0xFFFFFFFF;
	(pc) =	sbr.abs _section_cstart, $3  }
0x38: {  	[dreg:$0x1] =	wrdreg $0xFFFFFFFF  }
0x39: {  	_ =	task.clear_ibuf [dreg:s7], $0x2FFFF;
	_ =	strace $0x9FFFFFFF  }
0x3a: {  	(tm) =	ssettm $0x7FFFFFFF  }
0x3b: {  	_ =	shalt  }
tec
execute0_lowered:
.L_overlay_start_1:
0x0: {  	(tag) =	ssettag $0x1  }
0x1: {  	s0 =	srdreg.scid;
	s6 =	rddreg [dreg:$0x0]  }
0x2: {  	s3 =	rddreg [dreg:$0x1];
	s1 =	sshll.u32 s0, $0x4  }
0x3: {  	s5 =	simm.s32 $0x1;
	s0 =	stileid.u32;
	s1 =	sand.u32 $0x10, s1  }
0x4: {  	s31 =	simm.s32 $0x2;
	s16 =	simm.s32 $0x0;
	s1 =	sor.u32 s0, s1  }
0x5: {  	s8 =	simm.s32 $0x8000;
	s18 =	simm.s32 $0x0;
	s2 =	sshll.u32 s1, $0x7  }
0x6: {  	s17 =	simm.s32 $0x0;
	s9 =	simm.s32 $0x0;
	s4 =	ssub.s32 $0x1000, s2  }
0x7: {  	s10 =	simm.s32 $0x0;
	s11 =	simm.s32 $0x0;
	s30 =	sand.u32 $0xF80, s4  }
0x8: {  	s12 =	simm.s32 $0x0;
	s13 =	simm.s32 $0x0;
	p0 =	sne.s32 s30, $0x0  }
.Ltmp0:
0x9: {  	s7 =	sshrl.u32 s4, $0xC;
	s5 =	simm.s32 @!p0 $0x0;
	(pc) =	sbr.rel .LBB1_1-.Ltmp0, $4  }
0xa: {  	s15 =	simm.s32 $0x0;
	s1 =	rddreg [dreg:$0x2];
	s5 =	sadd.s32 s5, s7  }
0xb: {  	_ =	strace $0x8000004A;
	s4 =	simm.s32 $0x1;
	s5 =	smul.u32 $0x96, s5  }
0xc: {  	s6 =	sadd.s32 $0xA00, s6;
	s14 =	smov.u32 s2;
	[sflag:s4] =	ssyncpa.u1 $0x0  }
0xd: {  	[sflag:s31] =	ssyncpa.u1 $0x0;
	p0 =	por $0x0, $0x0;
	s7 =	sor.u32 $0x1, s5  }
.LBB1_4:
0xe: {  	s23 =	sshra.s32 s23, $0x2;
	s30 =	sshll.u32 s9, $0xC  }
0xf: {  	p1 =	sgt.s32 s10, $0x31;
	s24 =	smov.u32 s10;
	s25 =	sshra.s32 s10, $0x1F  }
0x10: {  	s26 =	sshll.u32 s11, $0x3;
	s28 =	smov.u32 s11;
	s29 =	sshra.s32 s11, $0x1F  }
0x11: {  	s22 =	sadd.s32 s23, s22;
	s24 =	simm.s32 @!p1 $0x31;
	s25 =	sand.u32 s25, s10  }
0x12: {  	s23 =	sand.u32 $0xFFFF8000, s30;
	s27 =	sand.u32 $0xFFFFFC00, s26;
	p1 =	sgt.s32 s9, $0xB0  }
0x13: {  	s31 =	sand.u32 s29, s11;
	s29 =	sshll.u32 s9, $0x7;
	s30 =	sshra.s32 s9, $0x1F  }
0x14: {  	[tilespmem:s21+$0x2040 ss:$0x81] =	vst.msk $0xffff, v4;
	s24 =	ssub.s32 s24, s25;
	s23 =	sadd.s32 s27, s23;
	s27 =	smov.u32 s9  }
0x15: {  	[tilespmem:s21+$0x2850 ss:$0x81] =	vst.msk $0xffff, v3;
	s29 =	sand.u32 $0x380, s29;
	s25 =	sadd.s32 $0xFFFFFFCF, s24;
	s27 =	simm.s32 @!p1 $0xB0  }
0x16: {  	v5 =	vld [tilespmem:s20+$0xFFFFFFD0];
	[tilespmem:s21+$0x3060 ss:$0x81] =	vst.msk $0xffff, v2;
	p1 =	sgt.s32 s11, $0xF80;
	s23 =	sshrl.u32 s23, $0xC;
	s24 =	ssub.s32 $0x32, s24  }
0x17: {  	v58 =	vld [tilespmem:s20+$0xFFFFFFE0];
	[tilespmem:s21+$0x0 ss:$0x81] =	vst.msk $0xffff, v1;
	s28 =	simm.s32 @!p1 $0xF80;
	p1 =	sgt.s32 s25, $0x0;
	s21 =	smulhi.u32 $0xD79436, s23  }
0x18: {  	v59 =	vld [tilespmem:s20+$0xFFFFFFF0];
	s25 =	ssub.s32 s28, s31;
	s28 =	sand.u32 s30, s9;
	s24 =	simm.s32 @p1 $0x0  }
0x19: {  	v60 =	vld [tilespmem:s20+$0x0];
	s27 =	ssub.s32 s27, s28;
	s31 =	sadd.s32 $0xFFFFF080, s25;
	s25 =	ssub.s32 $0x1000, s25  }
0x1a: {  	v61 =	vld [tilespmem:s20+$0x10];
	[tilespmem:s22+$0x3870 ss:$0x81] =	vst.msk $0xffff, v0;
	s21 =	smul.u32 $0x130, s21;
	s28 =	sand.u32 $0x7, s11;
	p1 =	sgt.s32 s31, $0x7F  }
0x1b: {  	v62 =	vld [tilespmem:s20+$0x20];
	[tilespmem:s22+$0x810 ss:$0x81] =	vst.msk $0xffff, v5;
	s30 =	sadd.s32 $0xFFFFFF50, s27;
	s31 =	sand.u32 $0x78, s11;
	s25 =	simm.s32 @p1 $0x0  }
0x1c: {  	v63 =	vld [tilespmem:s20+$0xFFFFFFC0];
	[tilespmem:s22+$0x1020 ss:$0x81] =	vst.msk $0xffff, v58;
	p1 =	sgt.s32 s30, $0x7F;
	s30 =	sand.u32 $0xC00, s26;
	s24 =	smul.u32 s25, s24  }
0x1d: {  	[tilespmem:s22+$0x1830 ss:$0x81] =	vst.msk $0xffff, v59;
	s26 =	ssub.s32 $0x130, s27;
	s20 =	sor.u32 s31, s30;
	s31 =	smul.u32 $0x26000, s10  }
0x1e: {  	[tilespmem:s22+$0x2040 ss:$0x81] =	vst.msk $0xffff, v60;
	s21 =	ssub.s32 s23, s21;
	s26 =	simm.s32 @p1 $0x0;
	s20 =	sor.u32 s29, s20  }
0x1f: {  	[tilespmem:s22+$0x2850 ss:$0x81] =	vst.msk $0xffff, v61;
	s26 =	smul.u32 s26, s24;
	s20 =	sshrl.u32 s20, $0x3;
	s27 =	sadd.s32 s3, s31  }
0x20: {  	[tilespmem:s22+$0x3060 ss:$0x81] =	vst.msk $0xffff, v62;
	s21 =	sshll.u32 s21, $0x9;
	s29 =	sshll.u32 s28, $0x12;
	s20 =	sadd.s32 s20, s27  }
0x21: {  	[tilespmem:s22+$0x0 ss:$0x81] =	vst.msk $0xffff, v63;
	s31 =	sor.u32 $0x400, s29;
	s30 =	sand.u32 $0x3FFFFFFF, s26;
	s20 =	sadd.s32 s21, s20  }
0x22: {  	[hbm4b:s20+s31] =	stream.strided.scatter [tilespmem:s19], [sflag:$0x2], s30, s8, s31, $0x20;
	[tilespmem:$0x10100] =	vst v63  }
.LBB1_5:
0x23: {  	p1 =	slt.u32 s15, $0x2  }
0x24: {  	p2 =	sgt.s32 @!p1 s18, $0x31  }
0x25: {  	s19 =	smov.u32 s18;
	s20 =	sshra.s32 @!p1 s18, $0x1F;
	p2 =	por !p2, p1  }
0x26: {  	s18 =	sand.u32 @!p1 s20, s18;
	s19 =	simm.s32 @p2 $0x31  }
0x27: {  	p3 =	sgt.s32 @!p1 s16, $0xB0;
	s18 =	ssub.s32 @!p1 s19, s18  }
0x28: {  	p4 =	sgt.s32 @!p1 s17, $0xF80;
	s21 =	sshra.s32 @!p1 s17, $0x1F;
	s19 =	sadd.s32 @!p1 $0xFFFFFFCF, s18  }
0x29: {  	s20 =	smov.u32 s16;
	p2 =	sgt.s32 @!p1 s19, $0x0;
	s19 =	sshra.s32 @!p1 s16, $0x1F  }
0x2a: {  	p4 =	por !p4, p1;
	s16 =	sand.u32 @!p1 s19, s16;
	s19 =	smov.u32 s17  }
0x2b: {  	p3 =	por !p3, p1;
	s17 =	sand.u32 @!p1 s21, s17;
	s19 =	simm.s32 @p4 $0xF80  }
0x2c: {  	s20 =	simm.s32 @p3 $0xB0;
	s18 =	ssub.s32 @!p1 $0x32, s18;
	s17 =	ssub.s32 @!p1 s19, s17  }
0x2d: {  	p2 =	por !p2, p1;
	s16 =	ssub.s32 @!p1 s20, s16;
	s20 =	sadd.s32 @!p1 $0xFFFFF080, s17  }
0x2e: {  	s18 =	simm.s32 @!p2 $0x0;
	p3 =	sgt.s32 @!p1 s20, $0x7F  }
0x2f: {  	s19 =	sadd.s32 @!p1 $0xFFFFFF50, s16;
	s17 =	ssub.s32 @!p1 $0x1000, s17;
	p3 =	por !p3, p1  }
0x30: {  	p2 =	sgt.s32 @!p1 s19, $0x7F;
	s19 =	sadd.s32 $0x80, s12;
	s17 =	simm.s32 @!p3 $0x0  }
0x31: {  	p3 =	sgt.s32 s19, $0x12B;
	s17 =	smul.u32 @!p1 s17, s18;
	s18 =	simm.s32 $0x1  }
0x32: {  	s16 =	ssub.s32 @!p1 $0x130, s16;
	p2 =	por !p2, p1;
	s18 =	simm.s32 @!p3 $0x0  }
0x33: {  	s21 =	smov.u32 s14;
	s16 =	simm.s32 @!p2 $0x0;
	s20 =	sadd.s32 s18, s13  }
0x34: {  	s16 =	smul.u32 @!p1 s16, s17;
	s17 =	sadd.s32 $0x1000, s14;
	p2 =	sgt.s32 s20, $0x31  }
0x35: {  	p0 =	por !p0, !p0;
	s22 =	simm.s32 @!p1 $0x2;
	s21 =	smov.u32 @p2 s17  }
0x36: {  	s19 =	simm.s32 @p3 $0x0;
	s20 =	simm.s32 @p2 $0x0;
	p2 =	sgt.s32 s21, $0xFFF  }
0x37: {  	s18 =	smov.u32 s10;
	s21 =	smov.u32 @p2 s2;
	p2 =	sne.s32 s15, s7  }
.Ltmp1:
0x38: {  	s10 =	smov.u32 s13;
	s16 =	sand.u32 @!p1 $0x3FFFFFFF, s16;
	(pc) =	sbr.rel @!p2 .LBB1_6-.Ltmp1, $4  }
0x39: {  	s17 =	smov.u32 s11;
	s11 =	smov.u32 s14;
	_ =	swait.ge @!p1 [sflag:s22], s16  }
0x3a: {  	s23 =	ssub.s32 @!p1 $0x0, s16;
	s16 =	smov.u32 s9;
	s9 =	smov.u32 s12  }
0x3b: {  	s12 =	smov.u32 s19;
	s13 =	smov.u32 s20;
	[sflag:s22] =	ssyncset.done @!p1 $0x0  }
0x3c: {  	s15 =	sadd.s32 $0x1, s15;
	[sflag:s22] =	ssyncadd.s32 @!p1 s23;
	s14 =	smov.u32 s21  }
.LBB1_1:
0x3d: {  	p1 =	sge.u32 s15, s5  }
0x3e: {  	s19 =	sshrl.u32 @!p1 s13, $0x3  }
0x3f: {  	s20 =	sshll.u32 @!p1 s12, $0x3;
	s19 =	smul.u32 @!p1 $0xC00, s19  }
0x40: {  	s21 =	sshll.u32 @!p1 s13, $0x7;
	s20 =	sand.u32 @!p1 $0xFFFFFC00, s20  }
0x41: {  	s19 =	sadd.s32 @!p1 s19, s20;
	s20 =	sand.u32 @!p1 $0x380, s21  }
0x42: {  	s19 =	sor.u32 @!p1 s20, s19  }
0x43: {  	s20 =	sand.u32 @!p1 $0x7F, s12;
	s21 =	smulhi.u32 @!p1 $0xAAAAAAAB, s19  }
0x44: {  	s19 =	sor.u32 @!p1 s20, s19  }
0x45: {  	s20 =	smulhi.u32 @!p1 $0xAAAAAAAB, s19;
	s21 =	sshrl.u32 @!p1 s21, $0x8  }
0x46: {  	s22 =	smulhi.u32 @!p1 $0x4924925, s21;
	_ =	sdelay $0x1  }
0x47: {  	s20 =	sshrl.u32 @!p1 s20, $0x8;
	s22 =	smul.u32 @!p1 $0x38, s22  }
0x48: {  	s31 =	sadd.s32 $0xFFFFFFFF, s15;
	s20 =	smul.u32 @!p1 $0x180, s20  }
0x49: {  	s23 =	sxor.u32 @!p1 $0xFFFFFFFF, s15;
	s21 =	ssub.s32 @!p1 s21, s22;
	s22 =	smul.u32 @!p1 $0xA80, s14  }
0x4a: {  	s23 =	sshll.u32 @!p1 s23, $0xE;
	s19 =	ssub.s32 @!p1 s19, s20;
	s20 =	smul.u32 @!p1 $0x30, s21  }
0x4b: {  	s21 =	sand.u32 @!p1 $0x4000, s23;
	s23 =	sand.u32 @!p1 $0x7, s19;
	s22 =	sadd.s32 @!p1 s6, s22  }
0x4c: {  	s19 =	sshrl.u32 @!p1 s19, $0x3;
	s20 =	sadd.s32 @!p1 s20, s22;
	s22 =	sshll.u32 @!p1 s23, $0x12  }
0x4d: {  	s19 =	sadd.s32 @!p1 s19, s20;
	s20 =	sor.u32 @!p1 $0x80, s22;
	s22 =	simm.s32 @!p1 $0x5400  }
0x4e: {  	[tilespmem:s21], [sflag:$0x1] =	stream.strided.gather @!p1 [hbm4b:s19+s20], $0x4000, s22, s20, $0x38;
	[tilespmem:$0x10100] =	vst v63  }
0x4f: {  	p1 =	sge.u32 s31, s5  }
.Ltmp2:
0x50: {  	_ = 	snop;
	(pc) =	sbr.rel @p1 .LBB1_5-.Ltmp2, $1  }
0x51: {  	_ =	sdelay $0x3  }
0x52: {  	s19 =	simm.s32 $0x1  }
0x53: {  	_ =	swait.ge [sflag:s4], $0x4000;
	s19 =	simm.s32 @!p0 $0x0  }
0x54: {  	[sflag:s4] =	ssyncset.done $0x0;
	s20 =	sshll.u32 s19, $0xE  }
0x55: {  	[sflag:s4] =	ssyncadd.s32 $0xFFFFC000;
	s20 =	sor.u32 $0x40, s20  }
0x56: {  	s19 =	smul.u32 $0x10200, s19;
	v0 =	vld [tilespmem:s20+$0x30]  }
0x57: {  	v1 =	vld [tilespmem:s20+$0xFFFFFFD0]  }
0x58: {  	s19 =	sshrl.u32 s19, $0x2;
	v5 =	vld [tilespmem:s20+$0xFFFFFFE0]  }
0x59: {  	v6 =	vld [tilespmem:s20+$0xFFFFFFF0];
	s22 =	sor.u32 $0x8000, s19  }
0x5a: {  	s31 =	sand.u32 $0x1, s15;
	v4 =	vld [tilespmem:s20+$0x0];
	s21 =	sadd.s32 $0x0, s22  }
0x5b: {  	v3 =	vld [tilespmem:s20+$0x10];
	s19 =	smul.u32 $0x10200, s31;
	[tilespmem:s21+$0x3870 ss:$0x81] =	vst.msk $0xffff, v0  }
0x5c: {  	v2 =	vld [tilespmem:s20+$0x20];
	[tilespmem:s21+$0x810 ss:$0x81] =	vst.msk $0xffff, v1  }
0x5d: {  	s19 =	sshrl.u32 s19, $0x2;
	v1 =	vld [tilespmem:s20+$0xFFFFFFC0];
	[tilespmem:s21+$0x1020 ss:$0x81] =	vst.msk $0xffff, v5;
	s20 =	sadd.s32 $0x80, s20  }
0x5e: {  	s23 =	simm.s32 $0x4;
	s24 =	simm.s32 $0x8;
	s19 =	sor.u32 $0x8000, s19;
	[tilespmem:s21+$0x1830 ss:$0x81] =	vst.msk $0xffff, v6;
	v0 =	vld [tilespmem:s20+$0x30]  }
.LBB1_3:
0x5f: {  	p1 =	sne.s32 s24, $0x1FC;
	v5 =	vld [tilespmem:s20+$0xFFFFFFD0];
	[tilespmem:s21+$0x2040 ss:$0x81] =	vst.msk $0xffff, v4  }
0x60: {  	v6 =	vld [tilespmem:s20+$0xFFFFFFE0];
	[tilespmem:s21+$0x2850 ss:$0x81] =	vst.msk $0xffff, v3  }
0x61: {  	s25 =	sshra.s32 s23, $0x2;
	s23 =	smov.u32 s24;
	v7 =	vld [tilespmem:s20+$0xFFFFFFF0];
	[tilespmem:s21+$0x3060 ss:$0x81] =	vst.msk $0xffff, v2  }
.Ltmp3:
0x62: {  	v4 =	vld [tilespmem:s20+$0x0];
	[tilespmem:s21+$0x0 ss:$0x81] =	vst.msk $0xffff, v1;
	s21 =	sadd.s32 s25, s22;
	(pc) =	sbr.rel @p1 .LBB1_3-.Ltmp3, $4  }
0x63: {  	v3 =	vld [tilespmem:s20+$0x10];
	[tilespmem:s21+$0x3870 ss:$0x81] =	vst.msk $0xffff, v0  }
0x64: {  	[tilespmem:s21+$0x810 ss:$0x81] =	vst.msk $0xffff, v5;
	v2 =	vld [tilespmem:s20+$0x20]  }
0x65: {  	v1 =	vld [tilespmem:s20+$0xFFFFFFC0];
	[tilespmem:s21+$0x1020 ss:$0x81] =	vst.msk $0xffff, v6;
	s20 =	sadd.s32 $0x80, s20  }
0x66: {  	s24 =	sadd.s32 $0x4, s24;
	v0 =	vld [tilespmem:s20+$0x30];
	[tilespmem:s21+$0x1830 ss:$0x81] =	vst.msk $0xffff, v7  }
.Ltmp4:
0x67: {  	_ = 	snop;
	(pc) =	sbr.rel .LBB1_4-.Ltmp4, $1  }
0x68: {  	_ =	sdelay $0x3  }
.LBB1_6:
0x69: {  	_ =	sfence.sel $0x180000  }
0x6a: {  	s2 =	simm.s32 $0x1;
	[bflag:$0x0] =	sbarrier.arrive $0xFFFF  }
0x6b: {  	s31 =	simm.s32 $0x2;
	[sflag:s2] =	ssyncpa.u1 $0x1  }
0x6c: {  	[sflag:s31] =	ssyncpa.u1 $0x1  }
0x6d: {  	p0 =	sne.s32 s0, $0x0;
	_ =	strace $0x9000004A  }
0x6e: {  	s0 =	sadd.s32 @!p0 $0x100000, s1;
	[bflag:$0x2] =	sbarrier.arrive $0xFFFF  }
0x6f: {  	[sflag:s0] =	ssyncadd.tile.s32 @!p0 $0x1;
	_ =	shalt  }
.Lfunc_end1:
_tile_overlayer_lowered:
.L_overlay_start_2:
0x70: {  	(tag) =	ssettag $0x2  }
0x71: {  	s0 =	rddreg [dreg:$0x0];
	s2 =	stileid.u32  }
0x72: {  	s1 =	rddreg [dreg:$0x1];
	p0 =	sne.s32 s2, $0x0  }
0x73: {  	s3 =	rddreg [dreg:$0x2];
	[bflag:$0x3] =	sbarrier.arrive $0xFFFF;
	s2 =	simm.s32 @!p0 $0x1C01  }
0x74: {  	[timem:s3], [sflag:s2] =	dma.local @!p0 [hbm:s0], s1  }
0x75: {  	s0 =	simm.s32 @!p0 $0x1  }
0x76: {  	_ =	swait.ge @!p0 [sflag:s0], s1  }
0x77: {  	s1 =	ssub.s32 @!p0 $0x0, s1;
	[sflag:s0] =	ssyncset.done @!p0 $0x0  }
0x78: {  	[sflag:s0] =	ssyncadd.s32 @!p0 s1  }
0x79: {  	[bflag:$0x3] =	sbarrier.arrive $0xFFFF  }
0x7a: {  	_ =	shalt  }

</sc_bundles>
